<compile_context>
chip_gen: v7x
topology: tpu7x:2x2x1
jax: 0.10.2.dev20260603
libtpu: 0.0.44.dev20260713+nightly
codegen_flags: <defaults>
</compile_context>

<pallas_src>
import functools

import jax
import jax.numpy as jnp
from jax import lax
from jax.experimental import pallas as pl
from jax.experimental.pallas import tpu as pltpu
from jax.experimental.pallas import tpu_sc as plsc

_N_NEUR = 16384
_NUM_MD = 1024
_ALPHA = 0.001 / (0.02 * 4)

_SC_ROWS = 512
_TC_ROWS = _NUM_MD - _SC_ROWS
_TC_ROW_BLOCK = 128
_TC_N_BLOCKS = _TC_ROWS // _TC_ROW_BLOCK

_NC = 2
_NS = 16
_NW = _NC * _NS
_RPW = _SC_ROWS // _NW
_LANES = 16


_CK = 1024
_N_CHUNKS = _N_NEUR // _CK
_UNROLL = 4


def _sc_lane_sum(a):
    lane = lax.broadcasted_iota(jnp.int32, (_LANES,), 0)
    dnums = lax.GatherDimensionNumbers(
        offset_dims=(), collapsed_slice_dims=(0,), start_index_map=(0,))
    for sh in (8, 4, 2, 1):
        perm = (lane ^ sh).reshape(_LANES, 1)
        a = a + lax.gather(a, perm, dnums, slice_sizes=(1,),
                           mode=lax.GatherScatterMode.PROMISE_IN_BOUNDS)
    return a


def _sc_matvec_body(w_hbm, x_hbm, out_hbm, x_v, w_v0, w_v1, res_v, sem0, sem1):
    wid = lax.axis_index("s") * _NC + lax.axis_index("c")
    base = wid * _RPW
    pltpu.sync_copy(x_hbm, x_v)

    w_bufs = (w_v0, w_v1)
    sems = (sem0, sem1)

    def start_chunk(ci, b):
        pltpu.make_async_copy(
            w_hbm.at[pl.ds(base, _RPW), pl.ds(ci * _CK, _CK)],
            w_bufs[b], sems[b]).start()

    start_chunk(0, 0)
    start_chunk(1, 1)

    def compute_chunk(ci, b, accs):
        w_v = w_bufs[b]
        pltpu.make_async_copy(
            w_hbm.at[pl.ds(base, _RPW), pl.ds(0, _CK)],
            w_v, sems[b]).wait()

        def body(j, accs):
            col = ci * _CK + j * (_UNROLL * _LANES)
            wcol = j * (_UNROLL * _LANES)
            accs = list(accs)
            for t in range(_UNROLL):
                xv = x_v[pl.ds(col + t * _LANES, _LANES)]
                for r in range(_RPW):
                    accs[r] += w_v[r, pl.ds(wcol + t * _LANES, _LANES)] * xv
            return tuple(accs)

        return lax.fori_loop(0, _CK // (_UNROLL * _LANES), body, accs)

    def pair_body(g, accs):
        ci = 2 * g
        accs = compute_chunk(ci, 0, accs)

        @pl.when(ci + 2 < _N_CHUNKS)
        def _():
            start_chunk(ci + 2, 0)

        accs = compute_chunk(ci + 1, 1, accs)

        @pl.when(ci + 3 < _N_CHUNKS)
        def _():
            start_chunk(ci + 3, 1)

        return accs

    z = jnp.zeros((_LANES,), jnp.float32)
    accs = lax.fori_loop(0, _N_CHUNKS // 2, pair_body, (z,) * _RPW)

    lane = lax.broadcasted_iota(jnp.int32, (_LANES,), 0)
    res = jnp.zeros((_LANES,), jnp.float32)
    for r in range(_RPW):
        res = jnp.where(lane == r, _sc_lane_sum(accs[r]), res)

    res_v[...] = res
    pltpu.sync_copy(res_v, out_hbm.at[pl.ds(wid * _RPW, _RPW)])


_sc_matvec = functools.partial(
    pl.kernel,
    out_type=jax.ShapeDtypeStruct((_SC_ROWS,), jnp.float32),
    mesh=plsc.VectorSubcoreMesh(core_axis_name="c", subcore_axis_name="s",
                                num_cores=_NC, num_subcores=_NS),
    scratch_types=[
        pltpu.VMEM((_N_NEUR,), jnp.float32),
        pltpu.VMEM((_RPW, _CK), jnp.float32),
        pltpu.VMEM((_RPW, _CK), jnp.float32),
        pltpu.VMEM((_LANES,), jnp.float32),
        pltpu.SemaphoreType.DMA,
        pltpu.SemaphoreType.DMA,
    ],
)(_sc_matvec_body)


def _tc_matvec_kernel(x_ref, w_ref, md_ref, out_ref):
    i = pl.program_id(0)
    mv = jax.lax.dot_general(
        x_ref[...], w_ref[...], (((1,), (1,)), ((), ())),
        preferred_element_type=jnp.float32)
    md = md_ref[pl.ds(i, 1), :]
    out_ref[pl.ds(i, 1), :] = md * (1.0 - _ALPHA) + _ALPHA * mv


def _wta_kernel(sc_ref, tc_ref, md_ref, out_ref):
    low = md_ref[0:_SC_ROWS // 128, :] * (1.0 - _ALPHA) + _ALPHA * sc_ref[...]
    v = jnp.concatenate([low, tc_ref[...]], axis=0)
    m1 = jnp.max(v)
    is_max = v == m1
    cnt = jnp.sum(is_max.astype(jnp.float32))
    m2 = jnp.max(jnp.where(is_max, jnp.finfo(jnp.float32).min, v))
    thr = jnp.where(cnt >= 2.0, m1, (m1 + m2) * 0.5)
    out_ref[...] = jnp.where(v >= thr, 1.0, 0.0)


def kernel(input, wPFC2MD, MDinp):
    x2 = input.reshape(1, _N_NEUR)
    md2 = MDinp.reshape(_NUM_MD // 128, 128)

    sc_dots = _sc_matvec(wPFC2MD, input)

    tc_md = pl.pallas_call(
        _tc_matvec_kernel,
        grid=(_TC_N_BLOCKS,),
        in_specs=[
            pl.BlockSpec((1, _N_NEUR), lambda i: (0, 0)),
            pl.BlockSpec((_TC_ROW_BLOCK, _N_NEUR),
                         lambda i: (i + _SC_ROWS // _TC_ROW_BLOCK, 0)),
            pl.BlockSpec((_TC_ROWS // 128, 128), lambda i: (0, 0)),
        ],
        out_specs=pl.BlockSpec((_TC_ROWS // 128, 128), lambda i: (0, 0)),
        out_shape=jax.ShapeDtypeStruct((_TC_ROWS // 128, 128), jnp.float32),
    )(x2, wPFC2MD, md2[_SC_ROWS // 128:])

    out = pl.pallas_call(
        _wta_kernel,
        in_specs=[
            pl.BlockSpec((_SC_ROWS // 128, 128), lambda: (0, 0)),
            pl.BlockSpec((_TC_ROWS // 128, 128), lambda: (0, 0)),
            pl.BlockSpec((_NUM_MD // 128, 128), lambda: (0, 0)),
        ],
        out_specs=pl.BlockSpec((_NUM_MD // 128, 128), lambda: (0, 0)),
        out_shape=jax.ShapeDtypeStruct((_NUM_MD // 128, 128), jnp.float32),
    )(sc_dots.reshape(_SC_ROWS // 128, 128), tc_md, md2)
    return out.reshape(_NUM_MD)

# --- scband reference (transcript-rebuilt; emitter-appended) ---
"""Pipeline reference for scband-pytorch-md-15650860826882 (READ-ONLY COPY).

The authoritative reference and input builder live on the scoring server;
editing this copy changes nothing except your own understanding.
"""

import jax, jax.numpy as jnp
import numpy as np

Nneur = 16384
Num_MD = 1024
num_active = 1
dt = 0.001
tau = 0.02
tau_times = 4
tauMD = tau * tau_times  # positiveRates=True


def setup_inputs(seed: int = 0) -> dict:
    key = jax.random.key(seed)
    k1, k2 = jax.random.split(key)
    inp = jax.random.normal(k1, (Nneur,), dtype=jnp.float32)
    # learned/state parameters sized per init_kwargs
    wPFC2MD = jax.random.normal(k2, (Num_MD, Nneur), dtype=jnp.float32) / np.sqrt(Num_MD * Nneur)
    MDinp = jnp.zeros((Num_MD,), dtype=jnp.float32)  # init_activity()
    return {"input": inp, "wPFC2MD": wPFC2MD, "MDinp": MDinp}


def winner_take_all(MDinp):
    MDinp_sorted = jnp.sort(MDinp)
    MDthreshold = jnp.mean(MDinp_sorted[-int(num_active) * 2:])
    MDout = jnp.where(MDinp >= MDthreshold, 1.0, 0.0).astype(jnp.float32)
    return MDout


def reference(input, wPFC2MD, MDinp):
    # positiveRates branch: leaky integration of PFC drive into MD
    MDinp_new = MDinp + dt / tauMD * (-MDinp + jnp.matmul(wPFC2MD, input))
    MDout = winner_take_all(MDinp_new)
    return MDout

if __name__ == "__main__":
    import jax
    _d = setup_inputs()
    print(jax.jit(kernel)(*tuple(_d.values())))

</pallas_src>

<mosaic_0001>
#map = affine_map<(d0, d1) -> (0, 0)>
#map1 = affine_map<(d0, d1) -> (0)>
module attributes {stable_mosaic.version = 14 : i64} {
  func.func @_sc_matvec_body(%arg0: i32, %arg1: i32, %arg2: memref<1024x16384xf32, #tpu.memory_space<hbm>>, %arg3: memref<16384xf32, #tpu.memory_space<hbm>>, %arg4: memref<512xf32, #tpu.memory_space<hbm>>, %arg5: memref<16384xf32, #tpu.memory_space<vmem>>, %arg6: memref<16x1024xf32, #tpu.memory_space<vmem>>, %arg7: memref<16x1024xf32, #tpu.memory_space<vmem>>, %arg8: memref<16xf32, #tpu.memory_space<vmem>>, %arg9: memref<!tpu.dma_semaphore, #tpu.memory_space<semaphore_mem>>, %arg10: memref<!tpu.dma_semaphore, #tpu.memory_space<semaphore_mem>>) attributes {dimension_semantics = [#tpu.dimension_semantics<core_parallel>, #tpu.dimension_semantics<subcore_parallel>], iteration_bounds = array<i64: 2, 16>, scalar_prefetch = 0 : i64, scratch_operands = 6 : i64, tpu.core_type = #tpu.core_type<sc_vector_subcore>, window_params = [{transform_indices = #map}, {transform_indices = #map1}, {transform_indices = #map1}]} {
    %mul3A = arith.constant 2 : i32
    %mul3A_0 = arith.muli %arg1, %mul3A : i32
    %add3A = arith.addi %mul3A_0, %arg0 : i32
    %mul3A_1 = arith.constant 16 : i32
    %mul3A_2 = arith.muli %add3A, %mul3A_1 : i32
    "tpu.region"() ({
      %run_scoped3A = tpu.sem_alloc : memref<!tpu.dma_semaphore, #tpu.memory_space<semaphore_mem>>
      tpu.enqueue_dma source(%arg3 : memref<16384xf32, #tpu.memory_space<hbm>>) target(%arg5 : memref<16384xf32, #tpu.memory_space<vmem>>) target_semaphore(%run_scoped3A : memref<!tpu.dma_semaphore, #tpu.memory_space<semaphore_mem>>)
      tpu.wait_dma2 semaphore(%run_scoped3A : memref<!tpu.dma_semaphore, #tpu.memory_space<semaphore_mem>>) src(%arg3 : memref<16384xf32, #tpu.memory_space<hbm>>) dst(%arg5 : memref<16384xf32, #tpu.memory_space<vmem>>)
      tpu.yield
    }) : () -> ()
    %dma_start3A = arith.constant 0 : i32
    %dma_start3A_3 = tpu.memref_slice %arg2[%mul3A_2, %dma_start3A] : memref<1024x16384xf32, #tpu.memory_space<hbm>> -> memref<16x1024xf32, #tpu.memory_space<hbm>>
    %dma_start3A_4 = arith.constant 0 : i32
    %dma_start3A_5 = tpu.memref_slice %arg2[%mul3A_2, %dma_start3A_4] : memref<1024x16384xf32, #tpu.memory_space<hbm>> -> memref<16x1024xf32, #tpu.memory_space<hbm>>
    tpu.enqueue_dma source(%dma_start3A_5 : memref<16x1024xf32, #tpu.memory_space<hbm>>) target(%arg6 : memref<16x1024xf32, #tpu.memory_space<vmem>>) target_semaphore(%arg9 : memref<!tpu.dma_semaphore, #tpu.memory_space<semaphore_mem>>)
    %dma_start3A_6 = arith.constant 1024 : i32
    %dma_start3A_7 = tpu.memref_slice %arg2[%mul3A_2, %dma_start3A_6] : memref<1024x16384xf32, #tpu.memory_space<hbm>> -> memref<16x1024xf32, #tpu.memory_space<hbm>>
    %dma_start3A_8 = arith.constant 1024 : i32
    %dma_start3A_9 = tpu.memref_slice %arg2[%mul3A_2, %dma_start3A_8] : memref<1024x16384xf32, #tpu.memory_space<hbm>> -> memref<16x1024xf32, #tpu.memory_space<hbm>>
    tpu.enqueue_dma source(%dma_start3A_9 : memref<16x1024xf32, #tpu.memory_space<hbm>>) target(%arg7 : memref<16x1024xf32, #tpu.memory_space<vmem>>) target_semaphore(%arg10 : memref<!tpu.dma_semaphore, #tpu.memory_space<semaphore_mem>>)
    %broadcast_in_dim3A = arith.constant 0.000000e+00 : f32
    %broadcast_in_dim3A_10 = vector.broadcast %broadcast_in_dim3A : f32 to vector<16xf32>
    %scan3A = arith.constant 0 : i32
    %scan3A_11 = arith.constant 8 : i32
    %scan3A_12 = arith.addi %scan3A, %scan3A_11 : i32
    %scan3A_13 = arith.constant 1 : i32
    %scan3A_14:16 = scf.for %scan3A_546 = %scan3A to %scan3A_12 step %scan3A_13 iter_args(%scan3A_547 = %broadcast_in_dim3A_10, %scan3A_548 = %broadcast_in_dim3A_10, %scan3A_549 = %broadcast_in_dim3A_10, %scan3A_550 = %broadcast_in_dim3A_10, %scan3A_551 = %broadcast_in_dim3A_10, %scan3A_552 = %broadcast_in_dim3A_10, %scan3A_553 = %broadcast_in_dim3A_10, %scan3A_554 = %broadcast_in_dim3A_10, %scan3A_555 = %broadcast_in_dim3A_10, %scan3A_556 = %broadcast_in_dim3A_10, %scan3A_557 = %broadcast_in_dim3A_10, %scan3A_558 = %broadcast_in_dim3A_10, %scan3A_559 = %broadcast_in_dim3A_10, %scan3A_560 = %broadcast_in_dim3A_10, %scan3A_561 = %broadcast_in_dim3A_10, %scan3A_562 = %broadcast_in_dim3A_10) -> (vector<16xf32>, vector<16xf32>, vector<16xf32>, vector<16xf32>, vector<16xf32>, vector<16xf32>, vector<16xf32>, vector<16xf32>, vector<16xf32>, vector<16xf32>, vector<16xf32>, vector<16xf32>, vector<16xf32>, vector<16xf32>, vector<16xf32>, vector<16xf32>)  : i32 {
      %mul3A_563 = arith.constant 2 : i32
      %mul3A_564 = arith.muli %mul3A_563, %scan3A_546 : i32
      %dma_wait3A = arith.constant 0 : i32
      %dma_wait3A_565 = tpu.memref_slice %arg2[%mul3A_2, %dma_wait3A] : memref<1024x16384xf32, #tpu.memory_space<hbm>> -> memref<16x1024xf32, #tpu.memory_space<hbm>>
      %dma_wait3A_566 = arith.constant 0 : i32
      %dma_wait3A_567 = tpu.memref_slice %arg2[%mul3A_2, %dma_wait3A_566] : memref<1024x16384xf32, #tpu.memory_space<hbm>> -> memref<16x1024xf32, #tpu.memory_space<hbm>>
      tpu.wait_dma2 semaphore(%arg9 : memref<!tpu.dma_semaphore, #tpu.memory_space<semaphore_mem>>) src(%dma_wait3A_567 : memref<16x1024xf32, #tpu.memory_space<hbm>>) dst(%arg6 : memref<16x1024xf32, #tpu.memory_space<vmem>>)
      %scan3A_568 = arith.constant 0 : i32
      %scan3A_569 = arith.constant 16 : i32
      %scan3A_570 = arith.addi %scan3A_568, %scan3A_569 : i32
      %scan3A_571 = arith.constant 1 : i32
      %scan3A_572:16 = scf.for %scan3A_597 = %scan3A_568 to %scan3A_570 step %scan3A_571 iter_args(%scan3A_598 = %scan3A_547, %scan3A_599 = %scan3A_548, %scan3A_600 = %scan3A_549, %scan3A_601 = %scan3A_550, %scan3A_602 = %scan3A_551, %scan3A_603 = %scan3A_552, %scan3A_604 = %scan3A_553, %scan3A_605 = %scan3A_554, %scan3A_606 = %scan3A_555, %scan3A_607 = %scan3A_556, %scan3A_608 = %scan3A_557, %scan3A_609 = %scan3A_558, %scan3A_610 = %scan3A_559, %scan3A_611 = %scan3A_560, %scan3A_612 = %scan3A_561, %scan3A_613 = %scan3A_562) -> (vector<16xf32>, vector<16xf32>, vector<16xf32>, vector<16xf32>, vector<16xf32>, vector<16xf32>, vector<16xf32>, vector<16xf32>, vector<16xf32>, vector<16xf32>, vector<16xf32>, vector<16xf32>, vector<16xf32>, vector<16xf32>, vector<16xf32>, vector<16xf32>)  : i32 {
        %mul3A_614 = arith.constant 1024 : i32
        %mul3A_615 = arith.muli %mul3A_564, %mul3A_614 : i32
        %mul3A_616 = arith.constant 64 : i32
        %mul3A_617 = arith.muli %scan3A_597, %mul3A_616 : i32
        %add3A_618 = arith.addi %mul3A_615, %mul3A_617 : i32
        %mul3A_619 = arith.constant 64 : i32
        %mul3A_620 = arith.muli %scan3A_597, %mul3A_619 : i32
        %add3A_621 = arith.constant 0 : i32
        %add3A_622 = arith.addi %add3A_618, %add3A_621 : i32
        %get3A = arith.index_cast %add3A_622 : i32 to index
        %get3A_623 = tpu.vector_load %arg5[%get3A] {strides = array<i32>} : memref<16384xf32, #tpu.memory_space<vmem>>, vector<16xf32>,
        %get3A_624 = vector.shape_cast %get3A_623 : vector<16xf32> to vector<16xf32>
        %add3A_625 = arith.constant 0 : i32
        %add3A_626 = arith.addi %mul3A_620, %add3A_625 : i32
        %get3A_627 = arith.constant 0 : i32
        %get3A_628 = arith.index_cast %get3A_627 : i32 to index
        %get3A_629 = arith.index_cast %add3A_626 : i32 to index
        %get3A_630 = tpu.vector_load %arg6[%get3A_628, %get3A_629] {strides = array<i32>} : memref<16x1024xf32, #tpu.memory_space<vmem>>, vector<1x16xf32>,
        %get3A_631 = vector.shape_cast %get3A_630 : vector<1x16xf32> to vector<16xf32>
        %mul3A_632 = arith.mulf %get3A_631, %get3A_624 : vector<16xf32>
        %add3A_633 = arith.addf %scan3A_598, %mul3A_632 : vector<16xf32>
        %add3A_634 = arith.constant 0 : i32
        %add3A_635 = arith.addi %mul3A_620, %add3A_634 : i32
        %get3A_636 = arith.constant 1 : i32
        %get3A_637 = arith.index_cast %get3A_636 : i32 to index
        %get3A_638 = arith.index_cast %add3A_635 : i32 to index
        %get3A_639 = tpu.vector_load %arg6[%get3A_637, %get3A_638] {strides = array<i32>} : memref<16x1024xf32, #tpu.memory_space<vmem>>, vector<1x16xf32>,
        %get3A_640 = vector.shape_cast %get3A_639 : vector<1x16xf32> to vector<16xf32>
        %mul3A_641 = arith.mulf %get3A_640, %get3A_624 : vector<16xf32>
        %add3A_642 = arith.addf %scan3A_599, %mul3A_641 : vector<16xf32>
        %add3A_643 = arith.constant 0 : i32
        %add3A_644 = arith.addi %mul3A_620, %add3A_643 : i32
        %get3A_645 = arith.constant 2 : i32
        %get3A_646 = arith.index_cast %get3A_645 : i32 to index
        %get3A_647 = arith.index_cast %add3A_644 : i32 to index
        %get3A_648 = tpu.vector_load %arg6[%get3A_646, %get3A_647] {strides = array<i32>} : memref<16x1024xf32, #tpu.memory_space<vmem>>, vector<1x16xf32>,
        %get3A_649 = vector.shape_cast %get3A_648 : vector<1x16xf32> to vector<16xf32>
        %mul3A_650 = arith.mulf %get3A_649, %get3A_624 : vector<16xf32>
        %add3A_651 = arith.addf %scan3A_600, %mul3A_650 : vector<16xf32>
        %add3A_652 = arith.constant 0 : i32
        %add3A_653 = arith.addi %mul3A_620, %add3A_652 : i32
        %get3A_654 = arith.constant 3 : i32
        %get3A_655 = arith.index_cast %get3A_654 : i32 to index
        %get3A_656 = arith.index_cast %add3A_653 : i32 to index
        %get3A_657 = tpu.vector_load %arg6[%get3A_655, %get3A_656] {strides = array<i32>} : memref<16x1024xf32, #tpu.memory_space<vmem>>, vector<1x16xf32>,
        %get3A_658 = vector.shape_cast %get3A_657 : vector<1x16xf32> to vector<16xf32>
        %mul3A_659 = arith.mulf %get3A_658, %get3A_624 : vector<16xf32>
        %add3A_660 = arith.addf %scan3A_601, %mul3A_659 : vector<16xf32>
        %add3A_661 = arith.constant 0 : i32
        %add3A_662 = arith.addi %mul3A_620, %add3A_661 : i32
        %get3A_663 = arith.constant 4 : i32
        %get3A_664 = arith.index_cast %get3A_663 : i32 to index
        %get3A_665 = arith.index_cast %add3A_662 : i32 to index
        %get3A_666 = tpu.vector_load %arg6[%get3A_664, %get3A_665] {strides = array<i32>} : memref<16x1024xf32, #tpu.memory_space<vmem>>, vector<1x16xf32>,
        %get3A_667 = vector.shape_cast %get3A_666 : vector<1x16xf32> to vector<16xf32>
        %mul3A_668 = arith.mulf %get3A_667, %get3A_624 : vector<16xf32>
        %add3A_669 = arith.addf %scan3A_602, %mul3A_668 : vector<16xf32>
        %add3A_670 = arith.constant 0 : i32
        %add3A_671 = arith.addi %mul3A_620, %add3A_670 : i32
        %get3A_672 = arith.constant 5 : i32
        %get3A_673 = arith.index_cast %get3A_672 : i32 to index
        %get3A_674 = arith.index_cast %add3A_671 : i32 to index
        %get3A_675 = tpu.vector_load %arg6[%get3A_673, %get3A_674] {strides = array<i32>} : memref<16x1024xf32, #tpu.memory_space<vmem>>, vector<1x16xf32>,
        %get3A_676 = vector.shape_cast %get3A_675 : vector<1x16xf32> to vector<16xf32>
        %mul3A_677 = arith.mulf %get3A_676, %get3A_624 : vector<16xf32>
        %add3A_678 = arith.addf %scan3A_603, %mul3A_677 : vector<16xf32>
        %add3A_679 = arith.constant 0 : i32
        %add3A_680 = arith.addi %mul3A_620, %add3A_679 : i32
        %get3A_681 = arith.constant 6 : i32
        %get3A_682 = arith.index_cast %get3A_681 : i32 to index
        %get3A_683 = arith.index_cast %add3A_680 : i32 to index
        %get3A_684 = tpu.vector_load %arg6[%get3A_682, %get3A_683] {strides = array<i32>} : memref<16x1024xf32, #tpu.memory_space<vmem>>, vector<1x16xf32>,
        %get3A_685 = vector.shape_cast %get3A_684 : vector<1x16xf32> to vector<16xf32>
        %mul3A_686 = arith.mulf %get3A_685, %get3A_624 : vector<16xf32>
        %add3A_687 = arith.addf %scan3A_604, %mul3A_686 : vector<16xf32>
        %add3A_688 = arith.constant 0 : i32
        %add3A_689 = arith.addi %mul3A_620, %add3A_688 : i32
        %get3A_690 = arith.constant 7 : i32
        %get3A_691 = arith.index_cast %get3A_690 : i32 to index
        %get3A_692 = arith.index_cast %add3A_689 : i32 to index
        %get3A_693 = tpu.vector_load %arg6[%get3A_691, %get3A_692] {strides = array<i32>} : memref<16x1024xf32, #tpu.memory_space<vmem>>, vector<1x16xf32>,
        %get3A_694 = vector.shape_cast %get3A_693 : vector<1x16xf32> to vector<16xf32>
        %mul3A_695 = arith.mulf %get3A_694, %get3A_624 : vector<16xf32>
        %add3A_696 = arith.addf %scan3A_605, %mul3A_695 : vector<16xf32>
        %add3A_697 = arith.constant 0 : i32
        %add3A_698 = arith.addi %mul3A_620, %add3A_697 : i32
        %get3A_699 = arith.constant 8 : i32
        %get3A_700 = arith.index_cast %get3A_699 : i32 to index
        %get3A_701 = arith.index_cast %add3A_698 : i32 to index
        %get3A_702 = tpu.vector_load %arg6[%get3A_700, %get3A_701] {strides = array<i32>} : memref<16x1024xf32, #tpu.memory_space<vmem>>, vector<1x16xf32>,
        %get3A_703 = vector.shape_cast %get3A_702 : vector<1x16xf32> to vector<16xf32>
        %mul3A_704 = arith.mulf %get3A_703, %get3A_624 : vector<16xf32>
        %add3A_705 = arith.addf %scan3A_606, %mul3A_704 : vector<16xf32>
        %add3A_706 = arith.constant 0 : i32
        %add3A_707 = arith.addi %mul3A_620, %add3A_706 : i32
        %get3A_708 = arith.constant 9 : i32
        %get3A_709 = arith.index_cast %get3A_708 : i32 to index
        %get3A_710 = arith.index_cast %add3A_707 : i32 to index
        %get3A_711 = tpu.vector_load %arg6[%get3A_709, %get3A_710] {strides = array<i32>} : memref<16x1024xf32, #tpu.memory_space<vmem>>, vector<1x16xf32>,
        %get3A_712 = vector.shape_cast %get3A_711 : vector<1x16xf32> to vector<16xf32>
        %mul3A_713 = arith.mulf %get3A_712, %get3A_624 : vector<16xf32>
        %add3A_714 = arith.addf %scan3A_607, %mul3A_713 : vector<16xf32>
        %add3A_715 = arith.constant 0 : i32
        %add3A_716 = arith.addi %mul3A_620, %add3A_715 : i32
        %get3A_717 = arith.constant 10 : i32
        %get3A_718 = arith.index_cast %get3A_717 : i32 to index
        %get3A_719 = arith.index_cast %add3A_716 : i32 to index
        %get3A_720 = tpu.vector_load %arg6[%get3A_718, %get3A_719] {strides = array<i32>} : memref<16x1024xf32, #tpu.memory_space<vmem>>, vector<1x16xf32>,
        %get3A_721 = vector.shape_cast %get3A_720 : vector<1x16xf32> to vector<16xf32>
        %mul3A_722 = arith.mulf %get3A_721, %get3A_624 : vector<16xf32>
        %add3A_723 = arith.addf %scan3A_608, %mul3A_722 : vector<16xf32>
        %add3A_724 = arith.constant 0 : i32
        %add3A_725 = arith.addi %mul3A_620, %add3A_724 : i32
        %get3A_726 = arith.constant 11 : i32
        %get3A_727 = arith.index_cast %get3A_726 : i32 to index
        %get3A_728 = arith.index_cast %add3A_725 : i32 to index
        %get3A_729 = tpu.vector_load %arg6[%get3A_727, %get3A_728] {strides = array<i32>} : memref<16x1024xf32, #tpu.memory_space<vmem>>, vector<1x16xf32>,
        %get3A_730 = vector.shape_cast %get3A_729 : vector<1x16xf32> to vector<16xf32>
        %mul3A_731 = arith.mulf %get3A_730, %get3A_624 : vector<16xf32>
        %add3A_732 = arith.addf %scan3A_609, %mul3A_731 : vector<16xf32>
        %add3A_733 = arith.constant 0 : i32
        %add3A_734 = arith.addi %mul3A_620, %add3A_733 : i32
        %get3A_735 = arith.constant 12 : i32
        %get3A_736 = arith.index_cast %get3A_735 : i32 to index
        %get3A_737 = arith.index_cast %add3A_734 : i32 to index
        %get3A_738 = tpu.vector_load %arg6[%get3A_736, %get3A_737] {strides = array<i32>} : memref<16x1024xf32, #tpu.memory_space<vmem>>, vector<1x16xf32>,
        %get3A_739 = vector.shape_cast %get3A_738 : vector<1x16xf32> to vector<16xf32>
        %mul3A_740 = arith.mulf %get3A_739, %get3A_624 : vector<16xf32>
        %add3A_741 = arith.addf %scan3A_610, %mul3A_740 : vector<16xf32>
        %add3A_742 = arith.constant 0 : i32
        %add3A_743 = arith.addi %mul3A_620, %add3A_742 : i32
        %get3A_744 = arith.constant 13 : i32
        %get3A_745 = arith.index_cast %get3A_744 : i32 to index
        %get3A_746 = arith.index_cast %add3A_743 : i32 to index
        %get3A_747 = tpu.vector_load %arg6[%get3A_745, %get3A_746] {strides = array<i32>} : memref<16x1024xf32, #tpu.memory_space<vmem>>, vector<1x16xf32>,
        %get3A_748 = vector.shape_cast %get3A_747 : vector<1x16xf32> to vector<16xf32>
        %mul3A_749 = arith.mulf %get3A_748, %get3A_624 : vector<16xf32>
        %add3A_750 = arith.addf %scan3A_611, %mul3A_749 : vector<16xf32>
        %add3A_751 = arith.constant 0 : i32
        %add3A_752 = arith.addi %mul3A_620, %add3A_751 : i32
        %get3A_753 = arith.constant 14 : i32
        %get3A_754 = arith.index_cast %get3A_753 : i32 to index
        %get3A_755 = arith.index_cast %add3A_752 : i32 to index
        %get3A_756 = tpu.vector_load %arg6[%get3A_754, %get3A_755] {strides = array<i32>} : memref<16x1024xf32, #tpu.memory_space<vmem>>, vector<1x16xf32>,
        %get3A_757 = vector.shape_cast %get3A_756 : vector<1x16xf32> to vector<16xf32>
        %mul3A_758 = arith.mulf %get3A_757, %get3A_624 : vector<16xf32>
        %add3A_759 = arith.addf %scan3A_612, %mul3A_758 : vector<16xf32>
        %add3A_760 = arith.constant 0 : i32
        %add3A_761 = arith.addi %mul3A_620, %add3A_760 : i32
        %get3A_762 = arith.constant 15 : i32
        %get3A_763 = arith.index_cast %get3A_762 : i32 to index
        %get3A_764 = arith.index_cast %add3A_761 : i32 to index
        %get3A_765 = tpu.vector_load %arg6[%get3A_763, %get3A_764] {strides = array<i32>} : memref<16x1024xf32, #tpu.memory_space<vmem>>, vector<1x16xf32>,
        %get3A_766 = vector.shape_cast %get3A_765 : vector<1x16xf32> to vector<16xf32>
        %mul3A_767 = arith.mulf %get3A_766, %get3A_624 : vector<16xf32>
        %add3A_768 = arith.addf %scan3A_613, %mul3A_767 : vector<16xf32>
        %add3A_769 = arith.constant 16 : i32
        %add3A_770 = arith.addi %add3A_618, %add3A_769 : i32
        %get3A_771 = arith.index_cast %add3A_770 : i32 to index
        %get3A_772 = tpu.vector_load %arg5[%get3A_771] {strides = array<i32>} : memref<16384xf32, #tpu.memory_space<vmem>>, vector<16xf32>,
        %get3A_773 = vector.shape_cast %get3A_772 : vector<16xf32> to vector<16xf32>
        %add3A_774 = arith.constant 16 : i32
        %add3A_775 = arith.addi %mul3A_620, %add3A_774 : i32
        %get3A_776 = arith.constant 0 : i32
        %get3A_777 = arith.index_cast %get3A_776 : i32 to index
        %get3A_778 = arith.index_cast %add3A_775 : i32 to index
        %get3A_779 = tpu.vector_load %arg6[%get3A_777, %get3A_778] {strides = array<i32>} : memref<16x1024xf32, #tpu.memory_space<vmem>>, vector<1x16xf32>,
        %get3A_780 = vector.shape_cast %get3A_779 : vector<1x16xf32> to vector<16xf32>
        %mul3A_781 = arith.mulf %get3A_780, %get3A_773 : vector<16xf32>
        %add3A_782 = arith.addf %add3A_633, %mul3A_781 : vector<16xf32>
        %add3A_783 = arith.constant 16 : i32
        %add3A_784 = arith.addi %mul3A_620, %add3A_783 : i32
        %get3A_785 = arith.constant 1 : i32
        %get3A_786 = arith.index_cast %get3A_785 : i32 to index
        %get3A_787 = arith.index_cast %add3A_784 : i32 to index
        %get3A_788 = tpu.vector_load %arg6[%get3A_786, %get3A_787] {strides = array<i32>} : memref<16x1024xf32, #tpu.memory_space<vmem>>, vector<1x16xf32>,
        %get3A_789 = vector.shape_cast %get3A_788 : vector<1x16xf32> to vector<16xf32>
        %mul3A_790 = arith.mulf %get3A_789, %get3A_773 : vector<16xf32>
        %add3A_791 = arith.addf %add3A_642, %mul3A_790 : vector<16xf32>
        %add3A_792 = arith.constant 16 : i32
        %add3A_793 = arith.addi %mul3A_620, %add3A_792 : i32
        %get3A_794 = arith.constant 2 : i32
        %get3A_795 = arith.index_cast %get3A_794 : i32 to index
        %get3A_796 = arith.index_cast %add3A_793 : i32 to index
        %get3A_797 = tpu.vector_load %arg6[%get3A_795, %get3A_796] {strides = array<i32>} : memref<16x1024xf32, #tpu.memory_space<vmem>>, vector<1x16xf32>,
        %get3A_798 = vector.shape_cast %get3A_797 : vector<1x16xf32> to vector<16xf32>
        %mul3A_799 = arith.mulf %get3A_798, %get3A_773 : vector<16xf32>
        %add3A_800 = arith.addf %add3A_651, %mul3A_799 : vector<16xf32>
        %add3A_801 = arith.constant 16 : i32
        %add3A_802 = arith.addi %mul3A_620, %add3A_801 : i32
        %get3A_803 = arith.constant 3 : i32
        %get3A_804 = arith.index_cast %get3A_803 : i32 to index
        %get3A_805 = arith.index_cast %add3A_802 : i32 to index
        %get3A_806 = tpu.vector_load %arg6[%get3A_804, %get3A_805] {strides = array<i32>} : memref<16x1024xf32, #tpu.memory_space<vmem>>, vector<1x16xf32>,
        %get3A_807 = vector.shape_cast %get3A_806 : vector<1x16xf32> to vector<16xf32>
        %mul3A_808 = arith.mulf %get3A_807, %get3A_773 : vector<16xf32>
        %add3A_809 = arith.addf %add3A_660, %mul3A_808 : vector<16xf32>
        %add3A_810 = arith.constant 16 : i32
        %add3A_811 = arith.addi %mul3A_620, %add3A_810 : i32
        %get3A_812 = arith.constant 4 : i32
        %get3A_813 = arith.index_cast %get3A_812 : i32 to index
        %get3A_814 = arith.index_cast %add3A_811 : i32 to index
        %get3A_815 = tpu.vector_load %arg6[%get3A_813, %get3A_814] {strides = array<i32>} : memref<16x1024xf32, #tpu.memory_space<vmem>>, vector<1x16xf32>,
        %get3A_816 = vector.shape_cast %get3A_815 : vector<1x16xf32> to vector<16xf32>
        %mul3A_817 = arith.mulf %get3A_816, %get3A_773 : vector<16xf32>
        %add3A_818 = arith.addf %add3A_669, %mul3A_817 : vector<16xf32>
        %add3A_819 = arith.constant 16 : i32
        %add3A_820 = arith.addi %mul3A_620, %add3A_819 : i32
        %get3A_821 = arith.constant 5 : i32
        %get3A_822 = arith.index_cast %get3A_821 : i32 to index
        %get3A_823 = arith.index_cast %add3A_820 : i32 to index
        %get3A_824 = tpu.vector_load %arg6[%get3A_822, %get3A_823] {strides = array<i32>} : memref<16x1024xf32, #tpu.memory_space<vmem>>, vector<1x16xf32>,
        %get3A_825 = vector.shape_cast %get3A_824 : vector<1x16xf32> to vector<16xf32>
        %mul3A_826 = arith.mulf %get3A_825, %get3A_773 : vector<16xf32>
        %add3A_827 = arith.addf %add3A_678, %mul3A_826 : vector<16xf32>
        %add3A_828 = arith.constant 16 : i32
        %add3A_829 = arith.addi %mul3A_620, %add3A_828 : i32
        %get3A_830 = arith.constant 6 : i32
        %get3A_831 = arith.index_cast %get3A_830 : i32 to index
        %get3A_832 = arith.index_cast %add3A_829 : i32 to index
        %get3A_833 = tpu.vector_load %arg6[%get3A_831, %get3A_832] {strides = array<i32>} : memref<16x1024xf32, #tpu.memory_space<vmem>>, vector<1x16xf32>,
        %get3A_834 = vector.shape_cast %get3A_833 : vector<1x16xf32> to vector<16xf32>
        %mul3A_835 = arith.mulf %get3A_834, %get3A_773 : vector<16xf32>
        %add3A_836 = arith.addf %add3A_687, %mul3A_835 : vector<16xf32>
        %add3A_837 = arith.constant 16 : i32
        %add3A_838 = arith.addi %mul3A_620, %add3A_837 : i32
        %get3A_839 = arith.constant 7 : i32
        %get3A_840 = arith.index_cast %get3A_839 : i32 to index
        %get3A_841 = arith.index_cast %add3A_838 : i32 to index
        %get3A_842 = tpu.vector_load %arg6[%get3A_840, %get3A_841] {strides = array<i32>} : memref<16x1024xf32, #tpu.memory_space<vmem>>, vector<1x16xf32>,
        %get3A_843 = vector.shape_cast %get3A_842 : vector<1x16xf32> to vector<16xf32>
        %mul3A_844 = arith.mulf %get3A_843, %get3A_773 : vector<16xf32>
        %add3A_845 = arith.addf %add3A_696, %mul3A_844 : vector<16xf32>
        %add3A_846 = arith.constant 16 : i32
        %add3A_847 = arith.addi %mul3A_620, %add3A_846 : i32
        %get3A_848 = arith.constant 8 : i32
        %get3A_849 = arith.index_cast %get3A_848 : i32 to index
        %get3A_850 = arith.index_cast %add3A_847 : i32 to index
        %get3A_851 = tpu.vector_load %arg6[%get3A_849, %get3A_850] {strides = array<i32>} : memref<16x1024xf32, #tpu.memory_space<vmem>>, vector<1x16xf32>,
        %get3A_852 = vector.shape_cast %get3A_851 : vector<1x16xf32> to vector<16xf32>
        %mul3A_853 = arith.mulf %get3A_852, %get3A_773 : vector<16xf32>
        %add3A_854 = arith.addf %add3A_705, %mul3A_853 : vector<16xf32>
        %add3A_855 = arith.constant 16 : i32
        %add3A_856 = arith.addi %mul3A_620, %add3A_855 : i32
        %get3A_857 = arith.constant 9 : i32
        %get3A_858 = arith.index_cast %get3A_857 : i32 to index
        %get3A_859 = arith.index_cast %add3A_856 : i32 to index
        %get3A_860 = tpu.vector_load %arg6[%get3A_858, %get3A_859] {strides = array<i32>} : memref<16x1024xf32, #tpu.memory_space<vmem>>, vector<1x16xf32>,
        %get3A_861 = vector.shape_cast %get3A_860 : vector<1x16xf32> to vector<16xf32>
        %mul3A_862 = arith.mulf %get3A_861, %get3A_773 : vector<16xf32>
        %add3A_863 = arith.addf %add3A_714, %mul3A_862 : vector<16xf32>
        %add3A_864 = arith.constant 16 : i32
        %add3A_865 = arith.addi %mul3A_620, %add3A_864 : i32
        %get3A_866 = arith.constant 10 : i32
        %get3A_867 = arith.index_cast %get3A_866 : i32 to index
        %get3A_868 = arith.index_cast %add3A_865 : i32 to index
        %get3A_869 = tpu.vector_load %arg6[%get3A_867, %get3A_868] {strides = array<i32>} : memref<16x1024xf32, #tpu.memory_space<vmem>>, vector<1x16xf32>,
        %get3A_870 = vector.shape_cast %get3A_869 : vector<1x16xf32> to vector<16xf32>
        %mul3A_871 = arith.mulf %get3A_870, %get3A_773 : vector<16xf32>
        %add3A_872 = arith.addf %add3A_723, %mul3A_871 : vector<16xf32>
        %add3A_873 = arith.constant 16 : i32
        %add3A_874 = arith.addi %mul3A_620, %add3A_873 : i32
        %get3A_875 = arith.constant 11 : i32
        %get3A_876 = arith.index_cast %get3A_875 : i32 to index
        %get3A_877 = arith.index_cast %add3A_874 : i32 to index
        %get3A_878 = tpu.vector_load %arg6[%get3A_876, %get3A_877] {strides = array<i32>} : memref<16x1024xf32, #tpu.memory_space<vmem>>, vector<1x16xf32>,
        %get3A_879 = vector.shape_cast %get3A_878 : vector<1x16xf32> to vector<16xf32>
        %mul3A_880 = arith.mulf %get3A_879, %get3A_773 : vector<16xf32>
        %add3A_881 = arith.addf %add3A_732, %mul3A_880 : vector<16xf32>
        %add3A_882 = arith.constant 16 : i32
        %add3A_883 = arith.addi %mul3A_620, %add3A_882 : i32
        %get3A_884 = arith.constant 12 : i32
        %get3A_885 = arith.index_cast %get3A_884 : i32 to index
        %get3A_886 = arith.index_cast %add3A_883 : i32 to index
        %get3A_887 = tpu.vector_load %arg6[%get3A_885, %get3A_886] {strides = array<i32>} : memref<16x1024xf32, #tpu.memory_space<vmem>>, vector<1x16xf32>,
        %get3A_888 = vector.shape_cast %get3A_887 : vector<1x16xf32> to vector<16xf32>
        %mul3A_889 = arith.mulf %get3A_888, %get3A_773 : vector<16xf32>
        %add3A_890 = arith.addf %add3A_741, %mul3A_889 : vector<16xf32>
        %add3A_891 = arith.constant 16 : i32
        %add3A_892 = arith.addi %mul3A_620, %add3A_891 : i32
        %get3A_893 = arith.constant 13 : i32
        %get3A_894 = arith.index_cast %get3A_893 : i32 to index
        %get3A_895 = arith.index_cast %add3A_892 : i32 to index
        %get3A_896 = tpu.vector_load %arg6[%get3A_894, %get3A_895] {strides = array<i32>} : memref<16x1024xf32, #tpu.memory_space<vmem>>, vector<1x16xf32>,
        %get3A_897 = vector.shape_cast %get3A_896 : vector<1x16xf32> to vector<16xf32>
        %mul3A_898 = arith.mulf %get3A_897, %get3A_773 : vector<16xf32>
        %add3A_899 = arith.addf %add3A_750, %mul3A_898 : vector<16xf32>
        %add3A_900 = arith.constant 16 : i32
        %add3A_901 = arith.addi %mul3A_620, %add3A_900 : i32
        %get3A_902 = arith.constant 14 : i32
        %get3A_903 = arith.index_cast %get3A_902 : i32 to index
        %get3A_904 = arith.index_cast %add3A_901 : i32 to index
        %get3A_905 = tpu.vector_load %arg6[%get3A_903, %get3A_904] {strides = array<i32>} : memref<16x1024xf32, #tpu.memory_space<vmem>>, vector<1x16xf32>,
        %get3A_906 = vector.shape_cast %get3A_905 : vector<1x16xf32> to vector<16xf32>
        %mul3A_907 = arith.mulf %get3A_906, %get3A_773 : vector<16xf32>
        %add3A_908 = arith.addf %add3A_759, %mul3A_907 : vector<16xf32>
        %add3A_909 = arith.constant 16 : i32
        %add3A_910 = arith.addi %mul3A_620, %add3A_909 : i32
        %get3A_911 = arith.constant 15 : i32
        %get3A_912 = arith.index_cast %get3A_911 : i32 to index
        %get3A_913 = arith.index_cast %add3A_910 : i32 to index
        %get3A_914 = tpu.vector_load %arg6[%get3A_912, %get3A_913] {strides = array<i32>} : memref<16x1024xf32, #tpu.memory_space<vmem>>, vector<1x16xf32>,
        %get3A_915 = vector.shape_cast %get3A_914 : vector<1x16xf32> to vector<16xf32>
        %mul3A_916 = arith.mulf %get3A_915, %get3A_773 : vector<16xf32>
        %add3A_917 = arith.addf %add3A_768, %mul3A_916 : vector<16xf32>
        %add3A_918 = arith.constant 32 : i32
        %add3A_919 = arith.addi %add3A_618, %add3A_918 : i32
        %get3A_920 = arith.index_cast %add3A_919 : i32 to index
        %get3A_921 = tpu.vector_load %arg5[%get3A_920] {strides = array<i32>} : memref<16384xf32, #tpu.memory_space<vmem>>, vector<16xf32>,
        %get3A_922 = vector.shape_cast %get3A_921 : vector<16xf32> to vector<16xf32>
        %add3A_923 = arith.constant 32 : i32
        %add3A_924 = arith.addi %mul3A_620, %add3A_923 : i32
        %get3A_925 = arith.constant 0 : i32
        %get3A_926 = arith.index_cast %get3A_925 : i32 to index
        %get3A_927 = arith.index_cast %add3A_924 : i32 to index
        %get3A_928 = tpu.vector_load %arg6[%get3A_926, %get3A_927] {strides = array<i32>} : memref<16x1024xf32, #tpu.memory_space<vmem>>, vector<1x16xf32>,
        %get3A_929 = vector.shape_cast %get3A_928 : vector<1x16xf32> to vector<16xf32>
        %mul3A_930 = arith.mulf %get3A_929, %get3A_922 : vector<16xf32>
        %add3A_931 = arith.addf %add3A_782, %mul3A_930 : vector<16xf32>
        %add3A_932 = arith.constant 32 : i32
        %add3A_933 = arith.addi %mul3A_620, %add3A_932 : i32
        %get3A_934 = arith.constant 1 : i32
        %get3A_935 = arith.index_cast %get3A_934 : i32 to index
        %get3A_936 = arith.index_cast %add3A_933 : i32 to index
        %get3A_937 = tpu.vector_load %arg6[%get3A_935, %get3A_936] {strides = array<i32>} : memref<16x1024xf32, #tpu.memory_space<vmem>>, vector<1x16xf32>,
        %get3A_938 = vector.shape_cast %get3A_937 : vector<1x16xf32> to vector<16xf32>
        %mul3A_939 = arith.mulf %get3A_938, %get3A_922 : vector<16xf32>
        %add3A_940 = arith.addf %add3A_791, %mul3A_939 : vector<16xf32>
        %add3A_941 = arith.constant 32 : i32
        %add3A_942 = arith.addi %mul3A_620, %add3A_941 : i32
        %get3A_943 = arith.constant 2 : i32
        %get3A_944 = arith.index_cast %get3A_943 : i32 to index
        %get3A_945 = arith.index_cast %add3A_942 : i32 to index
        %get3A_946 = tpu.vector_load %arg6[%get3A_944, %get3A_945] {strides = array<i32>} : memref<16x1024xf32, #tpu.memory_space<vmem>>, vector<1x16xf32>,
        %get3A_947 = vector.shape_cast %get3A_946 : vector<1x16xf32> to vector<16xf32>
        %mul3A_948 = arith.mulf %get3A_947, %get3A_922 : vector<16xf32>
        %add3A_949 = arith.addf %add3A_800, %mul3A_948 : vector<16xf32>
        %add3A_950 = arith.constant 32 : i32
        %add3A_951 = arith.addi %mul3A_620, %add3A_950 : i32
        %get3A_952 = arith.constant 3 : i32
        %get3A_953 = arith.index_cast %get3A_952 : i32 to index
        %get3A_954 = arith.index_cast %add3A_951 : i32 to index
        %get3A_955 = tpu.vector_load %arg6[%get3A_953, %get3A_954] {strides = array<i32>} : memref<16x1024xf32, #tpu.memory_space<vmem>>, vector<1x16xf32>,
        %get3A_956 = vector.shape_cast %get3A_955 : vector<1x16xf32> to vector<16xf32>
        %mul3A_957 = arith.mulf %get3A_956, %get3A_922 : vector<16xf32>
        %add3A_958 = arith.addf %add3A_809, %mul3A_957 : vector<16xf32>
        %add3A_959 = arith.constant 32 : i32
        %add3A_960 = arith.addi %mul3A_620, %add3A_959 : i32
        %get3A_961 = arith.constant 4 : i32
        %get3A_962 = arith.index_cast %get3A_961 : i32 to index
        %get3A_963 = arith.index_cast %add3A_960 : i32 to index
        %get3A_964 = tpu.vector_load %arg6[%get3A_962, %get3A_963] {strides = array<i32>} : memref<16x1024xf32, #tpu.memory_space<vmem>>, vector<1x16xf32>,
        %get3A_965 = vector.shape_cast %get3A_964 : vector<1x16xf32> to vector<16xf32>
        %mul3A_966 = arith.mulf %get3A_965, %get3A_922 : vector<16xf32>
        %add3A_967 = arith.addf %add3A_818, %mul3A_966 : vector<16xf32>
        %add3A_968 = arith.constant 32 : i32
        %add3A_969 = arith.addi %mul3A_620, %add3A_968 : i32
        %get3A_970 = arith.constant 5 : i32
        %get3A_971 = arith.index_cast %get3A_970 : i32 to index
        %get3A_972 = arith.index_cast %add3A_969 : i32 to index
        %get3A_973 = tpu.vector_load %arg6[%get3A_971, %get3A_972] {strides = array<i32>} : memref<16x1024xf32, #tpu.memory_space<vmem>>, vector<1x16xf32>,
        %get3A_974 = vector.shape_cast %get3A_973 : vector<1x16xf32> to vector<16xf32>
        %mul3A_975 = arith.mulf %get3A_974, %get3A_922 : vector<16xf32>
        %add3A_976 = arith.addf %add3A_827, %mul3A_975 : vector<16xf32>
        %add3A_977 = arith.constant 32 : i32
        %add3A_978 = arith.addi %mul3A_620, %add3A_977 : i32
        %get3A_979 = arith.constant 6 : i32
        %get3A_980 = arith.index_cast %get3A_979 : i32 to index
        %get3A_981 = arith.index_cast %add3A_978 : i32 to index
        %get3A_982 = tpu.vector_load %arg6[%get3A_980, %get3A_981] {strides = array<i32>} : memref<16x1024xf32, #tpu.memory_space<vmem>>, vector<1x16xf32>,
        %get3A_983 = vector.shape_cast %get3A_982 : vector<1x16xf32> to vector<16xf32>
        %mul3A_984 = arith.mulf %get3A_983, %get3A_922 : vector<16xf32>
        %add3A_985 = arith.addf %add3A_836, %mul3A_984 : vector<16xf32>
        %add3A_986 = arith.constant 32 : i32
        %add3A_987 = arith.addi %mul3A_620, %add3A_986 : i32
        %get3A_988 = arith.constant 7 : i32
        %get3A_989 = arith.index_cast %get3A_988 : i32 to index
        %get3A_990 = arith.index_cast %add3A_987 : i32 to index
        %get3A_991 = tpu.vector_load %arg6[%get3A_989, %get3A_990] {strides = array<i32>} : memref<16x1024xf32, #tpu.memory_space<vmem>>, vector<1x16xf32>,
        %get3A_992 = vector.shape_cast %get3A_991 : vector<1x16xf32> to vector<16xf32>
        %mul3A_993 = arith.mulf %get3A_992, %get3A_922 : vector<16xf32>
        %add3A_994 = arith.addf %add3A_845, %mul3A_993 : vector<16xf32>
        %add3A_995 = arith.constant 32 : i32
        %add3A_996 = arith.addi %mul3A_620, %add3A_995 : i32
        %get3A_997 = arith.constant 8 : i32
        %get3A_998 = arith.index_cast %get3A_997 : i32 to index
        %get3A_999 = arith.index_cast %add3A_996 : i32 to index
        %get3A_1000 = tpu.vector_load %arg6[%get3A_998, %get3A_999] {strides = array<i32>} : memref<16x1024xf32, #tpu.memory_space<vmem>>, vector<1x16xf32>,
        %get3A_1001 = vector.shape_cast %get3A_1000 : vector<1x16xf32> to vector<16xf32>
        %mul3A_1002 = arith.mulf %get3A_1001, %get3A_922 : vector<16xf32>
        %add3A_1003 = arith.addf %add3A_854, %mul3A_1002 : vector<16xf32>
        %add3A_1004 = arith.constant 32 : i32
        %add3A_1005 = arith.addi %mul3A_620, %add3A_1004 : i32
        %get3A_1006 = arith.constant 9 : i32
        %get3A_1007 = arith.index_cast %get3A_1006 : i32 to index
        %get3A_1008 = arith.index_cast %add3A_1005 : i32 to index
        %get3A_1009 = tpu.vector_load %arg6[%get3A_1007, %get3A_1008] {strides = array<i32>} : memref<16x1024xf32, #tpu.memory_space<vmem>>, vector<1x16xf32>,
        %get3A_1010 = vector.shape_cast %get3A_1009 : vector<1x16xf32> to vector<16xf32>
        %mul3A_1011 = arith.mulf %get3A_1010, %get3A_922 : vector<16xf32>
        %add3A_1012 = arith.addf %add3A_863, %mul3A_1011 : vector<16xf32>
        %add3A_1013 = arith.constant 32 : i32
        %add3A_1014 = arith.addi %mul3A_620, %add3A_1013 : i32
        %get3A_1015 = arith.constant 10 : i32
        %get3A_1016 = arith.index_cast %get3A_1015 : i32 to index
        %get3A_1017 = arith.index_cast %add3A_1014 : i32 to index
        %get3A_1018 = tpu.vector_load %arg6[%get3A_1016, %get3A_1017] {strides = array<i32>} : memref<16x1024xf32, #tpu.memory_space<vmem>>, vector<1x16xf32>,
        %get3A_1019 = vector.shape_cast %get3A_1018 : vector<1x16xf32> to vector<16xf32>
        %mul3A_1020 = arith.mulf %get3A_1019, %get3A_922 : vector<16xf32>
        %add3A_1021 = arith.addf %add3A_872, %mul3A_1020 : vector<16xf32>
        %add3A_1022 = arith.constant 32 : i32
        %add3A_1023 = arith.addi %mul3A_620, %add3A_1022 : i32
        %get3A_1024 = arith.constant 11 : i32
        %get3A_1025 = arith.index_cast %get3A_1024 : i32 to index
        %get3A_1026 = arith.index_cast %add3A_1023 : i32 to index
        %get3A_1027 = tpu.vector_load %arg6[%get3A_1025, %get3A_1026] {strides = array<i32>} : memref<16x1024xf32, #tpu.memory_space<vmem>>, vector<1x16xf32>,
        %get3A_1028 = vector.shape_cast %get3A_1027 : vector<1x16xf32> to vector<16xf32>
        %mul3A_1029 = arith.mulf %get3A_1028, %get3A_922 : vector<16xf32>
        %add3A_1030 = arith.addf %add3A_881, %mul3A_1029 : vector<16xf32>
        %add3A_1031 = arith.constant 32 : i32
        %add3A_1032 = arith.addi %mul3A_620, %add3A_1031 : i32
        %get3A_1033 = arith.constant 12 : i32
        %get3A_1034 = arith.index_cast %get3A_1033 : i32 to index
        %get3A_1035 = arith.index_cast %add3A_1032 : i32 to index
        %get3A_1036 = tpu.vector_load %arg6[%get3A_1034, %get3A_1035] {strides = array<i32>} : memref<16x1024xf32, #tpu.memory_space<vmem>>, vector<1x16xf32>,
        %get3A_1037 = vector.shape_cast %get3A_1036 : vector<1x16xf32> to vector<16xf32>
        %mul3A_1038 = arith.mulf %get3A_1037, %get3A_922 : vector<16xf32>
        %add3A_1039 = arith.addf %add3A_890, %mul3A_1038 : vector<16xf32>
        %add3A_1040 = arith.constant 32 : i32
        %add3A_1041 = arith.addi %mul3A_620, %add3A_1040 : i32
        %get3A_1042 = arith.constant 13 : i32
        %get3A_1043 = arith.index_cast %get3A_1042 : i32 to index
        %get3A_1044 = arith.index_cast %add3A_1041 : i32 to index
        %get3A_1045 = tpu.vector_load %arg6[%get3A_1043, %get3A_1044] {strides = array<i32>} : memref<16x1024xf32, #tpu.memory_space<vmem>>, vector<1x16xf32>,
        %get3A_1046 = vector.shape_cast %get3A_1045 : vector<1x16xf32> to vector<16xf32>
        %mul3A_1047 = arith.mulf %get3A_1046, %get3A_922 : vector<16xf32>
        %add3A_1048 = arith.addf %add3A_899, %mul3A_1047 : vector<16xf32>
        %add3A_1049 = arith.constant 32 : i32
        %add3A_1050 = arith.addi %mul3A_620, %add3A_1049 : i32
        %get3A_1051 = arith.constant 14 : i32
        %get3A_1052 = arith.index_cast %get3A_1051 : i32 to index
        %get3A_1053 = arith.index_cast %add3A_1050 : i32 to index
        %get3A_1054 = tpu.vector_load %arg6[%get3A_1052, %get3A_1053] {strides = array<i32>} : memref<16x1024xf32, #tpu.memory_space<vmem>>, vector<1x16xf32>,
        %get3A_1055 = vector.shape_cast %get3A_1054 : vector<1x16xf32> to vector<16xf32>
        %mul3A_1056 = arith.mulf %get3A_1055, %get3A_922 : vector<16xf32>
        %add3A_1057 = arith.addf %add3A_908, %mul3A_1056 : vector<16xf32>
        %add3A_1058 = arith.constant 32 : i32
        %add3A_1059 = arith.addi %mul3A_620, %add3A_1058 : i32
        %get3A_1060 = arith.constant 15 : i32
        %get3A_1061 = arith.index_cast %get3A_1060 : i32 to index
        %get3A_1062 = arith.index_cast %add3A_1059 : i32 to index
        %get3A_1063 = tpu.vector_load %arg6[%get3A_1061, %get3A_1062] {strides = array<i32>} : memref<16x1024xf32, #tpu.memory_space<vmem>>, vector<1x16xf32>,
        %get3A_1064 = vector.shape_cast %get3A_1063 : vector<1x16xf32> to vector<16xf32>
        %mul3A_1065 = arith.mulf %get3A_1064, %get3A_922 : vector<16xf32>
        %add3A_1066 = arith.addf %add3A_917, %mul3A_1065 : vector<16xf32>
        %add3A_1067 = arith.constant 48 : i32
        %add3A_1068 = arith.addi %add3A_618, %add3A_1067 : i32
        %get3A_1069 = arith.index_cast %add3A_1068 : i32 to index
        %get3A_1070 = tpu.vector_load %arg5[%get3A_1069] {strides = array<i32>} : memref<16384xf32, #tpu.memory_space<vmem>>, vector<16xf32>,
        %get3A_1071 = vector.shape_cast %get3A_1070 : vector<16xf32> to vector<16xf32>
        %add3A_1072 = arith.constant 48 : i32
        %add3A_1073 = arith.addi %mul3A_620, %add3A_1072 : i32
        %get3A_1074 = arith.constant 0 : i32
        %get3A_1075 = arith.index_cast %get3A_1074 : i32 to index
        %get3A_1076 = arith.index_cast %add3A_1073 : i32 to index
        %get3A_1077 = tpu.vector_load %arg6[%get3A_1075, %get3A_1076] {strides = array<i32>} : memref<16x1024xf32, #tpu.memory_space<vmem>>, vector<1x16xf32>,
        %get3A_1078 = vector.shape_cast %get3A_1077 : vector<1x16xf32> to vector<16xf32>
        %mul3A_1079 = arith.mulf %get3A_1078, %get3A_1071 : vector<16xf32>
        %add3A_1080 = arith.addf %add3A_931, %mul3A_1079 : vector<16xf32>
        %add3A_1081 = arith.constant 48 : i32
        %add3A_1082 = arith.addi %mul3A_620, %add3A_1081 : i32
        %get3A_1083 = arith.constant 1 : i32
        %get3A_1084 = arith.index_cast %get3A_1083 : i32 to index
        %get3A_1085 = arith.index_cast %add3A_1082 : i32 to index
        %get3A_1086 = tpu.vector_load %arg6[%get3A_1084, %get3A_1085] {strides = array<i32>} : memref<16x1024xf32, #tpu.memory_space<vmem>>, vector<1x16xf32>,
        %get3A_1087 = vector.shape_cast %get3A_1086 : vector<1x16xf32> to vector<16xf32>
        %mul3A_1088 = arith.mulf %get3A_1087, %get3A_1071 : vector<16xf32>
        %add3A_1089 = arith.addf %add3A_940, %mul3A_1088 : vector<16xf32>
        %add3A_1090 = arith.constant 48 : i32
        %add3A_1091 = arith.addi %mul3A_620, %add3A_1090 : i32
        %get3A_1092 = arith.constant 2 : i32
        %get3A_1093 = arith.index_cast %get3A_1092 : i32 to index
        %get3A_1094 = arith.index_cast %add3A_1091 : i32 to index
        %get3A_1095 = tpu.vector_load %arg6[%get3A_1093, %get3A_1094] {strides = array<i32>} : memref<16x1024xf32, #tpu.memory_space<vmem>>, vector<1x16xf32>,
        %get3A_1096 = vector.shape_cast %get3A_1095 : vector<1x16xf32> to vector<16xf32>
        %mul3A_1097 = arith.mulf %get3A_1096, %get3A_1071 : vector<16xf32>
        %add3A_1098 = arith.addf %add3A_949, %mul3A_1097 : vector<16xf32>
        %add3A_1099 = arith.constant 48 : i32
        %add3A_1100 = arith.addi %mul3A_620, %add3A_1099 : i32
        %get3A_1101 = arith.constant 3 : i32
        %get3A_1102 = arith.index_cast %get3A_1101 : i32 to index
        %get3A_1103 = arith.index_cast %add3A_1100 : i32 to index
        %get3A_1104 = tpu.vector_load %arg6[%get3A_1102, %get3A_1103] {strides = array<i32>} : memref<16x1024xf32, #tpu.memory_space<vmem>>, vector<1x16xf32>,
        %get3A_1105 = vector.shape_cast %get3A_1104 : vector<1x16xf32> to vector<16xf32>
        %mul3A_1106 = arith.mulf %get3A_1105, %get3A_1071 : vector<16xf32>
        %add3A_1107 = arith.addf %add3A_958, %mul3A_1106 : vector<16xf32>
        %add3A_1108 = arith.constant 48 : i32
        %add3A_1109 = arith.addi %mul3A_620, %add3A_1108 : i32
        %get3A_1110 = arith.constant 4 : i32
        %get3A_1111 = arith.index_cast %get3A_1110 : i32 to index
        %get3A_1112 = arith.index_cast %add3A_1109 : i32 to index
        %get3A_1113 = tpu.vector_load %arg6[%get3A_1111, %get3A_1112] {strides = array<i32>} : memref<16x1024xf32, #tpu.memory_space<vmem>>, vector<1x16xf32>,
        %get3A_1114 = vector.shape_cast %get3A_1113 : vector<1x16xf32> to vector<16xf32>
        %mul3A_1115 = arith.mulf %get3A_1114, %get3A_1071 : vector<16xf32>
        %add3A_1116 = arith.addf %add3A_967, %mul3A_1115 : vector<16xf32>
        %add3A_1117 = arith.constant 48 : i32
        %add3A_1118 = arith.addi %mul3A_620, %add3A_1117 : i32
        %get3A_1119 = arith.constant 5 : i32
        %get3A_1120 = arith.index_cast %get3A_1119 : i32 to index
        %get3A_1121 = arith.index_cast %add3A_1118 : i32 to index
        %get3A_1122 = tpu.vector_load %arg6[%get3A_1120, %get3A_1121] {strides = array<i32>} : memref<16x1024xf32, #tpu.memory_space<vmem>>, vector<1x16xf32>,
        %get3A_1123 = vector.shape_cast %get3A_1122 : vector<1x16xf32> to vector<16xf32>
        %mul3A_1124 = arith.mulf %get3A_1123, %get3A_1071 : vector<16xf32>
        %add3A_1125 = arith.addf %add3A_976, %mul3A_1124 : vector<16xf32>
        %add3A_1126 = arith.constant 48 : i32
        %add3A_1127 = arith.addi %mul3A_620, %add3A_1126 : i32
        %get3A_1128 = arith.constant 6 : i32
        %get3A_1129 = arith.index_cast %get3A_1128 : i32 to index
        %get3A_1130 = arith.index_cast %add3A_1127 : i32 to index
        %get3A_1131 = tpu.vector_load %arg6[%get3A_1129, %get3A_1130] {strides = array<i32>} : memref<16x1024xf32, #tpu.memory_space<vmem>>, vector<1x16xf32>,
        %get3A_1132 = vector.shape_cast %get3A_1131 : vector<1x16xf32> to vector<16xf32>
        %mul3A_1133 = arith.mulf %get3A_1132, %get3A_1071 : vector<16xf32>
        %add3A_1134 = arith.addf %add3A_985, %mul3A_1133 : vector<16xf32>
        %add3A_1135 = arith.constant 48 : i32
        %add3A_1136 = arith.addi %mul3A_620, %add3A_1135 : i32
        %get3A_1137 = arith.constant 7 : i32
        %get3A_1138 = arith.index_cast %get3A_1137 : i32 to index
        %get3A_1139 = arith.index_cast %add3A_1136 : i32 to index
        %get3A_1140 = tpu.vector_load %arg6[%get3A_1138, %get3A_1139] {strides = array<i32>} : memref<16x1024xf32, #tpu.memory_space<vmem>>, vector<1x16xf32>,
        %get3A_1141 = vector.shape_cast %get3A_1140 : vector<1x16xf32> to vector<16xf32>
        %mul3A_1142 = arith.mulf %get3A_1141, %get3A_1071 : vector<16xf32>
        %add3A_1143 = arith.addf %add3A_994, %mul3A_1142 : vector<16xf32>
        %add3A_1144 = arith.constant 48 : i32
        %add3A_1145 = arith.addi %mul3A_620, %add3A_1144 : i32
        %get3A_1146 = arith.constant 8 : i32
        %get3A_1147 = arith.index_cast %get3A_1146 : i32 to index
        %get3A_1148 = arith.index_cast %add3A_1145 : i32 to index
        %get3A_1149 = tpu.vector_load %arg6[%get3A_1147, %get3A_1148] {strides = array<i32>} : memref<16x1024xf32, #tpu.memory_space<vmem>>, vector<1x16xf32>,
        %get3A_1150 = vector.shape_cast %get3A_1149 : vector<1x16xf32> to vector<16xf32>
        %mul3A_1151 = arith.mulf %get3A_1150, %get3A_1071 : vector<16xf32>
        %add3A_1152 = arith.addf %add3A_1003, %mul3A_1151 : vector<16xf32>
        %add3A_1153 = arith.constant 48 : i32
        %add3A_1154 = arith.addi %mul3A_620, %add3A_1153 : i32
        %get3A_1155 = arith.constant 9 : i32
        %get3A_1156 = arith.index_cast %get3A_1155 : i32 to index
        %get3A_1157 = arith.index_cast %add3A_1154 : i32 to index
        %get3A_1158 = tpu.vector_load %arg6[%get3A_1156, %get3A_1157] {strides = array<i32>} : memref<16x1024xf32, #tpu.memory_space<vmem>>, vector<1x16xf32>,
        %get3A_1159 = vector.shape_cast %get3A_1158 : vector<1x16xf32> to vector<16xf32>
        %mul3A_1160 = arith.mulf %get3A_1159, %get3A_1071 : vector<16xf32>
        %add3A_1161 = arith.addf %add3A_1012, %mul3A_1160 : vector<16xf32>
        %add3A_1162 = arith.constant 48 : i32
        %add3A_1163 = arith.addi %mul3A_620, %add3A_1162 : i32
        %get3A_1164 = arith.constant 10 : i32
        %get3A_1165 = arith.index_cast %get3A_1164 : i32 to index
        %get3A_1166 = arith.index_cast %add3A_1163 : i32 to index
        %get3A_1167 = tpu.vector_load %arg6[%get3A_1165, %get3A_1166] {strides = array<i32>} : memref<16x1024xf32, #tpu.memory_space<vmem>>, vector<1x16xf32>,
        %get3A_1168 = vector.shape_cast %get3A_1167 : vector<1x16xf32> to vector<16xf32>
        %mul3A_1169 = arith.mulf %get3A_1168, %get3A_1071 : vector<16xf32>
        %add3A_1170 = arith.addf %add3A_1021, %mul3A_1169 : vector<16xf32>
        %add3A_1171 = arith.constant 48 : i32
        %add3A_1172 = arith.addi %mul3A_620, %add3A_1171 : i32
        %get3A_1173 = arith.constant 11 : i32
        %get3A_1174 = arith.index_cast %get3A_1173 : i32 to index
        %get3A_1175 = arith.index_cast %add3A_1172 : i32 to index
        %get3A_1176 = tpu.vector_load %arg6[%get3A_1174, %get3A_1175] {strides = array<i32>} : memref<16x1024xf32, #tpu.memory_space<vmem>>, vector<1x16xf32>,
        %get3A_1177 = vector.shape_cast %get3A_1176 : vector<1x16xf32> to vector<16xf32>
        %mul3A_1178 = arith.mulf %get3A_1177, %get3A_1071 : vector<16xf32>
        %add3A_1179 = arith.addf %add3A_1030, %mul3A_1178 : vector<16xf32>
        %add3A_1180 = arith.constant 48 : i32
        %add3A_1181 = arith.addi %mul3A_620, %add3A_1180 : i32
        %get3A_1182 = arith.constant 12 : i32
        %get3A_1183 = arith.index_cast %get3A_1182 : i32 to index
        %get3A_1184 = arith.index_cast %add3A_1181 : i32 to index
        %get3A_1185 = tpu.vector_load %arg6[%get3A_1183, %get3A_1184] {strides = array<i32>} : memref<16x1024xf32, #tpu.memory_space<vmem>>, vector<1x16xf32>,
        %get3A_1186 = vector.shape_cast %get3A_1185 : vector<1x16xf32> to vector<16xf32>
        %mul3A_1187 = arith.mulf %get3A_1186, %get3A_1071 : vector<16xf32>
        %add3A_1188 = arith.addf %add3A_1039, %mul3A_1187 : vector<16xf32>
        %add3A_1189 = arith.constant 48 : i32
        %add3A_1190 = arith.addi %mul3A_620, %add3A_1189 : i32
        %get3A_1191 = arith.constant 13 : i32
        %get3A_1192 = arith.index_cast %get3A_1191 : i32 to index
        %get3A_1193 = arith.index_cast %add3A_1190 : i32 to index
        %get3A_1194 = tpu.vector_load %arg6[%get3A_1192, %get3A_1193] {strides = array<i32>} : memref<16x1024xf32, #tpu.memory_space<vmem>>, vector<1x16xf32>,
        %get3A_1195 = vector.shape_cast %get3A_1194 : vector<1x16xf32> to vector<16xf32>
        %mul3A_1196 = arith.mulf %get3A_1195, %get3A_1071 : vector<16xf32>
        %add3A_1197 = arith.addf %add3A_1048, %mul3A_1196 : vector<16xf32>
        %add3A_1198 = arith.constant 48 : i32
        %add3A_1199 = arith.addi %mul3A_620, %add3A_1198 : i32
        %get3A_1200 = arith.constant 14 : i32
        %get3A_1201 = arith.index_cast %get3A_1200 : i32 to index
        %get3A_1202 = arith.index_cast %add3A_1199 : i32 to index
        %get3A_1203 = tpu.vector_load %arg6[%get3A_1201, %get3A_1202] {strides = array<i32>} : memref<16x1024xf32, #tpu.memory_space<vmem>>, vector<1x16xf32>,
        %get3A_1204 = vector.shape_cast %get3A_1203 : vector<1x16xf32> to vector<16xf32>
        %mul3A_1205 = arith.mulf %get3A_1204, %get3A_1071 : vector<16xf32>
        %add3A_1206 = arith.addf %add3A_1057, %mul3A_1205 : vector<16xf32>
        %add3A_1207 = arith.constant 48 : i32
        %add3A_1208 = arith.addi %mul3A_620, %add3A_1207 : i32
        %get3A_1209 = arith.constant 15 : i32
        %get3A_1210 = arith.index_cast %get3A_1209 : i32 to index
        %get3A_1211 = arith.index_cast %add3A_1208 : i32 to index
        %get3A_1212 = tpu.vector_load %arg6[%get3A_1210, %get3A_1211] {strides = array<i32>} : memref<16x1024xf32, #tpu.memory_space<vmem>>, vector<1x16xf32>,
        %get3A_1213 = vector.shape_cast %get3A_1212 : vector<1x16xf32> to vector<16xf32>
        %mul3A_1214 = arith.mulf %get3A_1213, %get3A_1071 : vector<16xf32>
        %add3A_1215 = arith.addf %add3A_1066, %mul3A_1214 : vector<16xf32>
        scf.yield %add3A_1080, %add3A_1089, %add3A_1098, %add3A_1107, %add3A_1116, %add3A_1125, %add3A_1134, %add3A_1143, %add3A_1152, %add3A_1161, %add3A_1170, %add3A_1179, %add3A_1188, %add3A_1197, %add3A_1206, %add3A_1215 : vector<16xf32>, vector<16xf32>, vector<16xf32>, vector<16xf32>, vector<16xf32>, vector<16xf32>, vector<16xf32>, vector<16xf32>, vector<16xf32>, vector<16xf32>, vector<16xf32>, vector<16xf32>, vector<16xf32>, vector<16xf32>, vector<16xf32>, vector<16xf32>
      }
      %scan3A_573 = arith.constant 16 : i32
      %add3A_574 = arith.constant 2 : i32
      %add3A_575 = arith.addi %mul3A_564, %add3A_574 : i32
      %lt3A = arith.constant 16 : i32
      %lt3A_576 = arith.cmpi slt, %add3A_575, %lt3A : i32
      %convert_element_type3A = arith.extui %lt3A_576 : i1 to i32
      %cond3A = arith.constant 0 : i32
      %cond3A_577 = arith.cmpi ne, %convert_element_type3A, %cond3A : i32
      scf.if %cond3A_577 {
        %add3A_597 = arith.constant 2 : i32
        %add3A_598 = arith.addi %mul3A_564, %add3A_597 : i32
        %mul3A_599 = arith.constant 1024 : i32
        %mul3A_600 = arith.muli %add3A_598, %mul3A_599 : i32
        %dma_start3A_601 = tpu.memref_slice %arg2[%mul3A_2, %mul3A_600] : memref<1024x16384xf32, #tpu.memory_space<hbm>> -> memref<16x1024xf32, #tpu.memory_space<hbm>>
        %dma_start3A_602 = tpu.memref_slice %arg2[%mul3A_2, %mul3A_600] : memref<1024x16384xf32, #tpu.memory_space<hbm>> -> memref<16x1024xf32, #tpu.memory_space<hbm>>
        tpu.enqueue_dma source(%dma_start3A_602 : memref<16x1024xf32, #tpu.memory_space<hbm>>) target(%arg6 : memref<16x1024xf32, #tpu.memory_space<vmem>>) target_semaphore(%arg9 : memref<!tpu.dma_semaphore, #tpu.memory_space<semaphore_mem>>)
      } else {
      }
      %add3A_578 = arith.constant 1 : i32
      %add3A_579 = arith.addi %mul3A_564, %add3A_578 : i32
      %dma_wait3A_580 = arith.constant 0 : i32
      %dma_wait3A_581 = tpu.memref_slice %arg2[%mul3A_2, %dma_wait3A_580] : memref<1024x16384xf32, #tpu.memory_space<hbm>> -> memref<16x1024xf32, #tpu.memory_space<hbm>>
      %dma_wait3A_582 = arith.constant 0 : i32
      %dma_wait3A_583 = tpu.memref_slice %arg2[%mul3A_2, %dma_wait3A_582] : memref<1024x16384xf32, #tpu.memory_space<hbm>> -> memref<16x1024xf32, #tpu.memory_space<hbm>>
      tpu.wait_dma2 semaphore(%arg10 : memref<!tpu.dma_semaphore, #tpu.memory_space<semaphore_mem>>) src(%dma_wait3A_583 : memref<16x1024xf32, #tpu.memory_space<hbm>>) dst(%arg7 : memref<16x1024xf32, #tpu.memory_space<vmem>>)
      %scan3A_584 = arith.constant 0 : i32
      %scan3A_585 = arith.constant 16 : i32
      %scan3A_586 = arith.addi %scan3A_584, %scan3A_585 : i32
      %scan3A_587 = arith.constant 1 : i32
      %scan3A_588:16 = scf.for %scan3A_597 = %scan3A_584 to %scan3A_586 step %scan3A_587 iter_args(%scan3A_598 = %scan3A_572#0, %scan3A_599 = %scan3A_572#1, %scan3A_600 = %scan3A_572#2, %scan3A_601 = %scan3A_572#3, %scan3A_602 = %scan3A_572#4, %scan3A_603 = %scan3A_572#5, %scan3A_604 = %scan3A_572#6, %scan3A_605 = %scan3A_572#7, %scan3A_606 = %scan3A_572#8, %scan3A_607 = %scan3A_572#9, %scan3A_608 = %scan3A_572#10, %scan3A_609 = %scan3A_572#11, %scan3A_610 = %scan3A_572#12, %scan3A_611 = %scan3A_572#13, %scan3A_612 = %scan3A_572#14, %scan3A_613 = %scan3A_572#15) -> (vector<16xf32>, vector<16xf32>, vector<16xf32>, vector<16xf32>, vector<16xf32>, vector<16xf32>, vector<16xf32>, vector<16xf32>, vector<16xf32>, vector<16xf32>, vector<16xf32>, vector<16xf32>, vector<16xf32>, vector<16xf32>, vector<16xf32>, vector<16xf32>)  : i32 {
        %mul3A_614 = arith.constant 1024 : i32
        %mul3A_615 = arith.muli %add3A_579, %mul3A_614 : i32
        %mul3A_616 = arith.constant 64 : i32
        %mul3A_617 = arith.muli %scan3A_597, %mul3A_616 : i32
        %add3A_618 = arith.addi %mul3A_615, %mul3A_617 : i32
        %mul3A_619 = arith.constant 64 : i32
        %mul3A_620 = arith.muli %scan3A_597, %mul3A_619 : i32
        %add3A_621 = arith.constant 0 : i32
        %add3A_622 = arith.addi %add3A_618, %add3A_621 : i32
        %get3A = arith.index_cast %add3A_622 : i32 to index
        %get3A_623 = tpu.vector_load %arg5[%get3A] {strides = array<i32>} : memref<16384xf32, #tpu.memory_space<vmem>>, vector<16xf32>,
        %get3A_624 = vector.shape_cast %get3A_623 : vector<16xf32> to vector<16xf32>
        %add3A_625 = arith.constant 0 : i32
        %add3A_626 = arith.addi %mul3A_620, %add3A_625 : i32
        %get3A_627 = arith.constant 0 : i32
        %get3A_628 = arith.index_cast %get3A_627 : i32 to index
        %get3A_629 = arith.index_cast %add3A_626 : i32 to index
        %get3A_630 = tpu.vector_load %arg7[%get3A_628, %get3A_629] {strides = array<i32>} : memref<16x1024xf32, #tpu.memory_space<vmem>>, vector<1x16xf32>,
        %get3A_631 = vector.shape_cast %get3A_630 : vector<1x16xf32> to vector<16xf32>
        %mul3A_632 = arith.mulf %get3A_631, %get3A_624 : vector<16xf32>
        %add3A_633 = arith.addf %scan3A_598, %mul3A_632 : vector<16xf32>
        %add3A_634 = arith.constant 0 : i32
        %add3A_635 = arith.addi %mul3A_620, %add3A_634 : i32
        %get3A_636 = arith.constant 1 : i32
        %get3A_637 = arith.index_cast %get3A_636 : i32 to index
        %get3A_638 = arith.index_cast %add3A_635 : i32 to index
        %get3A_639 = tpu.vector_load %arg7[%get3A_637, %get3A_638] {strides = array<i32>} : memref<16x1024xf32, #tpu.memory_space<vmem>>, vector<1x16xf32>,
        %get3A_640 = vector.shape_cast %get3A_639 : vector<1x16xf32> to vector<16xf32>
        %mul3A_641 = arith.mulf %get3A_640, %get3A_624 : vector<16xf32>
        %add3A_642 = arith.addf %scan3A_599, %mul3A_641 : vector<16xf32>
        %add3A_643 = arith.constant 0 : i32
        %add3A_644 = arith.addi %mul3A_620, %add3A_643 : i32
        %get3A_645 = arith.constant 2 : i32
        %get3A_646 = arith.index_cast %get3A_645 : i32 to index
        %get3A_647 = arith.index_cast %add3A_644 : i32 to index
        %get3A_648 = tpu.vector_load %arg7[%get3A_646, %get3A_647] {strides = array<i32>} : memref<16x1024xf32, #tpu.memory_space<vmem>>, vector<1x16xf32>,
        %get3A_649 = vector.shape_cast %get3A_648 : vector<1x16xf32> to vector<16xf32>
        %mul3A_650 = arith.mulf %get3A_649, %get3A_624 : vector<16xf32>
        %add3A_651 = arith.addf %scan3A_600, %mul3A_650 : vector<16xf32>
        %add3A_652 = arith.constant 0 : i32
        %add3A_653 = arith.addi %mul3A_620, %add3A_652 : i32
        %get3A_654 = arith.constant 3 : i32
        %get3A_655 = arith.index_cast %get3A_654 : i32 to index
        %get3A_656 = arith.index_cast %add3A_653 : i32 to index
        %get3A_657 = tpu.vector_load %arg7[%get3A_655, %get3A_656] {strides = array<i32>} : memref<16x1024xf32, #tpu.memory_space<vmem>>, vector<1x16xf32>,
        %get3A_658 = vector.shape_cast %get3A_657 : vector<1x16xf32> to vector<16xf32>
        %mul3A_659 = arith.mulf %get3A_658, %get3A_624 : vector<16xf32>
        %add3A_660 = arith.addf %scan3A_601, %mul3A_659 : vector<16xf32>
        %add3A_661 = arith.constant 0 : i32
        %add3A_662 = arith.addi %mul3A_620, %add3A_661 : i32
        %get3A_663 = arith.constant 4 : i32
        %get3A_664 = arith.index_cast %get3A_663 : i32 to index
        %get3A_665 = arith.index_cast %add3A_662 : i32 to index
        %get3A_666 = tpu.vector_load %arg7[%get3A_664, %get3A_665] {strides = array<i32>} : memref<16x1024xf32, #tpu.memory_space<vmem>>, vector<1x16xf32>,
        %get3A_667 = vector.shape_cast %get3A_666 : vector<1x16xf32> to vector<16xf32>
        %mul3A_668 = arith.mulf %get3A_667, %get3A_624 : vector<16xf32>
        %add3A_669 = arith.addf %scan3A_602, %mul3A_668 : vector<16xf32>
        %add3A_670 = arith.constant 0 : i32
        %add3A_671 = arith.addi %mul3A_620, %add3A_670 : i32
        %get3A_672 = arith.constant 5 : i32
        %get3A_673 = arith.index_cast %get3A_672 : i32 to index
        %get3A_674 = arith.index_cast %add3A_671 : i32 to index
        %get3A_675 = tpu.vector_load %arg7[%get3A_673, %get3A_674] {strides = array<i32>} : memref<16x1024xf32, #tpu.memory_space<vmem>>, vector<1x16xf32>,
        %get3A_676 = vector.shape_cast %get3A_675 : vector<1x16xf32> to vector<16xf32>
        %mul3A_677 = arith.mulf %get3A_676, %get3A_624 : vector<16xf32>
        %add3A_678 = arith.addf %scan3A_603, %mul3A_677 : vector<16xf32>
        %add3A_679 = arith.constant 0 : i32
        %add3A_680 = arith.addi %mul3A_620, %add3A_679 : i32
        %get3A_681 = arith.constant 6 : i32
        %get3A_682 = arith.index_cast %get3A_681 : i32 to index
        %get3A_683 = arith.index_cast %add3A_680 : i32 to index
        %get3A_684 = tpu.vector_load %arg7[%get3A_682, %get3A_683] {strides = array<i32>} : memref<16x1024xf32, #tpu.memory_space<vmem>>, vector<1x16xf32>,
        %get3A_685 = vector.shape_cast %get3A_684 : vector<1x16xf32> to vector<16xf32>
        %mul3A_686 = arith.mulf %get3A_685, %get3A_624 : vector<16xf32>
        %add3A_687 = arith.addf %scan3A_604, %mul3A_686 : vector<16xf32>
        %add3A_688 = arith.constant 0 : i32
        %add3A_689 = arith.addi %mul3A_620, %add3A_688 : i32
        %get3A_690 = arith.constant 7 : i32
        %get3A_691 = arith.index_cast %get3A_690 : i32 to index
        %get3A_692 = arith.index_cast %add3A_689 : i32 to index
        %get3A_693 = tpu.vector_load %arg7[%get3A_691, %get3A_692] {strides = array<i32>} : memref<16x1024xf32, #tpu.memory_space<vmem>>, vector<1x16xf32>,
        %get3A_694 = vector.shape_cast %get3A_693 : vector<1x16xf32> to vector<16xf32>
        %mul3A_695 = arith.mulf %get3A_694, %get3A_624 : vector<16xf32>
        %add3A_696 = arith.addf %scan3A_605, %mul3A_695 : vector<16xf32>
        %add3A_697 = arith.constant 0 : i32
        %add3A_698 = arith.addi %mul3A_620, %add3A_697 : i32
        %get3A_699 = arith.constant 8 : i32
        %get3A_700 = arith.index_cast %get3A_699 : i32 to index
        %get3A_701 = arith.index_cast %add3A_698 : i32 to index
        %get3A_702 = tpu.vector_load %arg7[%get3A_700, %get3A_701] {strides = array<i32>} : memref<16x1024xf32, #tpu.memory_space<vmem>>, vector<1x16xf32>,
        %get3A_703 = vector.shape_cast %get3A_702 : vector<1x16xf32> to vector<16xf32>
        %mul3A_704 = arith.mulf %get3A_703, %get3A_624 : vector<16xf32>
        %add3A_705 = arith.addf %scan3A_606, %mul3A_704 : vector<16xf32>
        %add3A_706 = arith.constant 0 : i32
        %add3A_707 = arith.addi %mul3A_620, %add3A_706 : i32
        %get3A_708 = arith.constant 9 : i32
        %get3A_709 = arith.index_cast %get3A_708 : i32 to index
        %get3A_710 = arith.index_cast %add3A_707 : i32 to index
        %get3A_711 = tpu.vector_load %arg7[%get3A_709, %get3A_710] {strides = array<i32>} : memref<16x1024xf32, #tpu.memory_space<vmem>>, vector<1x16xf32>,
        %get3A_712 = vector.shape_cast %get3A_711 : vector<1x16xf32> to vector<16xf32>
        %mul3A_713 = arith.mulf %get3A_712, %get3A_624 : vector<16xf32>
        %add3A_714 = arith.addf %scan3A_607, %mul3A_713 : vector<16xf32>
        %add3A_715 = arith.constant 0 : i32
        %add3A_716 = arith.addi %mul3A_620, %add3A_715 : i32
        %get3A_717 = arith.constant 10 : i32
        %get3A_718 = arith.index_cast %get3A_717 : i32 to index
        %get3A_719 = arith.index_cast %add3A_716 : i32 to index
        %get3A_720 = tpu.vector_load %arg7[%get3A_718, %get3A_719] {strides = array<i32>} : memref<16x1024xf32, #tpu.memory_space<vmem>>, vector<1x16xf32>,
        %get3A_721 = vector.shape_cast %get3A_720 : vector<1x16xf32> to vector<16xf32>
        %mul3A_722 = arith.mulf %get3A_721, %get3A_624 : vector<16xf32>
        %add3A_723 = arith.addf %scan3A_608, %mul3A_722 : vector<16xf32>
        %add3A_724 = arith.constant 0 : i32
        %add3A_725 = arith.addi %mul3A_620, %add3A_724 : i32
        %get3A_726 = arith.constant 11 : i32
        %get3A_727 = arith.index_cast %get3A_726 : i32 to index
        %get3A_728 = arith.index_cast %add3A_725 : i32 to index
        %get3A_729 = tpu.vector_load %arg7[%get3A_727, %get3A_728] {strides = array<i32>} : memref<16x1024xf32, #tpu.memory_space<vmem>>, vector<1x16xf32>,
        %get3A_730 = vector.shape_cast %get3A_729 : vector<1x16xf32> to vector<16xf32>
        %mul3A_731 = arith.mulf %get3A_730, %get3A_624 : vector<16xf32>
        %add3A_732 = arith.addf %scan3A_609, %mul3A_731 : vector<16xf32>
        %add3A_733 = arith.constant 0 : i32
        %add3A_734 = arith.addi %mul3A_620, %add3A_733 : i32
        %get3A_735 = arith.constant 12 : i32
        %get3A_736 = arith.index_cast %get3A_735 : i32 to index
        %get3A_737 = arith.index_cast %add3A_734 : i32 to index
        %get3A_738 = tpu.vector_load %arg7[%get3A_736, %get3A_737] {strides = array<i32>} : memref<16x1024xf32, #tpu.memory_space<vmem>>, vector<1x16xf32>,
        %get3A_739 = vector.shape_cast %get3A_738 : vector<1x16xf32> to vector<16xf32>
        %mul3A_740 = arith.mulf %get3A_739, %get3A_624 : vector<16xf32>
        %add3A_741 = arith.addf %scan3A_610, %mul3A_740 : vector<16xf32>
        %add3A_742 = arith.constant 0 : i32
        %add3A_743 = arith.addi %mul3A_620, %add3A_742 : i32
        %get3A_744 = arith.constant 13 : i32
        %get3A_745 = arith.index_cast %get3A_744 : i32 to index
        %get3A_746 = arith.index_cast %add3A_743 : i32 to index
        %get3A_747 = tpu.vector_load %arg7[%get3A_745, %get3A_746] {strides = array<i32>} : memref<16x1024xf32, #tpu.memory_space<vmem>>, vector<1x16xf32>,
        %get3A_748 = vector.shape_cast %get3A_747 : vector<1x16xf32> to vector<16xf32>
        %mul3A_749 = arith.mulf %get3A_748, %get3A_624 : vector<16xf32>
        %add3A_750 = arith.addf %scan3A_611, %mul3A_749 : vector<16xf32>
        %add3A_751 = arith.constant 0 : i32
        %add3A_752 = arith.addi %mul3A_620, %add3A_751 : i32
        %get3A_753 = arith.constant 14 : i32
        %get3A_754 = arith.index_cast %get3A_753 : i32 to index
        %get3A_755 = arith.index_cast %add3A_752 : i32 to index
        %get3A_756 = tpu.vector_load %arg7[%get3A_754, %get3A_755] {strides = array<i32>} : memref<16x1024xf32, #tpu.memory_space<vmem>>, vector<1x16xf32>,
        %get3A_757 = vector.shape_cast %get3A_756 : vector<1x16xf32> to vector<16xf32>
        %mul3A_758 = arith.mulf %get3A_757, %get3A_624 : vector<16xf32>
        %add3A_759 = arith.addf %scan3A_612, %mul3A_758 : vector<16xf32>
        %add3A_760 = arith.constant 0 : i32
        %add3A_761 = arith.addi %mul3A_620, %add3A_760 : i32
        %get3A_762 = arith.constant 15 : i32
        %get3A_763 = arith.index_cast %get3A_762 : i32 to index
        %get3A_764 = arith.index_cast %add3A_761 : i32 to index
        %get3A_765 = tpu.vector_load %arg7[%get3A_763, %get3A_764] {strides = array<i32>} : memref<16x1024xf32, #tpu.memory_space<vmem>>, vector<1x16xf32>,
        %get3A_766 = vector.shape_cast %get3A_765 : vector<1x16xf32> to vector<16xf32>
        %mul3A_767 = arith.mulf %get3A_766, %get3A_624 : vector<16xf32>
        %add3A_768 = arith.addf %scan3A_613, %mul3A_767 : vector<16xf32>
        %add3A_769 = arith.constant 16 : i32
        %add3A_770 = arith.addi %add3A_618, %add3A_769 : i32
        %get3A_771 = arith.index_cast %add3A_770 : i32 to index
        %get3A_772 = tpu.vector_load %arg5[%get3A_771] {strides = array<i32>} : memref<16384xf32, #tpu.memory_space<vmem>>, vector<16xf32>,
        %get3A_773 = vector.shape_cast %get3A_772 : vector<16xf32> to vector<16xf32>
        %add3A_774 = arith.constant 16 : i32
        %add3A_775 = arith.addi %mul3A_620, %add3A_774 : i32
        %get3A_776 = arith.constant 0 : i32
        %get3A_777 = arith.index_cast %get3A_776 : i32 to index
        %get3A_778 = arith.index_cast %add3A_775 : i32 to index
        %get3A_779 = tpu.vector_load %arg7[%get3A_777, %get3A_778] {strides = array<i32>} : memref<16x1024xf32, #tpu.memory_space<vmem>>, vector<1x16xf32>,
        %get3A_780 = vector.shape_cast %get3A_779 : vector<1x16xf32> to vector<16xf32>
        %mul3A_781 = arith.mulf %get3A_780, %get3A_773 : vector<16xf32>
        %add3A_782 = arith.addf %add3A_633, %mul3A_781 : vector<16xf32>
        %add3A_783 = arith.constant 16 : i32
        %add3A_784 = arith.addi %mul3A_620, %add3A_783 : i32
        %get3A_785 = arith.constant 1 : i32
        %get3A_786 = arith.index_cast %get3A_785 : i32 to index
        %get3A_787 = arith.index_cast %add3A_784 : i32 to index
        %get3A_788 = tpu.vector_load %arg7[%get3A_786, %get3A_787] {strides = array<i32>} : memref<16x1024xf32, #tpu.memory_space<vmem>>, vector<1x16xf32>,
        %get3A_789 = vector.shape_cast %get3A_788 : vector<1x16xf32> to vector<16xf32>
        %mul3A_790 = arith.mulf %get3A_789, %get3A_773 : vector<16xf32>
        %add3A_791 = arith.addf %add3A_642, %mul3A_790 : vector<16xf32>
        %add3A_792 = arith.constant 16 : i32
        %add3A_793 = arith.addi %mul3A_620, %add3A_792 : i32
        %get3A_794 = arith.constant 2 : i32
        %get3A_795 = arith.index_cast %get3A_794 : i32 to index
        %get3A_796 = arith.index_cast %add3A_793 : i32 to index
        %get3A_797 = tpu.vector_load %arg7[%get3A_795, %get3A_796] {strides = array<i32>} : memref<16x1024xf32, #tpu.memory_space<vmem>>, vector<1x16xf32>,
        %get3A_798 = vector.shape_cast %get3A_797 : vector<1x16xf32> to vector<16xf32>
        %mul3A_799 = arith.mulf %get3A_798, %get3A_773 : vector<16xf32>
        %add3A_800 = arith.addf %add3A_651, %mul3A_799 : vector<16xf32>
        %add3A_801 = arith.constant 16 : i32
        %add3A_802 = arith.addi %mul3A_620, %add3A_801 : i32
        %get3A_803 = arith.constant 3 : i32
        %get3A_804 = arith.index_cast %get3A_803 : i32 to index
        %get3A_805 = arith.index_cast %add3A_802 : i32 to index
        %get3A_806 = tpu.vector_load %arg7[%get3A_804, %get3A_805] {strides = array<i32>} : memref<16x1024xf32, #tpu.memory_space<vmem>>, vector<1x16xf32>,
        %get3A_807 = vector.shape_cast %get3A_806 : vector<1x16xf32> to vector<16xf32>
        %mul3A_808 = arith.mulf %get3A_807, %get3A_773 : vector<16xf32>
        %add3A_809 = arith.addf %add3A_660, %mul3A_808 : vector<16xf32>
        %add3A_810 = arith.constant 16 : i32
        %add3A_811 = arith.addi %mul3A_620, %add3A_810 : i32
        %get3A_812 = arith.constant 4 : i32
        %get3A_813 = arith.index_cast %get3A_812 : i32 to index
        %get3A_814 = arith.index_cast %add3A_811 : i32 to index
        %get3A_815 = tpu.vector_load %arg7[%get3A_813, %get3A_814] {strides = array<i32>} : memref<16x1024xf32, #tpu.memory_space<vmem>>, vector<1x16xf32>,
        %get3A_816 = vector.shape_cast %get3A_815 : vector<1x16xf32> to vector<16xf32>
        %mul3A_817 = arith.mulf %get3A_816, %get3A_773 : vector<16xf32>
        %add3A_818 = arith.addf %add3A_669, %mul3A_817 : vector<16xf32>
        %add3A_819 = arith.constant 16 : i32
        %add3A_820 = arith.addi %mul3A_620, %add3A_819 : i32
        %get3A_821 = arith.constant 5 : i32
        %get3A_822 = arith.index_cast %get3A_821 : i32 to index
        %get3A_823 = arith.index_cast %add3A_820 : i32 to index
        %get3A_824 = tpu.vector_load %arg7[%get3A_822, %get3A_823] {strides = array<i32>} : memref<16x1024xf32, #tpu.memory_space<vmem>>, vector<1x16xf32>,
        %get3A_825 = vector.shape_cast %get3A_824 : vector<1x16xf32> to vector<16xf32>
        %mul3A_826 = arith.mulf %get3A_825, %get3A_773 : vector<16xf32>
        %add3A_827 = arith.addf %add3A_678, %mul3A_826 : vector<16xf32>
        %add3A_828 = arith.constant 16 : i32
        %add3A_829 = arith.addi %mul3A_620, %add3A_828 : i32
        %get3A_830 = arith.constant 6 : i32
        %get3A_831 = arith.index_cast %get3A_830 : i32 to index
        %get3A_832 = arith.index_cast %add3A_829 : i32 to index
        %get3A_833 = tpu.vector_load %arg7[%get3A_831, %get3A_832] {strides = array<i32>} : memref<16x1024xf32, #tpu.memory_space<vmem>>, vector<1x16xf32>,
        %get3A_834 = vector.shape_cast %get3A_833 : vector<1x16xf32> to vector<16xf32>
        %mul3A_835 = arith.mulf %get3A_834, %get3A_773 : vector<16xf32>
        %add3A_836 = arith.addf %add3A_687, %mul3A_835 : vector<16xf32>
        %add3A_837 = arith.constant 16 : i32
        %add3A_838 = arith.addi %mul3A_620, %add3A_837 : i32
        %get3A_839 = arith.constant 7 : i32
        %get3A_840 = arith.index_cast %get3A_839 : i32 to index
        %get3A_841 = arith.index_cast %add3A_838 : i32 to index
        %get3A_842 = tpu.vector_load %arg7[%get3A_840, %get3A_841] {strides = array<i32>} : memref<16x1024xf32, #tpu.memory_space<vmem>>, vector<1x16xf32>,
        %get3A_843 = vector.shape_cast %get3A_842 : vector<1x16xf32> to vector<16xf32>
        %mul3A_844 = arith.mulf %get3A_843, %get3A_773 : vector<16xf32>
        %add3A_845 = arith.addf %add3A_696, %mul3A_844 : vector<16xf32>
        %add3A_846 = arith.constant 16 : i32
        %add3A_847 = arith.addi %mul3A_620, %add3A_846 : i32
        %get3A_848 = arith.constant 8 : i32
        %get3A_849 = arith.index_cast %get3A_848 : i32 to index
        %get3A_850 = arith.index_cast %add3A_847 : i32 to index
        %get3A_851 = tpu.vector_load %arg7[%get3A_849, %get3A_850] {strides = array<i32>} : memref<16x1024xf32, #tpu.memory_space<vmem>>, vector<1x16xf32>,
        %get3A_852 = vector.shape_cast %get3A_851 : vector<1x16xf32> to vector<16xf32>
        %mul3A_853 = arith.mulf %get3A_852, %get3A_773 : vector<16xf32>
        %add3A_854 = arith.addf %add3A_705, %mul3A_853 : vector<16xf32>
        %add3A_855 = arith.constant 16 : i32
        %add3A_856 = arith.addi %mul3A_620, %add3A_855 : i32
        %get3A_857 = arith.constant 9 : i32
        %get3A_858 = arith.index_cast %get3A_857 : i32 to index
        %get3A_859 = arith.index_cast %add3A_856 : i32 to index
        %get3A_860 = tpu.vector_load %arg7[%get3A_858, %get3A_859] {strides = array<i32>} : memref<16x1024xf32, #tpu.memory_space<vmem>>, vector<1x16xf32>,
        %get3A_861 = vector.shape_cast %get3A_860 : vector<1x16xf32> to vector<16xf32>
        %mul3A_862 = arith.mulf %get3A_861, %get3A_773 : vector<16xf32>
        %add3A_863 = arith.addf %add3A_714, %mul3A_862 : vector<16xf32>
        %add3A_864 = arith.constant 16 : i32
        %add3A_865 = arith.addi %mul3A_620, %add3A_864 : i32
        %get3A_866 = arith.constant 10 : i32
        %get3A_867 = arith.index_cast %get3A_866 : i32 to index
        %get3A_868 = arith.index_cast %add3A_865 : i32 to index
        %get3A_869 = tpu.vector_load %arg7[%get3A_867, %get3A_868] {strides = array<i32>} : memref<16x1024xf32, #tpu.memory_space<vmem>>, vector<1x16xf32>,
        %get3A_870 = vector.shape_cast %get3A_869 : vector<1x16xf32> to vector<16xf32>
        %mul3A_871 = arith.mulf %get3A_870, %get3A_773 : vector<16xf32>
        %add3A_872 = arith.addf %add3A_723, %mul3A_871 : vector<16xf32>
        %add3A_873 = arith.constant 16 : i32
        %add3A_874 = arith.addi %mul3A_620, %add3A_873 : i32
        %get3A_875 = arith.constant 11 : i32
        %get3A_876 = arith.index_cast %get3A_875 : i32 to index
        %get3A_877 = arith.index_cast %add3A_874 : i32 to index
        %get3A_878 = tpu.vector_load %arg7[%get3A_876, %get3A_877] {strides = array<i32>} : memref<16x1024xf32, #tpu.memory_space<vmem>>, vector<1x16xf32>,
        %get3A_879 = vector.shape_cast %get3A_878 : vector<1x16xf32> to vector<16xf32>
        %mul3A_880 = arith.mulf %get3A_879, %get3A_773 : vector<16xf32>
        %add3A_881 = arith.addf %add3A_732, %mul3A_880 : vector<16xf32>
        %add3A_882 = arith.constant 16 : i32
        %add3A_883 = arith.addi %mul3A_620, %add3A_882 : i32
        %get3A_884 = arith.constant 12 : i32
        %get3A_885 = arith.index_cast %get3A_884 : i32 to index
        %get3A_886 = arith.index_cast %add3A_883 : i32 to index
        %get3A_887 = tpu.vector_load %arg7[%get3A_885, %get3A_886] {strides = array<i32>} : memref<16x1024xf32, #tpu.memory_space<vmem>>, vector<1x16xf32>,
        %get3A_888 = vector.shape_cast %get3A_887 : vector<1x16xf32> to vector<16xf32>
        %mul3A_889 = arith.mulf %get3A_888, %get3A_773 : vector<16xf32>
        %add3A_890 = arith.addf %add3A_741, %mul3A_889 : vector<16xf32>
        %add3A_891 = arith.constant 16 : i32
        %add3A_892 = arith.addi %mul3A_620, %add3A_891 : i32
        %get3A_893 = arith.constant 13 : i32
        %get3A_894 = arith.index_cast %get3A_893 : i32 to index
        %get3A_895 = arith.index_cast %add3A_892 : i32 to index
        %get3A_896 = tpu.vector_load %arg7[%get3A_894, %get3A_895] {strides = array<i32>} : memref<16x1024xf32, #tpu.memory_space<vmem>>, vector<1x16xf32>,
        %get3A_897 = vector.shape_cast %get3A_896 : vector<1x16xf32> to vector<16xf32>
        %mul3A_898 = arith.mulf %get3A_897, %get3A_773 : vector<16xf32>
        %add3A_899 = arith.addf %add3A_750, %mul3A_898 : vector<16xf32>
        %add3A_900 = arith.constant 16 : i32
        %add3A_901 = arith.addi %mul3A_620, %add3A_900 : i32
        %get3A_902 = arith.constant 14 : i32
        %get3A_903 = arith.index_cast %get3A_902 : i32 to index
        %get3A_904 = arith.index_cast %add3A_901 : i32 to index
        %get3A_905 = tpu.vector_load %arg7[%get3A_903, %get3A_904] {strides = array<i32>} : memref<16x1024xf32, #tpu.memory_space<vmem>>, vector<1x16xf32>,
        %get3A_906 = vector.shape_cast %get3A_905 : vector<1x16xf32> to vector<16xf32>
        %mul3A_907 = arith.mulf %get3A_906, %get3A_773 : vector<16xf32>
        %add3A_908 = arith.addf %add3A_759, %mul3A_907 : vector<16xf32>
        %add3A_909 = arith.constant 16 : i32
        %add3A_910 = arith.addi %mul3A_620, %add3A_909 : i32
        %get3A_911 = arith.constant 15 : i32
        %get3A_912 = arith.index_cast %get3A_911 : i32 to index
        %get3A_913 = arith.index_cast %add3A_910 : i32 to index
        %get3A_914 = tpu.vector_load %arg7[%get3A_912, %get3A_913] {strides = array<i32>} : memref<16x1024xf32, #tpu.memory_space<vmem>>, vector<1x16xf32>,
        %get3A_915 = vector.shape_cast %get3A_914 : vector<1x16xf32> to vector<16xf32>
        %mul3A_916 = arith.mulf %get3A_915, %get3A_773 : vector<16xf32>
        %add3A_917 = arith.addf %add3A_768, %mul3A_916 : vector<16xf32>
        %add3A_918 = arith.constant 32 : i32
        %add3A_919 = arith.addi %add3A_618, %add3A_918 : i32
        %get3A_920 = arith.index_cast %add3A_919 : i32 to index
        %get3A_921 = tpu.vector_load %arg5[%get3A_920] {strides = array<i32>} : memref<16384xf32, #tpu.memory_space<vmem>>, vector<16xf32>,
        %get3A_922 = vector.shape_cast %get3A_921 : vector<16xf32> to vector<16xf32>
        %add3A_923 = arith.constant 32 : i32
        %add3A_924 = arith.addi %mul3A_620, %add3A_923 : i32
        %get3A_925 = arith.constant 0 : i32
        %get3A_926 = arith.index_cast %get3A_925 : i32 to index
        %get3A_927 = arith.index_cast %add3A_924 : i32 to index
        %get3A_928 = tpu.vector_load %arg7[%get3A_926, %get3A_927] {strides = array<i32>} : memref<16x1024xf32, #tpu.memory_space<vmem>>, vector<1x16xf32>,
        %get3A_929 = vector.shape_cast %get3A_928 : vector<1x16xf32> to vector<16xf32>
        %mul3A_930 = arith.mulf %get3A_929, %get3A_922 : vector<16xf32>
        %add3A_931 = arith.addf %add3A_782, %mul3A_930 : vector<16xf32>
        %add3A_932 = arith.constant 32 : i32
        %add3A_933 = arith.addi %mul3A_620, %add3A_932 : i32
        %get3A_934 = arith.constant 1 : i32
        %get3A_935 = arith.index_cast %get3A_934 : i32 to index
        %get3A_936 = arith.index_cast %add3A_933 : i32 to index
        %get3A_937 = tpu.vector_load %arg7[%get3A_935, %get3A_936] {strides = array<i32>} : memref<16x1024xf32, #tpu.memory_space<vmem>>, vector<1x16xf32>,
        %get3A_938 = vector.shape_cast %get3A_937 : vector<1x16xf32> to vector<16xf32>
        %mul3A_939 = arith.mulf %get3A_938, %get3A_922 : vector<16xf32>
        %add3A_940 = arith.addf %add3A_791, %mul3A_939 : vector<16xf32>
        %add3A_941 = arith.constant 32 : i32
        %add3A_942 = arith.addi %mul3A_620, %add3A_941 : i32
        %get3A_943 = arith.constant 2 : i32
        %get3A_944 = arith.index_cast %get3A_943 : i32 to index
        %get3A_945 = arith.index_cast %add3A_942 : i32 to index
        %get3A_946 = tpu.vector_load %arg7[%get3A_944, %get3A_945] {strides = array<i32>} : memref<16x1024xf32, #tpu.memory_space<vmem>>, vector<1x16xf32>,
        %get3A_947 = vector.shape_cast %get3A_946 : vector<1x16xf32> to vector<16xf32>
        %mul3A_948 = arith.mulf %get3A_947, %get3A_922 : vector<16xf32>
        %add3A_949 = arith.addf %add3A_800, %mul3A_948 : vector<16xf32>
        %add3A_950 = arith.constant 32 : i32
        %add3A_951 = arith.addi %mul3A_620, %add3A_950 : i32
        %get3A_952 = arith.constant 3 : i32
        %get3A_953 = arith.index_cast %get3A_952 : i32 to index
        %get3A_954 = arith.index_cast %add3A_951 : i32 to index
        %get3A_955 = tpu.vector_load %arg7[%get3A_953, %get3A_954] {strides = array<i32>} : memref<16x1024xf32, #tpu.memory_space<vmem>>, vector<1x16xf32>,
        %get3A_956 = vector.shape_cast %get3A_955 : vector<1x16xf32> to vector<16xf32>
        %mul3A_957 = arith.mulf %get3A_956, %get3A_922 : vector<16xf32>
        %add3A_958 = arith.addf %add3A_809, %mul3A_957 : vector<16xf32>
        %add3A_959 = arith.constant 32 : i32
        %add3A_960 = arith.addi %mul3A_620, %add3A_959 : i32
        %get3A_961 = arith.constant 4 : i32
        %get3A_962 = arith.index_cast %get3A_961 : i32 to index
        %get3A_963 = arith.index_cast %add3A_960 : i32 to index
        %get3A_964 = tpu.vector_load %arg7[%get3A_962, %get3A_963] {strides = array<i32>} : memref<16x1024xf32, #tpu.memory_space<vmem>>, vector<1x16xf32>,
        %get3A_965 = vector.shape_cast %get3A_964 : vector<1x16xf32> to vector<16xf32>
        %mul3A_966 = arith.mulf %get3A_965, %get3A_922 : vector<16xf32>
        %add3A_967 = arith.addf %add3A_818, %mul3A_966 : vector<16xf32>
        %add3A_968 = arith.constant 32 : i32
        %add3A_969 = arith.addi %mul3A_620, %add3A_968 : i32
        %get3A_970 = arith.constant 5 : i32
        %get3A_971 = arith.index_cast %get3A_970 : i32 to index
        %get3A_972 = arith.index_cast %add3A_969 : i32 to index
        %get3A_973 = tpu.vector_load %arg7[%get3A_971, %get3A_972] {strides = array<i32>} : memref<16x1024xf32, #tpu.memory_space<vmem>>, vector<1x16xf32>,
        %get3A_974 = vector.shape_cast %get3A_973 : vector<1x16xf32> to vector<16xf32>
        %mul3A_975 = arith.mulf %get3A_974, %get3A_922 : vector<16xf32>
        %add3A_976 = arith.addf %add3A_827, %mul3A_975 : vector<16xf32>
        %add3A_977 = arith.constant 32 : i32
        %add3A_978 = arith.addi %mul3A_620, %add3A_977 : i32
        %get3A_979 = arith.constant 6 : i32
        %get3A_980 = arith.index_cast %get3A_979 : i32 to index
        %get3A_981 = arith.index_cast %add3A_978 : i32 to index
        %get3A_982 = tpu.vector_load %arg7[%get3A_980, %get3A_981] {strides = array<i32>} : memref<16x1024xf32, #tpu.memory_space<vmem>>, vector<1x16xf32>,
        %get3A_983 = vector.shape_cast %get3A_982 : vector<1x16xf32> to vector<16xf32>
        %mul3A_984 = arith.mulf %get3A_983, %get3A_922 : vector<16xf32>
        %add3A_985 = arith.addf %add3A_836, %mul3A_984 : vector<16xf32>
        %add3A_986 = arith.constant 32 : i32
        %add3A_987 = arith.addi %mul3A_620, %add3A_986 : i32
        %get3A_988 = arith.constant 7 : i32
        %get3A_989 = arith.index_cast %get3A_988 : i32 to index
        %get3A_990 = arith.index_cast %add3A_987 : i32 to index
        %get3A_991 = tpu.vector_load %arg7[%get3A_989, %get3A_990] {strides = array<i32>} : memref<16x1024xf32, #tpu.memory_space<vmem>>, vector<1x16xf32>,
        %get3A_992 = vector.shape_cast %get3A_991 : vector<1x16xf32> to vector<16xf32>
        %mul3A_993 = arith.mulf %get3A_992, %get3A_922 : vector<16xf32>
        %add3A_994 = arith.addf %add3A_845, %mul3A_993 : vector<16xf32>
        %add3A_995 = arith.constant 32 : i32
        %add3A_996 = arith.addi %mul3A_620, %add3A_995 : i32
        %get3A_997 = arith.constant 8 : i32
        %get3A_998 = arith.index_cast %get3A_997 : i32 to index
        %get3A_999 = arith.index_cast %add3A_996 : i32 to index
        %get3A_1000 = tpu.vector_load %arg7[%get3A_998, %get3A_999] {strides = array<i32>} : memref<16x1024xf32, #tpu.memory_space<vmem>>, vector<1x16xf32>,
        %get3A_1001 = vector.shape_cast %get3A_1000 : vector<1x16xf32> to vector<16xf32>
        %mul3A_1002 = arith.mulf %get3A_1001, %get3A_922 : vector<16xf32>
        %add3A_1003 = arith.addf %add3A_854, %mul3A_1002 : vector<16xf32>
        %add3A_1004 = arith.constant 32 : i32
        %add3A_1005 = arith.addi %mul3A_620, %add3A_1004 : i32
        %get3A_1006 = arith.constant 9 : i32
        %get3A_1007 = arith.index_cast %get3A_1006 : i32 to index
        %get3A_1008 = arith.index_cast %add3A_1005 : i32 to index
        %get3A_1009 = tpu.vector_load %arg7[%get3A_1007, %get3A_1008] {strides = array<i32>} : memref<16x1024xf32, #tpu.memory_space<vmem>>, vector<1x16xf32>,
        %get3A_1010 = vector.shape_cast %get3A_1009 : vector<1x16xf32> to vector<16xf32>
        %mul3A_1011 = arith.mulf %get3A_1010, %get3A_922 : vector<16xf32>
        %add3A_1012 = arith.addf %add3A_863, %mul3A_1011 : vector<16xf32>
        %add3A_1013 = arith.constant 32 : i32
        %add3A_1014 = arith.addi %mul3A_620, %add3A_1013 : i32
        %get3A_1015 = arith.constant 10 : i32
        %get3A_1016 = arith.index_cast %get3A_1015 : i32 to index
        %get3A_1017 = arith.index_cast %add3A_1014 : i32 to index
        %get3A_1018 = tpu.vector_load %arg7[%get3A_1016, %get3A_1017] {strides = array<i32>} : memref<16x1024xf32, #tpu.memory_space<vmem>>, vector<1x16xf32>,
        %get3A_1019 = vector.shape_cast %get3A_1018 : vector<1x16xf32> to vector<16xf32>
        %mul3A_1020 = arith.mulf %get3A_1019, %get3A_922 : vector<16xf32>
        %add3A_1021 = arith.addf %add3A_872, %mul3A_1020 : vector<16xf32>
        %add3A_1022 = arith.constant 32 : i32
        %add3A_1023 = arith.addi %mul3A_620, %add3A_1022 : i32
        %get3A_1024 = arith.constant 11 : i32
        %get3A_1025 = arith.index_cast %get3A_1024 : i32 to index
        %get3A_1026 = arith.index_cast %add3A_1023 : i32 to index
        %get3A_1027 = tpu.vector_load %arg7[%get3A_1025, %get3A_1026] {strides = array<i32>} : memref<16x1024xf32, #tpu.memory_space<vmem>>, vector<1x16xf32>,
        %get3A_1028 = vector.shape_cast %get3A_1027 : vector<1x16xf32> to vector<16xf32>
        %mul3A_1029 = arith.mulf %get3A_1028, %get3A_922 : vector<16xf32>
        %add3A_1030 = arith.addf %add3A_881, %mul3A_1029 : vector<16xf32>
        %add3A_1031 = arith.constant 32 : i32
        %add3A_1032 = arith.addi %mul3A_620, %add3A_1031 : i32
        %get3A_1033 = arith.constant 12 : i32
        %get3A_1034 = arith.index_cast %get3A_1033 : i32 to index
        %get3A_1035 = arith.index_cast %add3A_1032 : i32 to index
        %get3A_1036 = tpu.vector_load %arg7[%get3A_1034, %get3A_1035] {strides = array<i32>} : memref<16x1024xf32, #tpu.memory_space<vmem>>, vector<1x16xf32>,
        %get3A_1037 = vector.shape_cast %get3A_1036 : vector<1x16xf32> to vector<16xf32>
        %mul3A_1038 = arith.mulf %get3A_1037, %get3A_922 : vector<16xf32>
        %add3A_1039 = arith.addf %add3A_890, %mul3A_1038 : vector<16xf32>
        %add3A_1040 = arith.constant 32 : i32
        %add3A_1041 = arith.addi %mul3A_620, %add3A_1040 : i32
        %get3A_1042 = arith.constant 13 : i32
        %get3A_1043 = arith.index_cast %get3A_1042 : i32 to index
        %get3A_1044 = arith.index_cast %add3A_1041 : i32 to index
        %get3A_1045 = tpu.vector_load %arg7[%get3A_1043, %get3A_1044] {strides = array<i32>} : memref<16x1024xf32, #tpu.memory_space<vmem>>, vector<1x16xf32>,
        %get3A_1046 = vector.shape_cast %get3A_1045 : vector<1x16xf32> to vector<16xf32>
        %mul3A_1047 = arith.mulf %get3A_1046, %get3A_922 : vector<16xf32>
        %add3A_1048 = arith.addf %add3A_899, %mul3A_1047 : vector<16xf32>
        %add3A_1049 = arith.constant 32 : i32
        %add3A_1050 = arith.addi %mul3A_620, %add3A_1049 : i32
        %get3A_1051 = arith.constant 14 : i32
        %get3A_1052 = arith.index_cast %get3A_1051 : i32 to index
        %get3A_1053 = arith.index_cast %add3A_1050 : i32 to index
        %get3A_1054 = tpu.vector_load %arg7[%get3A_1052, %get3A_1053] {strides = array<i32>} : memref<16x1024xf32, #tpu.memory_space<vmem>>, vector<1x16xf32>,
        %get3A_1055 = vector.shape_cast %get3A_1054 : vector<1x16xf32> to vector<16xf32>
        %mul3A_1056 = arith.mulf %get3A_1055, %get3A_922 : vector<16xf32>
        %add3A_1057 = arith.addf %add3A_908, %mul3A_1056 : vector<16xf32>
        %add3A_1058 = arith.constant 32 : i32
        %add3A_1059 = arith.addi %mul3A_620, %add3A_1058 : i32
        %get3A_1060 = arith.constant 15 : i32
        %get3A_1061 = arith.index_cast %get3A_1060 : i32 to index
        %get3A_1062 = arith.index_cast %add3A_1059 : i32 to index
        %get3A_1063 = tpu.vector_load %arg7[%get3A_1061, %get3A_1062] {strides = array<i32>} : memref<16x1024xf32, #tpu.memory_space<vmem>>, vector<1x16xf32>,
        %get3A_1064 = vector.shape_cast %get3A_1063 : vector<1x16xf32> to vector<16xf32>
        %mul3A_1065 = arith.mulf %get3A_1064, %get3A_922 : vector<16xf32>
        %add3A_1066 = arith.addf %add3A_917, %mul3A_1065 : vector<16xf32>
        %add3A_1067 = arith.constant 48 : i32
        %add3A_1068 = arith.addi %add3A_618, %add3A_1067 : i32
        %get3A_1069 = arith.index_cast %add3A_1068 : i32 to index
        %get3A_1070 = tpu.vector_load %arg5[%get3A_1069] {strides = array<i32>} : memref<16384xf32, #tpu.memory_space<vmem>>, vector<16xf32>,
        %get3A_1071 = vector.shape_cast %get3A_1070 : vector<16xf32> to vector<16xf32>
        %add3A_1072 = arith.constant 48 : i32
        %add3A_1073 = arith.addi %mul3A_620, %add3A_1072 : i32
        %get3A_1074 = arith.constant 0 : i32
        %get3A_1075 = arith.index_cast %get3A_1074 : i32 to index
        %get3A_1076 = arith.index_cast %add3A_1073 : i32 to index
        %get3A_1077 = tpu.vector_load %arg7[%get3A_1075, %get3A_1076] {strides = array<i32>} : memref<16x1024xf32, #tpu.memory_space<vmem>>, vector<1x16xf32>,
        %get3A_1078 = vector.shape_cast %get3A_1077 : vector<1x16xf32> to vector<16xf32>
        %mul3A_1079 = arith.mulf %get3A_1078, %get3A_1071 : vector<16xf32>
        %add3A_1080 = arith.addf %add3A_931, %mul3A_1079 : vector<16xf32>
        %add3A_1081 = arith.constant 48 : i32
        %add3A_1082 = arith.addi %mul3A_620, %add3A_1081 : i32
        %get3A_1083 = arith.constant 1 : i32
        %get3A_1084 = arith.index_cast %get3A_1083 : i32 to index
        %get3A_1085 = arith.index_cast %add3A_1082 : i32 to index
        %get3A_1086 = tpu.vector_load %arg7[%get3A_1084, %get3A_1085] {strides = array<i32>} : memref<16x1024xf32, #tpu.memory_space<vmem>>, vector<1x16xf32>,
        %get3A_1087 = vector.shape_cast %get3A_1086 : vector<1x16xf32> to vector<16xf32>
        %mul3A_1088 = arith.mulf %get3A_1087, %get3A_1071 : vector<16xf32>
        %add3A_1089 = arith.addf %add3A_940, %mul3A_1088 : vector<16xf32>
        %add3A_1090 = arith.constant 48 : i32
        %add3A_1091 = arith.addi %mul3A_620, %add3A_1090 : i32
        %get3A_1092 = arith.constant 2 : i32
        %get3A_1093 = arith.index_cast %get3A_1092 : i32 to index
        %get3A_1094 = arith.index_cast %add3A_1091 : i32 to index
        %get3A_1095 = tpu.vector_load %arg7[%get3A_1093, %get3A_1094] {strides = array<i32>} : memref<16x1024xf32, #tpu.memory_space<vmem>>, vector<1x16xf32>,
        %get3A_1096 = vector.shape_cast %get3A_1095 : vector<1x16xf32> to vector<16xf32>
        %mul3A_1097 = arith.mulf %get3A_1096, %get3A_1071 : vector<16xf32>
        %add3A_1098 = arith.addf %add3A_949, %mul3A_1097 : vector<16xf32>
        %add3A_1099 = arith.constant 48 : i32
        %add3A_1100 = arith.addi %mul3A_620, %add3A_1099 : i32
        %get3A_1101 = arith.constant 3 : i32
        %get3A_1102 = arith.index_cast %get3A_1101 : i32 to index
        %get3A_1103 = arith.index_cast %add3A_1100 : i32 to index
        %get3A_1104 = tpu.vector_load %arg7[%get3A_1102, %get3A_1103] {strides = array<i32>} : memref<16x1024xf32, #tpu.memory_space<vmem>>, vector<1x16xf32>,
        %get3A_1105 = vector.shape_cast %get3A_1104 : vector<1x16xf32> to vector<16xf32>
        %mul3A_1106 = arith.mulf %get3A_1105, %get3A_1071 : vector<16xf32>
        %add3A_1107 = arith.addf %add3A_958, %mul3A_1106 : vector<16xf32>
        %add3A_1108 = arith.constant 48 : i32
        %add3A_1109 = arith.addi %mul3A_620, %add3A_1108 : i32
        %get3A_1110 = arith.constant 4 : i32
        %get3A_1111 = arith.index_cast %get3A_1110 : i32 to index
        %get3A_1112 = arith.index_cast %add3A_1109 : i32 to index
        %get3A_1113 = tpu.vector_load %arg7[%get3A_1111, %get3A_1112] {strides = array<i32>} : memref<16x1024xf32, #tpu.memory_space<vmem>>, vector<1x16xf32>,
        %get3A_1114 = vector.shape_cast %get3A_1113 : vector<1x16xf32> to vector<16xf32>
        %mul3A_1115 = arith.mulf %get3A_1114, %get3A_1071 : vector<16xf32>
        %add3A_1116 = arith.addf %add3A_967, %mul3A_1115 : vector<16xf32>
        %add3A_1117 = arith.constant 48 : i32
        %add3A_1118 = arith.addi %mul3A_620, %add3A_1117 : i32
        %get3A_1119 = arith.constant 5 : i32
        %get3A_1120 = arith.index_cast %get3A_1119 : i32 to index
        %get3A_1121 = arith.index_cast %add3A_1118 : i32 to index
        %get3A_1122 = tpu.vector_load %arg7[%get3A_1120, %get3A_1121] {strides = array<i32>} : memref<16x1024xf32, #tpu.memory_space<vmem>>, vector<1x16xf32>,
        %get3A_1123 = vector.shape_cast %get3A_1122 : vector<1x16xf32> to vector<16xf32>
        %mul3A_1124 = arith.mulf %get3A_1123, %get3A_1071 : vector<16xf32>
        %add3A_1125 = arith.addf %add3A_976, %mul3A_1124 : vector<16xf32>
        %add3A_1126 = arith.constant 48 : i32
        %add3A_1127 = arith.addi %mul3A_620, %add3A_1126 : i32
        %get3A_1128 = arith.constant 6 : i32
        %get3A_1129 = arith.index_cast %get3A_1128 : i32 to index
        %get3A_1130 = arith.index_cast %add3A_1127 : i32 to index
        %get3A_1131 = tpu.vector_load %arg7[%get3A_1129, %get3A_1130] {strides = array<i32>} : memref<16x1024xf32, #tpu.memory_space<vmem>>, vector<1x16xf32>,
        %get3A_1132 = vector.shape_cast %get3A_1131 : vector<1x16xf32> to vector<16xf32>
        %mul3A_1133 = arith.mulf %get3A_1132, %get3A_1071 : vector<16xf32>
        %add3A_1134 = arith.addf %add3A_985, %mul3A_1133 : vector<16xf32>
        %add3A_1135 = arith.constant 48 : i32
        %add3A_1136 = arith.addi %mul3A_620, %add3A_1135 : i32
        %get3A_1137 = arith.constant 7 : i32
        %get3A_1138 = arith.index_cast %get3A_1137 : i32 to index
        %get3A_1139 = arith.index_cast %add3A_1136 : i32 to index
        %get3A_1140 = tpu.vector_load %arg7[%get3A_1138, %get3A_1139] {strides = array<i32>} : memref<16x1024xf32, #tpu.memory_space<vmem>>, vector<1x16xf32>,
        %get3A_1141 = vector.shape_cast %get3A_1140 : vector<1x16xf32> to vector<16xf32>
        %mul3A_1142 = arith.mulf %get3A_1141, %get3A_1071 : vector<16xf32>
        %add3A_1143 = arith.addf %add3A_994, %mul3A_1142 : vector<16xf32>
        %add3A_1144 = arith.constant 48 : i32
        %add3A_1145 = arith.addi %mul3A_620, %add3A_1144 : i32
        %get3A_1146 = arith.constant 8 : i32
        %get3A_1147 = arith.index_cast %get3A_1146 : i32 to index
        %get3A_1148 = arith.index_cast %add3A_1145 : i32 to index
        %get3A_1149 = tpu.vector_load %arg7[%get3A_1147, %get3A_1148] {strides = array<i32>} : memref<16x1024xf32, #tpu.memory_space<vmem>>, vector<1x16xf32>,
        %get3A_1150 = vector.shape_cast %get3A_1149 : vector<1x16xf32> to vector<16xf32>
        %mul3A_1151 = arith.mulf %get3A_1150, %get3A_1071 : vector<16xf32>
        %add3A_1152 = arith.addf %add3A_1003, %mul3A_1151 : vector<16xf32>
        %add3A_1153 = arith.constant 48 : i32
        %add3A_1154 = arith.addi %mul3A_620, %add3A_1153 : i32
        %get3A_1155 = arith.constant 9 : i32
        %get3A_1156 = arith.index_cast %get3A_1155 : i32 to index
        %get3A_1157 = arith.index_cast %add3A_1154 : i32 to index
        %get3A_1158 = tpu.vector_load %arg7[%get3A_1156, %get3A_1157] {strides = array<i32>} : memref<16x1024xf32, #tpu.memory_space<vmem>>, vector<1x16xf32>,
        %get3A_1159 = vector.shape_cast %get3A_1158 : vector<1x16xf32> to vector<16xf32>
        %mul3A_1160 = arith.mulf %get3A_1159, %get3A_1071 : vector<16xf32>
        %add3A_1161 = arith.addf %add3A_1012, %mul3A_1160 : vector<16xf32>
        %add3A_1162 = arith.constant 48 : i32
        %add3A_1163 = arith.addi %mul3A_620, %add3A_1162 : i32
        %get3A_1164 = arith.constant 10 : i32
        %get3A_1165 = arith.index_cast %get3A_1164 : i32 to index
        %get3A_1166 = arith.index_cast %add3A_1163 : i32 to index
        %get3A_1167 = tpu.vector_load %arg7[%get3A_1165, %get3A_1166] {strides = array<i32>} : memref<16x1024xf32, #tpu.memory_space<vmem>>, vector<1x16xf32>,
        %get3A_1168 = vector.shape_cast %get3A_1167 : vector<1x16xf32> to vector<16xf32>
        %mul3A_1169 = arith.mulf %get3A_1168, %get3A_1071 : vector<16xf32>
        %add3A_1170 = arith.addf %add3A_1021, %mul3A_1169 : vector<16xf32>
        %add3A_1171 = arith.constant 48 : i32
        %add3A_1172 = arith.addi %mul3A_620, %add3A_1171 : i32
        %get3A_1173 = arith.constant 11 : i32
        %get3A_1174 = arith.index_cast %get3A_1173 : i32 to index
        %get3A_1175 = arith.index_cast %add3A_1172 : i32 to index
        %get3A_1176 = tpu.vector_load %arg7[%get3A_1174, %get3A_1175] {strides = array<i32>} : memref<16x1024xf32, #tpu.memory_space<vmem>>, vector<1x16xf32>,
        %get3A_1177 = vector.shape_cast %get3A_1176 : vector<1x16xf32> to vector<16xf32>
        %mul3A_1178 = arith.mulf %get3A_1177, %get3A_1071 : vector<16xf32>
        %add3A_1179 = arith.addf %add3A_1030, %mul3A_1178 : vector<16xf32>
        %add3A_1180 = arith.constant 48 : i32
        %add3A_1181 = arith.addi %mul3A_620, %add3A_1180 : i32
        %get3A_1182 = arith.constant 12 : i32
        %get3A_1183 = arith.index_cast %get3A_1182 : i32 to index
        %get3A_1184 = arith.index_cast %add3A_1181 : i32 to index
        %get3A_1185 = tpu.vector_load %arg7[%get3A_1183, %get3A_1184] {strides = array<i32>} : memref<16x1024xf32, #tpu.memory_space<vmem>>, vector<1x16xf32>,
        %get3A_1186 = vector.shape_cast %get3A_1185 : vector<1x16xf32> to vector<16xf32>
        %mul3A_1187 = arith.mulf %get3A_1186, %get3A_1071 : vector<16xf32>
        %add3A_1188 = arith.addf %add3A_1039, %mul3A_1187 : vector<16xf32>
        %add3A_1189 = arith.constant 48 : i32
        %add3A_1190 = arith.addi %mul3A_620, %add3A_1189 : i32
        %get3A_1191 = arith.constant 13 : i32
        %get3A_1192 = arith.index_cast %get3A_1191 : i32 to index
        %get3A_1193 = arith.index_cast %add3A_1190 : i32 to index
        %get3A_1194 = tpu.vector_load %arg7[%get3A_1192, %get3A_1193] {strides = array<i32>} : memref<16x1024xf32, #tpu.memory_space<vmem>>, vector<1x16xf32>,
        %get3A_1195 = vector.shape_cast %get3A_1194 : vector<1x16xf32> to vector<16xf32>
        %mul3A_1196 = arith.mulf %get3A_1195, %get3A_1071 : vector<16xf32>
        %add3A_1197 = arith.addf %add3A_1048, %mul3A_1196 : vector<16xf32>
        %add3A_1198 = arith.constant 48 : i32
        %add3A_1199 = arith.addi %mul3A_620, %add3A_1198 : i32
        %get3A_1200 = arith.constant 14 : i32
        %get3A_1201 = arith.index_cast %get3A_1200 : i32 to index
        %get3A_1202 = arith.index_cast %add3A_1199 : i32 to index
        %get3A_1203 = tpu.vector_load %arg7[%get3A_1201, %get3A_1202] {strides = array<i32>} : memref<16x1024xf32, #tpu.memory_space<vmem>>, vector<1x16xf32>,
        %get3A_1204 = vector.shape_cast %get3A_1203 : vector<1x16xf32> to vector<16xf32>
        %mul3A_1205 = arith.mulf %get3A_1204, %get3A_1071 : vector<16xf32>
        %add3A_1206 = arith.addf %add3A_1057, %mul3A_1205 : vector<16xf32>
        %add3A_1207 = arith.constant 48 : i32
        %add3A_1208 = arith.addi %mul3A_620, %add3A_1207 : i32
        %get3A_1209 = arith.constant 15 : i32
        %get3A_1210 = arith.index_cast %get3A_1209 : i32 to index
        %get3A_1211 = arith.index_cast %add3A_1208 : i32 to index
        %get3A_1212 = tpu.vector_load %arg7[%get3A_1210, %get3A_1211] {strides = array<i32>} : memref<16x1024xf32, #tpu.memory_space<vmem>>, vector<1x16xf32>,
        %get3A_1213 = vector.shape_cast %get3A_1212 : vector<1x16xf32> to vector<16xf32>
        %mul3A_1214 = arith.mulf %get3A_1213, %get3A_1071 : vector<16xf32>
        %add3A_1215 = arith.addf %add3A_1066, %mul3A_1214 : vector<16xf32>
        scf.yield %add3A_1080, %add3A_1089, %add3A_1098, %add3A_1107, %add3A_1116, %add3A_1125, %add3A_1134, %add3A_1143, %add3A_1152, %add3A_1161, %add3A_1170, %add3A_1179, %add3A_1188, %add3A_1197, %add3A_1206, %add3A_1215 : vector<16xf32>, vector<16xf32>, vector<16xf32>, vector<16xf32>, vector<16xf32>, vector<16xf32>, vector<16xf32>, vector<16xf32>, vector<16xf32>, vector<16xf32>, vector<16xf32>, vector<16xf32>, vector<16xf32>, vector<16xf32>, vector<16xf32>, vector<16xf32>
      }
      %scan3A_589 = arith.constant 16 : i32
      %add3A_590 = arith.constant 3 : i32
      %add3A_591 = arith.addi %mul3A_564, %add3A_590 : i32
      %lt3A_592 = arith.constant 16 : i32
      %lt3A_593 = arith.cmpi slt, %add3A_591, %lt3A_592 : i32
      %convert_element_type3A_594 = arith.extui %lt3A_593 : i1 to i32
      %cond3A_595 = arith.constant 0 : i32
      %cond3A_596 = arith.cmpi ne, %convert_element_type3A_594, %cond3A_595 : i32
      scf.if %cond3A_596 {
        %add3A_597 = arith.constant 3 : i32
        %add3A_598 = arith.addi %mul3A_564, %add3A_597 : i32
        %mul3A_599 = arith.constant 1024 : i32
        %mul3A_600 = arith.muli %add3A_598, %mul3A_599 : i32
        %dma_start3A_601 = tpu.memref_slice %arg2[%mul3A_2, %mul3A_600] : memref<1024x16384xf32, #tpu.memory_space<hbm>> -> memref<16x1024xf32, #tpu.memory_space<hbm>>
        %dma_start3A_602 = tpu.memref_slice %arg2[%mul3A_2, %mul3A_600] : memref<1024x16384xf32, #tpu.memory_space<hbm>> -> memref<16x1024xf32, #tpu.memory_space<hbm>>
        tpu.enqueue_dma source(%dma_start3A_602 : memref<16x1024xf32, #tpu.memory_space<hbm>>) target(%arg7 : memref<16x1024xf32, #tpu.memory_space<vmem>>) target_semaphore(%arg10 : memref<!tpu.dma_semaphore, #tpu.memory_space<semaphore_mem>>)
      } else {
      }
      scf.yield %scan3A_588#0, %scan3A_588#1, %scan3A_588#2, %scan3A_588#3, %scan3A_588#4, %scan3A_588#5, %scan3A_588#6, %scan3A_588#7, %scan3A_588#8, %scan3A_588#9, %scan3A_588#10, %scan3A_588#11, %scan3A_588#12, %scan3A_588#13, %scan3A_588#14, %scan3A_588#15 : vector<16xf32>, vector<16xf32>, vector<16xf32>, vector<16xf32>, vector<16xf32>, vector<16xf32>, vector<16xf32>, vector<16xf32>, vector<16xf32>, vector<16xf32>, vector<16xf32>, vector<16xf32>, vector<16xf32>, vector<16xf32>, vector<16xf32>, vector<16xf32>
    }
    %scan3A_15 = arith.constant 8 : i32
    %iota3A = tpu.iota {dimensions = array<i32: 0>} : vector<16xi32>
    %broadcast_in_dim3A_16 = arith.constant 0.000000e+00 : f32
    %broadcast_in_dim3A_17 = vector.broadcast %broadcast_in_dim3A_16 : f32 to vector<16xf32>
    %eq3A = arith.constant 0 : i32
    %eq3A_18 = vector.broadcast %eq3A : i32 to vector<16xi32>
    %eq3A_19 = arith.cmpi eq, %iota3A, %eq3A_18 : vector<16xi32>
    %iota3A_20 = tpu.iota {dimensions = array<i32: 0>} : vector<16xi32>
    %xor3A = arith.constant 8 : i32
    %xor3A_21 = vector.broadcast %xor3A : i32 to vector<16xi32>
    %xor3A_22 = arith.xori %iota3A_20, %xor3A_21 : vector<16xi32>
    %reshape3A = vector.shape_cast %xor3A_22 : vector<16xi32> to vector<16x1xi32>
    %gather3A = vector.shape_cast %reshape3A : vector<16x1xi32> to vector<16xi32>
    %gather3A_23 = tpu.dynamic_gather %scan3A_14#0[%gather3A] in [0] : vector<16xf32>, vector<16xi32> -> vector<16xf32>
    %add3A_24 = arith.addf %scan3A_14#0, %gather3A_23 : vector<16xf32>
    %xor3A_25 = arith.constant 4 : i32
    %xor3A_26 = vector.broadcast %xor3A_25 : i32 to vector<16xi32>
    %xor3A_27 = arith.xori %iota3A_20, %xor3A_26 : vector<16xi32>
    %reshape3A_28 = vector.shape_cast %xor3A_27 : vector<16xi32> to vector<16x1xi32>
    %gather3A_29 = vector.shape_cast %reshape3A_28 : vector<16x1xi32> to vector<16xi32>
    %gather3A_30 = tpu.dynamic_gather %add3A_24[%gather3A_29] in [0] : vector<16xf32>, vector<16xi32> -> vector<16xf32>
    %add3A_31 = arith.addf %add3A_24, %gather3A_30 : vector<16xf32>
    %xor3A_32 = arith.constant 2 : i32
    %xor3A_33 = vector.broadcast %xor3A_32 : i32 to vector<16xi32>
    %xor3A_34 = arith.xori %iota3A_20, %xor3A_33 : vector<16xi32>
    %reshape3A_35 = vector.shape_cast %xor3A_34 : vector<16xi32> to vector<16x1xi32>
    %gather3A_36 = vector.shape_cast %reshape3A_35 : vector<16x1xi32> to vector<16xi32>
    %gather3A_37 = tpu.dynamic_gather %add3A_31[%gather3A_36] in [0] : vector<16xf32>, vector<16xi32> -> vector<16xf32>
    %add3A_38 = arith.addf %add3A_31, %gather3A_37 : vector<16xf32>
    %xor3A_39 = arith.constant 1 : i32
    %xor3A_40 = vector.broadcast %xor3A_39 : i32 to vector<16xi32>
    %xor3A_41 = arith.xori %iota3A_20, %xor3A_40 : vector<16xi32>
    %reshape3A_42 = vector.shape_cast %xor3A_41 : vector<16xi32> to vector<16x1xi32>
    %gather3A_43 = vector.shape_cast %reshape3A_42 : vector<16x1xi32> to vector<16xi32>
    %gather3A_44 = tpu.dynamic_gather %add3A_38[%gather3A_43] in [0] : vector<16xf32>, vector<16xi32> -> vector<16xf32>
    %add3A_45 = arith.addf %add3A_38, %gather3A_44 : vector<16xf32>
    %select_n3A = arith.select %eq3A_19, %add3A_45, %broadcast_in_dim3A_17 : vector<16xi1>, vector<16xf32>
    %eq3A_46 = arith.constant 1 : i32
    %eq3A_47 = vector.broadcast %eq3A_46 : i32 to vector<16xi32>
    %eq3A_48 = arith.cmpi eq, %iota3A, %eq3A_47 : vector<16xi32>
    %iota3A_49 = tpu.iota {dimensions = array<i32: 0>} : vector<16xi32>
    %xor3A_50 = arith.constant 8 : i32
    %xor3A_51 = vector.broadcast %xor3A_50 : i32 to vector<16xi32>
    %xor3A_52 = arith.xori %iota3A_49, %xor3A_51 : vector<16xi32>
    %reshape3A_53 = vector.shape_cast %xor3A_52 : vector<16xi32> to vector<16x1xi32>
    %gather3A_54 = vector.shape_cast %reshape3A_53 : vector<16x1xi32> to vector<16xi32>
    %gather3A_55 = tpu.dynamic_gather %scan3A_14#1[%gather3A_54] in [0] : vector<16xf32>, vector<16xi32> -> vector<16xf32>
    %add3A_56 = arith.addf %scan3A_14#1, %gather3A_55 : vector<16xf32>
    %xor3A_57 = arith.constant 4 : i32
    %xor3A_58 = vector.broadcast %xor3A_57 : i32 to vector<16xi32>
    %xor3A_59 = arith.xori %iota3A_49, %xor3A_58 : vector<16xi32>
    %reshape3A_60 = vector.shape_cast %xor3A_59 : vector<16xi32> to vector<16x1xi32>
    %gather3A_61 = vector.shape_cast %reshape3A_60 : vector<16x1xi32> to vector<16xi32>
    %gather3A_62 = tpu.dynamic_gather %add3A_56[%gather3A_61] in [0] : vector<16xf32>, vector<16xi32> -> vector<16xf32>
    %add3A_63 = arith.addf %add3A_56, %gather3A_62 : vector<16xf32>
    %xor3A_64 = arith.constant 2 : i32
    %xor3A_65 = vector.broadcast %xor3A_64 : i32 to vector<16xi32>
    %xor3A_66 = arith.xori %iota3A_49, %xor3A_65 : vector<16xi32>
    %reshape3A_67 = vector.shape_cast %xor3A_66 : vector<16xi32> to vector<16x1xi32>
    %gather3A_68 = vector.shape_cast %reshape3A_67 : vector<16x1xi32> to vector<16xi32>
    %gather3A_69 = tpu.dynamic_gather %add3A_63[%gather3A_68] in [0] : vector<16xf32>, vector<16xi32> -> vector<16xf32>
    %add3A_70 = arith.addf %add3A_63, %gather3A_69 : vector<16xf32>
    %xor3A_71 = arith.constant 1 : i32
    %xor3A_72 = vector.broadcast %xor3A_71 : i32 to vector<16xi32>
    %xor3A_73 = arith.xori %iota3A_49, %xor3A_72 : vector<16xi32>
    %reshape3A_74 = vector.shape_cast %xor3A_73 : vector<16xi32> to vector<16x1xi32>
    %gather3A_75 = vector.shape_cast %reshape3A_74 : vector<16x1xi32> to vector<16xi32>
    %gather3A_76 = tpu.dynamic_gather %add3A_70[%gather3A_75] in [0] : vector<16xf32>, vector<16xi32> -> vector<16xf32>
    %add3A_77 = arith.addf %add3A_70, %gather3A_76 : vector<16xf32>
    %select_n3A_78 = arith.select %eq3A_48, %add3A_77, %select_n3A : vector<16xi1>, vector<16xf32>
    %eq3A_79 = arith.constant 2 : i32
    %eq3A_80 = vector.broadcast %eq3A_79 : i32 to vector<16xi32>
    %eq3A_81 = arith.cmpi eq, %iota3A, %eq3A_80 : vector<16xi32>
    %iota3A_82 = tpu.iota {dimensions = array<i32: 0>} : vector<16xi32>
    %xor3A_83 = arith.constant 8 : i32
    %xor3A_84 = vector.broadcast %xor3A_83 : i32 to vector<16xi32>
    %xor3A_85 = arith.xori %iota3A_82, %xor3A_84 : vector<16xi32>
    %reshape3A_86 = vector.shape_cast %xor3A_85 : vector<16xi32> to vector<16x1xi32>
    %gather3A_87 = vector.shape_cast %reshape3A_86 : vector<16x1xi32> to vector<16xi32>
    %gather3A_88 = tpu.dynamic_gather %scan3A_14#2[%gather3A_87] in [0] : vector<16xf32>, vector<16xi32> -> vector<16xf32>
    %add3A_89 = arith.addf %scan3A_14#2, %gather3A_88 : vector<16xf32>
    %xor3A_90 = arith.constant 4 : i32
    %xor3A_91 = vector.broadcast %xor3A_90 : i32 to vector<16xi32>
    %xor3A_92 = arith.xori %iota3A_82, %xor3A_91 : vector<16xi32>
    %reshape3A_93 = vector.shape_cast %xor3A_92 : vector<16xi32> to vector<16x1xi32>
    %gather3A_94 = vector.shape_cast %reshape3A_93 : vector<16x1xi32> to vector<16xi32>
    %gather3A_95 = tpu.dynamic_gather %add3A_89[%gather3A_94] in [0] : vector<16xf32>, vector<16xi32> -> vector<16xf32>
    %add3A_96 = arith.addf %add3A_89, %gather3A_95 : vector<16xf32>
    %xor3A_97 = arith.constant 2 : i32
    %xor3A_98 = vector.broadcast %xor3A_97 : i32 to vector<16xi32>
    %xor3A_99 = arith.xori %iota3A_82, %xor3A_98 : vector<16xi32>
    %reshape3A_100 = vector.shape_cast %xor3A_99 : vector<16xi32> to vector<16x1xi32>
    %gather3A_101 = vector.shape_cast %reshape3A_100 : vector<16x1xi32> to vector<16xi32>
    %gather3A_102 = tpu.dynamic_gather %add3A_96[%gather3A_101] in [0] : vector<16xf32>, vector<16xi32> -> vector<16xf32>
    %add3A_103 = arith.addf %add3A_96, %gather3A_102 : vector<16xf32>
    %xor3A_104 = arith.constant 1 : i32
    %xor3A_105 = vector.broadcast %xor3A_104 : i32 to vector<16xi32>
    %xor3A_106 = arith.xori %iota3A_82, %xor3A_105 : vector<16xi32>
    %reshape3A_107 = vector.shape_cast %xor3A_106 : vector<16xi32> to vector<16x1xi32>
    %gather3A_108 = vector.shape_cast %reshape3A_107 : vector<16x1xi32> to vector<16xi32>
    %gather3A_109 = tpu.dynamic_gather %add3A_103[%gather3A_108] in [0] : vector<16xf32>, vector<16xi32> -> vector<16xf32>
    %add3A_110 = arith.addf %add3A_103, %gather3A_109 : vector<16xf32>
    %select_n3A_111 = arith.select %eq3A_81, %add3A_110, %select_n3A_78 : vector<16xi1>, vector<16xf32>
    %eq3A_112 = arith.constant 3 : i32
    %eq3A_113 = vector.broadcast %eq3A_112 : i32 to vector<16xi32>
    %eq3A_114 = arith.cmpi eq, %iota3A, %eq3A_113 : vector<16xi32>
    %iota3A_115 = tpu.iota {dimensions = array<i32: 0>} : vector<16xi32>
    %xor3A_116 = arith.constant 8 : i32
    %xor3A_117 = vector.broadcast %xor3A_116 : i32 to vector<16xi32>
    %xor3A_118 = arith.xori %iota3A_115, %xor3A_117 : vector<16xi32>
    %reshape3A_119 = vector.shape_cast %xor3A_118 : vector<16xi32> to vector<16x1xi32>
    %gather3A_120 = vector.shape_cast %reshape3A_119 : vector<16x1xi32> to vector<16xi32>
    %gather3A_121 = tpu.dynamic_gather %scan3A_14#3[%gather3A_120] in [0] : vector<16xf32>, vector<16xi32> -> vector<16xf32>
    %add3A_122 = arith.addf %scan3A_14#3, %gather3A_121 : vector<16xf32>
    %xor3A_123 = arith.constant 4 : i32
    %xor3A_124 = vector.broadcast %xor3A_123 : i32 to vector<16xi32>
    %xor3A_125 = arith.xori %iota3A_115, %xor3A_124 : vector<16xi32>
    %reshape3A_126 = vector.shape_cast %xor3A_125 : vector<16xi32> to vector<16x1xi32>
    %gather3A_127 = vector.shape_cast %reshape3A_126 : vector<16x1xi32> to vector<16xi32>
    %gather3A_128 = tpu.dynamic_gather %add3A_122[%gather3A_127] in [0] : vector<16xf32>, vector<16xi32> -> vector<16xf32>
    %add3A_129 = arith.addf %add3A_122, %gather3A_128 : vector<16xf32>
    %xor3A_130 = arith.constant 2 : i32
    %xor3A_131 = vector.broadcast %xor3A_130 : i32 to vector<16xi32>
    %xor3A_132 = arith.xori %iota3A_115, %xor3A_131 : vector<16xi32>
    %reshape3A_133 = vector.shape_cast %xor3A_132 : vector<16xi32> to vector<16x1xi32>
    %gather3A_134 = vector.shape_cast %reshape3A_133 : vector<16x1xi32> to vector<16xi32>
    %gather3A_135 = tpu.dynamic_gather %add3A_129[%gather3A_134] in [0] : vector<16xf32>, vector<16xi32> -> vector<16xf32>
    %add3A_136 = arith.addf %add3A_129, %gather3A_135 : vector<16xf32>
    %xor3A_137 = arith.constant 1 : i32
    %xor3A_138 = vector.broadcast %xor3A_137 : i32 to vector<16xi32>
    %xor3A_139 = arith.xori %iota3A_115, %xor3A_138 : vector<16xi32>
    %reshape3A_140 = vector.shape_cast %xor3A_139 : vector<16xi32> to vector<16x1xi32>
    %gather3A_141 = vector.shape_cast %reshape3A_140 : vector<16x1xi32> to vector<16xi32>
    %gather3A_142 = tpu.dynamic_gather %add3A_136[%gather3A_141] in [0] : vector<16xf32>, vector<16xi32> -> vector<16xf32>
    %add3A_143 = arith.addf %add3A_136, %gather3A_142 : vector<16xf32>
    %select_n3A_144 = arith.select %eq3A_114, %add3A_143, %select_n3A_111 : vector<16xi1>, vector<16xf32>
    %eq3A_145 = arith.constant 4 : i32
    %eq3A_146 = vector.broadcast %eq3A_145 : i32 to vector<16xi32>
    %eq3A_147 = arith.cmpi eq, %iota3A, %eq3A_146 : vector<16xi32>
    %iota3A_148 = tpu.iota {dimensions = array<i32: 0>} : vector<16xi32>
    %xor3A_149 = arith.constant 8 : i32
    %xor3A_150 = vector.broadcast %xor3A_149 : i32 to vector<16xi32>
    %xor3A_151 = arith.xori %iota3A_148, %xor3A_150 : vector<16xi32>
    %reshape3A_152 = vector.shape_cast %xor3A_151 : vector<16xi32> to vector<16x1xi32>
    %gather3A_153 = vector.shape_cast %reshape3A_152 : vector<16x1xi32> to vector<16xi32>
    %gather3A_154 = tpu.dynamic_gather %scan3A_14#4[%gather3A_153] in [0] : vector<16xf32>, vector<16xi32> -> vector<16xf32>
    %add3A_155 = arith.addf %scan3A_14#4, %gather3A_154 : vector<16xf32>
    %xor3A_156 = arith.constant 4 : i32
    %xor3A_157 = vector.broadcast %xor3A_156 : i32 to vector<16xi32>
    %xor3A_158 = arith.xori %iota3A_148, %xor3A_157 : vector<16xi32>
    %reshape3A_159 = vector.shape_cast %xor3A_158 : vector<16xi32> to vector<16x1xi32>
    %gather3A_160 = vector.shape_cast %reshape3A_159 : vector<16x1xi32> to vector<16xi32>
    %gather3A_161 = tpu.dynamic_gather %add3A_155[%gather3A_160] in [0] : vector<16xf32>, vector<16xi32> -> vector<16xf32>
    %add3A_162 = arith.addf %add3A_155, %gather3A_161 : vector<16xf32>
    %xor3A_163 = arith.constant 2 : i32
    %xor3A_164 = vector.broadcast %xor3A_163 : i32 to vector<16xi32>
    %xor3A_165 = arith.xori %iota3A_148, %xor3A_164 : vector<16xi32>
    %reshape3A_166 = vector.shape_cast %xor3A_165 : vector<16xi32> to vector<16x1xi32>
    %gather3A_167 = vector.shape_cast %reshape3A_166 : vector<16x1xi32> to vector<16xi32>
    %gather3A_168 = tpu.dynamic_gather %add3A_162[%gather3A_167] in [0] : vector<16xf32>, vector<16xi32> -> vector<16xf32>
    %add3A_169 = arith.addf %add3A_162, %gather3A_168 : vector<16xf32>
    %xor3A_170 = arith.constant 1 : i32
    %xor3A_171 = vector.broadcast %xor3A_170 : i32 to vector<16xi32>
    %xor3A_172 = arith.xori %iota3A_148, %xor3A_171 : vector<16xi32>
    %reshape3A_173 = vector.shape_cast %xor3A_172 : vector<16xi32> to vector<16x1xi32>
    %gather3A_174 = vector.shape_cast %reshape3A_173 : vector<16x1xi32> to vector<16xi32>
    %gather3A_175 = tpu.dynamic_gather %add3A_169[%gather3A_174] in [0] : vector<16xf32>, vector<16xi32> -> vector<16xf32>
    %add3A_176 = arith.addf %add3A_169, %gather3A_175 : vector<16xf32>
    %select_n3A_177 = arith.select %eq3A_147, %add3A_176, %select_n3A_144 : vector<16xi1>, vector<16xf32>
    %eq3A_178 = arith.constant 5 : i32
    %eq3A_179 = vector.broadcast %eq3A_178 : i32 to vector<16xi32>
    %eq3A_180 = arith.cmpi eq, %iota3A, %eq3A_179 : vector<16xi32>
    %iota3A_181 = tpu.iota {dimensions = array<i32: 0>} : vector<16xi32>
    %xor3A_182 = arith.constant 8 : i32
    %xor3A_183 = vector.broadcast %xor3A_182 : i32 to vector<16xi32>
    %xor3A_184 = arith.xori %iota3A_181, %xor3A_183 : vector<16xi32>
    %reshape3A_185 = vector.shape_cast %xor3A_184 : vector<16xi32> to vector<16x1xi32>
    %gather3A_186 = vector.shape_cast %reshape3A_185 : vector<16x1xi32> to vector<16xi32>
    %gather3A_187 = tpu.dynamic_gather %scan3A_14#5[%gather3A_186] in [0] : vector<16xf32>, vector<16xi32> -> vector<16xf32>
    %add3A_188 = arith.addf %scan3A_14#5, %gather3A_187 : vector<16xf32>
    %xor3A_189 = arith.constant 4 : i32
    %xor3A_190 = vector.broadcast %xor3A_189 : i32 to vector<16xi32>
    %xor3A_191 = arith.xori %iota3A_181, %xor3A_190 : vector<16xi32>
    %reshape3A_192 = vector.shape_cast %xor3A_191 : vector<16xi32> to vector<16x1xi32>
    %gather3A_193 = vector.shape_cast %reshape3A_192 : vector<16x1xi32> to vector<16xi32>
    %gather3A_194 = tpu.dynamic_gather %add3A_188[%gather3A_193] in [0] : vector<16xf32>, vector<16xi32> -> vector<16xf32>
    %add3A_195 = arith.addf %add3A_188, %gather3A_194 : vector<16xf32>
    %xor3A_196 = arith.constant 2 : i32
    %xor3A_197 = vector.broadcast %xor3A_196 : i32 to vector<16xi32>
    %xor3A_198 = arith.xori %iota3A_181, %xor3A_197 : vector<16xi32>
    %reshape3A_199 = vector.shape_cast %xor3A_198 : vector<16xi32> to vector<16x1xi32>
    %gather3A_200 = vector.shape_cast %reshape3A_199 : vector<16x1xi32> to vector<16xi32>
    %gather3A_201 = tpu.dynamic_gather %add3A_195[%gather3A_200] in [0] : vector<16xf32>, vector<16xi32> -> vector<16xf32>
    %add3A_202 = arith.addf %add3A_195, %gather3A_201 : vector<16xf32>
    %xor3A_203 = arith.constant 1 : i32
    %xor3A_204 = vector.broadcast %xor3A_203 : i32 to vector<16xi32>
    %xor3A_205 = arith.xori %iota3A_181, %xor3A_204 : vector<16xi32>
    %reshape3A_206 = vector.shape_cast %xor3A_205 : vector<16xi32> to vector<16x1xi32>
    %gather3A_207 = vector.shape_cast %reshape3A_206 : vector<16x1xi32> to vector<16xi32>
    %gather3A_208 = tpu.dynamic_gather %add3A_202[%gather3A_207] in [0] : vector<16xf32>, vector<16xi32> -> vector<16xf32>
    %add3A_209 = arith.addf %add3A_202, %gather3A_208 : vector<16xf32>
    %select_n3A_210 = arith.select %eq3A_180, %add3A_209, %select_n3A_177 : vector<16xi1>, vector<16xf32>
    %eq3A_211 = arith.constant 6 : i32
    %eq3A_212 = vector.broadcast %eq3A_211 : i32 to vector<16xi32>
    %eq3A_213 = arith.cmpi eq, %iota3A, %eq3A_212 : vector<16xi32>
    %iota3A_214 = tpu.iota {dimensions = array<i32: 0>} : vector<16xi32>
    %xor3A_215 = arith.constant 8 : i32
    %xor3A_216 = vector.broadcast %xor3A_215 : i32 to vector<16xi32>
    %xor3A_217 = arith.xori %iota3A_214, %xor3A_216 : vector<16xi32>
    %reshape3A_218 = vector.shape_cast %xor3A_217 : vector<16xi32> to vector<16x1xi32>
    %gather3A_219 = vector.shape_cast %reshape3A_218 : vector<16x1xi32> to vector<16xi32>
    %gather3A_220 = tpu.dynamic_gather %scan3A_14#6[%gather3A_219] in [0] : vector<16xf32>, vector<16xi32> -> vector<16xf32>
    %add3A_221 = arith.addf %scan3A_14#6, %gather3A_220 : vector<16xf32>
    %xor3A_222 = arith.constant 4 : i32
    %xor3A_223 = vector.broadcast %xor3A_222 : i32 to vector<16xi32>
    %xor3A_224 = arith.xori %iota3A_214, %xor3A_223 : vector<16xi32>
    %reshape3A_225 = vector.shape_cast %xor3A_224 : vector<16xi32> to vector<16x1xi32>
    %gather3A_226 = vector.shape_cast %reshape3A_225 : vector<16x1xi32> to vector<16xi32>
    %gather3A_227 = tpu.dynamic_gather %add3A_221[%gather3A_226] in [0] : vector<16xf32>, vector<16xi32> -> vector<16xf32>
    %add3A_228 = arith.addf %add3A_221, %gather3A_227 : vector<16xf32>
    %xor3A_229 = arith.constant 2 : i32
    %xor3A_230 = vector.broadcast %xor3A_229 : i32 to vector<16xi32>
    %xor3A_231 = arith.xori %iota3A_214, %xor3A_230 : vector<16xi32>
    %reshape3A_232 = vector.shape_cast %xor3A_231 : vector<16xi32> to vector<16x1xi32>
    %gather3A_233 = vector.shape_cast %reshape3A_232 : vector<16x1xi32> to vector<16xi32>
    %gather3A_234 = tpu.dynamic_gather %add3A_228[%gather3A_233] in [0] : vector<16xf32>, vector<16xi32> -> vector<16xf32>
    %add3A_235 = arith.addf %add3A_228, %gather3A_234 : vector<16xf32>
    %xor3A_236 = arith.constant 1 : i32
    %xor3A_237 = vector.broadcast %xor3A_236 : i32 to vector<16xi32>
    %xor3A_238 = arith.xori %iota3A_214, %xor3A_237 : vector<16xi32>
    %reshape3A_239 = vector.shape_cast %xor3A_238 : vector<16xi32> to vector<16x1xi32>
    %gather3A_240 = vector.shape_cast %reshape3A_239 : vector<16x1xi32> to vector<16xi32>
    %gather3A_241 = tpu.dynamic_gather %add3A_235[%gather3A_240] in [0] : vector<16xf32>, vector<16xi32> -> vector<16xf32>
    %add3A_242 = arith.addf %add3A_235, %gather3A_241 : vector<16xf32>
    %select_n3A_243 = arith.select %eq3A_213, %add3A_242, %select_n3A_210 : vector<16xi1>, vector<16xf32>
    %eq3A_244 = arith.constant 7 : i32
    %eq3A_245 = vector.broadcast %eq3A_244 : i32 to vector<16xi32>
    %eq3A_246 = arith.cmpi eq, %iota3A, %eq3A_245 : vector<16xi32>
    %iota3A_247 = tpu.iota {dimensions = array<i32: 0>} : vector<16xi32>
    %xor3A_248 = arith.constant 8 : i32
    %xor3A_249 = vector.broadcast %xor3A_248 : i32 to vector<16xi32>
    %xor3A_250 = arith.xori %iota3A_247, %xor3A_249 : vector<16xi32>
    %reshape3A_251 = vector.shape_cast %xor3A_250 : vector<16xi32> to vector<16x1xi32>
    %gather3A_252 = vector.shape_cast %reshape3A_251 : vector<16x1xi32> to vector<16xi32>
    %gather3A_253 = tpu.dynamic_gather %scan3A_14#7[%gather3A_252] in [0] : vector<16xf32>, vector<16xi32> -> vector<16xf32>
    %add3A_254 = arith.addf %scan3A_14#7, %gather3A_253 : vector<16xf32>
    %xor3A_255 = arith.constant 4 : i32
    %xor3A_256 = vector.broadcast %xor3A_255 : i32 to vector<16xi32>
    %xor3A_257 = arith.xori %iota3A_247, %xor3A_256 : vector<16xi32>
    %reshape3A_258 = vector.shape_cast %xor3A_257 : vector<16xi32> to vector<16x1xi32>
    %gather3A_259 = vector.shape_cast %reshape3A_258 : vector<16x1xi32> to vector<16xi32>
    %gather3A_260 = tpu.dynamic_gather %add3A_254[%gather3A_259] in [0] : vector<16xf32>, vector<16xi32> -> vector<16xf32>
    %add3A_261 = arith.addf %add3A_254, %gather3A_260 : vector<16xf32>
    %xor3A_262 = arith.constant 2 : i32
    %xor3A_263 = vector.broadcast %xor3A_262 : i32 to vector<16xi32>
    %xor3A_264 = arith.xori %iota3A_247, %xor3A_263 : vector<16xi32>
    %reshape3A_265 = vector.shape_cast %xor3A_264 : vector<16xi32> to vector<16x1xi32>
    %gather3A_266 = vector.shape_cast %reshape3A_265 : vector<16x1xi32> to vector<16xi32>
    %gather3A_267 = tpu.dynamic_gather %add3A_261[%gather3A_266] in [0] : vector<16xf32>, vector<16xi32> -> vector<16xf32>
    %add3A_268 = arith.addf %add3A_261, %gather3A_267 : vector<16xf32>
    %xor3A_269 = arith.constant 1 : i32
    %xor3A_270 = vector.broadcast %xor3A_269 : i32 to vector<16xi32>
    %xor3A_271 = arith.xori %iota3A_247, %xor3A_270 : vector<16xi32>
    %reshape3A_272 = vector.shape_cast %xor3A_271 : vector<16xi32> to vector<16x1xi32>
    %gather3A_273 = vector.shape_cast %reshape3A_272 : vector<16x1xi32> to vector<16xi32>
    %gather3A_274 = tpu.dynamic_gather %add3A_268[%gather3A_273] in [0] : vector<16xf32>, vector<16xi32> -> vector<16xf32>
    %add3A_275 = arith.addf %add3A_268, %gather3A_274 : vector<16xf32>
    %select_n3A_276 = arith.select %eq3A_246, %add3A_275, %select_n3A_243 : vector<16xi1>, vector<16xf32>
    %eq3A_277 = arith.constant 8 : i32
    %eq3A_278 = vector.broadcast %eq3A_277 : i32 to vector<16xi32>
    %eq3A_279 = arith.cmpi eq, %iota3A, %eq3A_278 : vector<16xi32>
    %iota3A_280 = tpu.iota {dimensions = array<i32: 0>} : vector<16xi32>
    %xor3A_281 = arith.constant 8 : i32
    %xor3A_282 = vector.broadcast %xor3A_281 : i32 to vector<16xi32>
    %xor3A_283 = arith.xori %iota3A_280, %xor3A_282 : vector<16xi32>
    %reshape3A_284 = vector.shape_cast %xor3A_283 : vector<16xi32> to vector<16x1xi32>
    %gather3A_285 = vector.shape_cast %reshape3A_284 : vector<16x1xi32> to vector<16xi32>
    %gather3A_286 = tpu.dynamic_gather %scan3A_14#8[%gather3A_285] in [0] : vector<16xf32>, vector<16xi32> -> vector<16xf32>
    %add3A_287 = arith.addf %scan3A_14#8, %gather3A_286 : vector<16xf32>
    %xor3A_288 = arith.constant 4 : i32
    %xor3A_289 = vector.broadcast %xor3A_288 : i32 to vector<16xi32>
    %xor3A_290 = arith.xori %iota3A_280, %xor3A_289 : vector<16xi32>
    %reshape3A_291 = vector.shape_cast %xor3A_290 : vector<16xi32> to vector<16x1xi32>
    %gather3A_292 = vector.shape_cast %reshape3A_291 : vector<16x1xi32> to vector<16xi32>
    %gather3A_293 = tpu.dynamic_gather %add3A_287[%gather3A_292] in [0] : vector<16xf32>, vector<16xi32> -> vector<16xf32>
    %add3A_294 = arith.addf %add3A_287, %gather3A_293 : vector<16xf32>
    %xor3A_295 = arith.constant 2 : i32
    %xor3A_296 = vector.broadcast %xor3A_295 : i32 to vector<16xi32>
    %xor3A_297 = arith.xori %iota3A_280, %xor3A_296 : vector<16xi32>
    %reshape3A_298 = vector.shape_cast %xor3A_297 : vector<16xi32> to vector<16x1xi32>
    %gather3A_299 = vector.shape_cast %reshape3A_298 : vector<16x1xi32> to vector<16xi32>
    %gather3A_300 = tpu.dynamic_gather %add3A_294[%gather3A_299] in [0] : vector<16xf32>, vector<16xi32> -> vector<16xf32>
    %add3A_301 = arith.addf %add3A_294, %gather3A_300 : vector<16xf32>
    %xor3A_302 = arith.constant 1 : i32
    %xor3A_303 = vector.broadcast %xor3A_302 : i32 to vector<16xi32>
    %xor3A_304 = arith.xori %iota3A_280, %xor3A_303 : vector<16xi32>
    %reshape3A_305 = vector.shape_cast %xor3A_304 : vector<16xi32> to vector<16x1xi32>
    %gather3A_306 = vector.shape_cast %reshape3A_305 : vector<16x1xi32> to vector<16xi32>
    %gather3A_307 = tpu.dynamic_gather %add3A_301[%gather3A_306] in [0] : vector<16xf32>, vector<16xi32> -> vector<16xf32>
    %add3A_308 = arith.addf %add3A_301, %gather3A_307 : vector<16xf32>
    %select_n3A_309 = arith.select %eq3A_279, %add3A_308, %select_n3A_276 : vector<16xi1>, vector<16xf32>
    %eq3A_310 = arith.constant 9 : i32
    %eq3A_311 = vector.broadcast %eq3A_310 : i32 to vector<16xi32>
    %eq3A_312 = arith.cmpi eq, %iota3A, %eq3A_311 : vector<16xi32>
    %iota3A_313 = tpu.iota {dimensions = array<i32: 0>} : vector<16xi32>
    %xor3A_314 = arith.constant 8 : i32
    %xor3A_315 = vector.broadcast %xor3A_314 : i32 to vector<16xi32>
    %xor3A_316 = arith.xori %iota3A_313, %xor3A_315 : vector<16xi32>
    %reshape3A_317 = vector.shape_cast %xor3A_316 : vector<16xi32> to vector<16x1xi32>
    %gather3A_318 = vector.shape_cast %reshape3A_317 : vector<16x1xi32> to vector<16xi32>
    %gather3A_319 = tpu.dynamic_gather %scan3A_14#9[%gather3A_318] in [0] : vector<16xf32>, vector<16xi32> -> vector<16xf32>
    %add3A_320 = arith.addf %scan3A_14#9, %gather3A_319 : vector<16xf32>
    %xor3A_321 = arith.constant 4 : i32
    %xor3A_322 = vector.broadcast %xor3A_321 : i32 to vector<16xi32>
    %xor3A_323 = arith.xori %iota3A_313, %xor3A_322 : vector<16xi32>
    %reshape3A_324 = vector.shape_cast %xor3A_323 : vector<16xi32> to vector<16x1xi32>
    %gather3A_325 = vector.shape_cast %reshape3A_324 : vector<16x1xi32> to vector<16xi32>
    %gather3A_326 = tpu.dynamic_gather %add3A_320[%gather3A_325] in [0] : vector<16xf32>, vector<16xi32> -> vector<16xf32>
    %add3A_327 = arith.addf %add3A_320, %gather3A_326 : vector<16xf32>
    %xor3A_328 = arith.constant 2 : i32
    %xor3A_329 = vector.broadcast %xor3A_328 : i32 to vector<16xi32>
    %xor3A_330 = arith.xori %iota3A_313, %xor3A_329 : vector<16xi32>
    %reshape3A_331 = vector.shape_cast %xor3A_330 : vector<16xi32> to vector<16x1xi32>
    %gather3A_332 = vector.shape_cast %reshape3A_331 : vector<16x1xi32> to vector<16xi32>
    %gather3A_333 = tpu.dynamic_gather %add3A_327[%gather3A_332] in [0] : vector<16xf32>, vector<16xi32> -> vector<16xf32>
    %add3A_334 = arith.addf %add3A_327, %gather3A_333 : vector<16xf32>
    %xor3A_335 = arith.constant 1 : i32
    %xor3A_336 = vector.broadcast %xor3A_335 : i32 to vector<16xi32>
    %xor3A_337 = arith.xori %iota3A_313, %xor3A_336 : vector<16xi32>
    %reshape3A_338 = vector.shape_cast %xor3A_337 : vector<16xi32> to vector<16x1xi32>
    %gather3A_339 = vector.shape_cast %reshape3A_338 : vector<16x1xi32> to vector<16xi32>
    %gather3A_340 = tpu.dynamic_gather %add3A_334[%gather3A_339] in [0] : vector<16xf32>, vector<16xi32> -> vector<16xf32>
    %add3A_341 = arith.addf %add3A_334, %gather3A_340 : vector<16xf32>
    %select_n3A_342 = arith.select %eq3A_312, %add3A_341, %select_n3A_309 : vector<16xi1>, vector<16xf32>
    %eq3A_343 = arith.constant 10 : i32
    %eq3A_344 = vector.broadcast %eq3A_343 : i32 to vector<16xi32>
    %eq3A_345 = arith.cmpi eq, %iota3A, %eq3A_344 : vector<16xi32>
    %iota3A_346 = tpu.iota {dimensions = array<i32: 0>} : vector<16xi32>
    %xor3A_347 = arith.constant 8 : i32
    %xor3A_348 = vector.broadcast %xor3A_347 : i32 to vector<16xi32>
    %xor3A_349 = arith.xori %iota3A_346, %xor3A_348 : vector<16xi32>
    %reshape3A_350 = vector.shape_cast %xor3A_349 : vector<16xi32> to vector<16x1xi32>
    %gather3A_351 = vector.shape_cast %reshape3A_350 : vector<16x1xi32> to vector<16xi32>
    %gather3A_352 = tpu.dynamic_gather %scan3A_14#10[%gather3A_351] in [0] : vector<16xf32>, vector<16xi32> -> vector<16xf32>
    %add3A_353 = arith.addf %scan3A_14#10, %gather3A_352 : vector<16xf32>
    %xor3A_354 = arith.constant 4 : i32
    %xor3A_355 = vector.broadcast %xor3A_354 : i32 to vector<16xi32>
    %xor3A_356 = arith.xori %iota3A_346, %xor3A_355 : vector<16xi32>
    %reshape3A_357 = vector.shape_cast %xor3A_356 : vector<16xi32> to vector<16x1xi32>
    %gather3A_358 = vector.shape_cast %reshape3A_357 : vector<16x1xi32> to vector<16xi32>
    %gather3A_359 = tpu.dynamic_gather %add3A_353[%gather3A_358] in [0] : vector<16xf32>, vector<16xi32> -> vector<16xf32>
    %add3A_360 = arith.addf %add3A_353, %gather3A_359 : vector<16xf32>
    %xor3A_361 = arith.constant 2 : i32
    %xor3A_362 = vector.broadcast %xor3A_361 : i32 to vector<16xi32>
    %xor3A_363 = arith.xori %iota3A_346, %xor3A_362 : vector<16xi32>
    %reshape3A_364 = vector.shape_cast %xor3A_363 : vector<16xi32> to vector<16x1xi32>
    %gather3A_365 = vector.shape_cast %reshape3A_364 : vector<16x1xi32> to vector<16xi32>
    %gather3A_366 = tpu.dynamic_gather %add3A_360[%gather3A_365] in [0] : vector<16xf32>, vector<16xi32> -> vector<16xf32>
    %add3A_367 = arith.addf %add3A_360, %gather3A_366 : vector<16xf32>
    %xor3A_368 = arith.constant 1 : i32
    %xor3A_369 = vector.broadcast %xor3A_368 : i32 to vector<16xi32>
    %xor3A_370 = arith.xori %iota3A_346, %xor3A_369 : vector<16xi32>
    %reshape3A_371 = vector.shape_cast %xor3A_370 : vector<16xi32> to vector<16x1xi32>
    %gather3A_372 = vector.shape_cast %reshape3A_371 : vector<16x1xi32> to vector<16xi32>
    %gather3A_373 = tpu.dynamic_gather %add3A_367[%gather3A_372] in [0] : vector<16xf32>, vector<16xi32> -> vector<16xf32>
    %add3A_374 = arith.addf %add3A_367, %gather3A_373 : vector<16xf32>
    %select_n3A_375 = arith.select %eq3A_345, %add3A_374, %select_n3A_342 : vector<16xi1>, vector<16xf32>
    %eq3A_376 = arith.constant 11 : i32
    %eq3A_377 = vector.broadcast %eq3A_376 : i32 to vector<16xi32>
    %eq3A_378 = arith.cmpi eq, %iota3A, %eq3A_377 : vector<16xi32>
    %iota3A_379 = tpu.iota {dimensions = array<i32: 0>} : vector<16xi32>
    %xor3A_380 = arith.constant 8 : i32
    %xor3A_381 = vector.broadcast %xor3A_380 : i32 to vector<16xi32>
    %xor3A_382 = arith.xori %iota3A_379, %xor3A_381 : vector<16xi32>
    %reshape3A_383 = vector.shape_cast %xor3A_382 : vector<16xi32> to vector<16x1xi32>
    %gather3A_384 = vector.shape_cast %reshape3A_383 : vector<16x1xi32> to vector<16xi32>
    %gather3A_385 = tpu.dynamic_gather %scan3A_14#11[%gather3A_384] in [0] : vector<16xf32>, vector<16xi32> -> vector<16xf32>
    %add3A_386 = arith.addf %scan3A_14#11, %gather3A_385 : vector<16xf32>
    %xor3A_387 = arith.constant 4 : i32
    %xor3A_388 = vector.broadcast %xor3A_387 : i32 to vector<16xi32>
    %xor3A_389 = arith.xori %iota3A_379, %xor3A_388 : vector<16xi32>
    %reshape3A_390 = vector.shape_cast %xor3A_389 : vector<16xi32> to vector<16x1xi32>
    %gather3A_391 = vector.shape_cast %reshape3A_390 : vector<16x1xi32> to vector<16xi32>
    %gather3A_392 = tpu.dynamic_gather %add3A_386[%gather3A_391] in [0] : vector<16xf32>, vector<16xi32> -> vector<16xf32>
    %add3A_393 = arith.addf %add3A_386, %gather3A_392 : vector<16xf32>
    %xor3A_394 = arith.constant 2 : i32
    %xor3A_395 = vector.broadcast %xor3A_394 : i32 to vector<16xi32>
    %xor3A_396 = arith.xori %iota3A_379, %xor3A_395 : vector<16xi32>
    %reshape3A_397 = vector.shape_cast %xor3A_396 : vector<16xi32> to vector<16x1xi32>
    %gather3A_398 = vector.shape_cast %reshape3A_397 : vector<16x1xi32> to vector<16xi32>
    %gather3A_399 = tpu.dynamic_gather %add3A_393[%gather3A_398] in [0] : vector<16xf32>, vector<16xi32> -> vector<16xf32>
    %add3A_400 = arith.addf %add3A_393, %gather3A_399 : vector<16xf32>
    %xor3A_401 = arith.constant 1 : i32
    %xor3A_402 = vector.broadcast %xor3A_401 : i32 to vector<16xi32>
    %xor3A_403 = arith.xori %iota3A_379, %xor3A_402 : vector<16xi32>
    %reshape3A_404 = vector.shape_cast %xor3A_403 : vector<16xi32> to vector<16x1xi32>
    %gather3A_405 = vector.shape_cast %reshape3A_404 : vector<16x1xi32> to vector<16xi32>
    %gather3A_406 = tpu.dynamic_gather %add3A_400[%gather3A_405] in [0] : vector<16xf32>, vector<16xi32> -> vector<16xf32>
    %add3A_407 = arith.addf %add3A_400, %gather3A_406 : vector<16xf32>
    %select_n3A_408 = arith.select %eq3A_378, %add3A_407, %select_n3A_375 : vector<16xi1>, vector<16xf32>
    %eq3A_409 = arith.constant 12 : i32
    %eq3A_410 = vector.broadcast %eq3A_409 : i32 to vector<16xi32>
    %eq3A_411 = arith.cmpi eq, %iota3A, %eq3A_410 : vector<16xi32>
    %iota3A_412 = tpu.iota {dimensions = array<i32: 0>} : vector<16xi32>
    %xor3A_413 = arith.constant 8 : i32
    %xor3A_414 = vector.broadcast %xor3A_413 : i32 to vector<16xi32>
    %xor3A_415 = arith.xori %iota3A_412, %xor3A_414 : vector<16xi32>
    %reshape3A_416 = vector.shape_cast %xor3A_415 : vector<16xi32> to vector<16x1xi32>
    %gather3A_417 = vector.shape_cast %reshape3A_416 : vector<16x1xi32> to vector<16xi32>
    %gather3A_418 = tpu.dynamic_gather %scan3A_14#12[%gather3A_417] in [0] : vector<16xf32>, vector<16xi32> -> vector<16xf32>
    %add3A_419 = arith.addf %scan3A_14#12, %gather3A_418 : vector<16xf32>
    %xor3A_420 = arith.constant 4 : i32
    %xor3A_421 = vector.broadcast %xor3A_420 : i32 to vector<16xi32>
    %xor3A_422 = arith.xori %iota3A_412, %xor3A_421 : vector<16xi32>
    %reshape3A_423 = vector.shape_cast %xor3A_422 : vector<16xi32> to vector<16x1xi32>
    %gather3A_424 = vector.shape_cast %reshape3A_423 : vector<16x1xi32> to vector<16xi32>
    %gather3A_425 = tpu.dynamic_gather %add3A_419[%gather3A_424] in [0] : vector<16xf32>, vector<16xi32> -> vector<16xf32>
    %add3A_426 = arith.addf %add3A_419, %gather3A_425 : vector<16xf32>
    %xor3A_427 = arith.constant 2 : i32
    %xor3A_428 = vector.broadcast %xor3A_427 : i32 to vector<16xi32>
    %xor3A_429 = arith.xori %iota3A_412, %xor3A_428 : vector<16xi32>
    %reshape3A_430 = vector.shape_cast %xor3A_429 : vector<16xi32> to vector<16x1xi32>
    %gather3A_431 = vector.shape_cast %reshape3A_430 : vector<16x1xi32> to vector<16xi32>
    %gather3A_432 = tpu.dynamic_gather %add3A_426[%gather3A_431] in [0] : vector<16xf32>, vector<16xi32> -> vector<16xf32>
    %add3A_433 = arith.addf %add3A_426, %gather3A_432 : vector<16xf32>
    %xor3A_434 = arith.constant 1 : i32
    %xor3A_435 = vector.broadcast %xor3A_434 : i32 to vector<16xi32>
    %xor3A_436 = arith.xori %iota3A_412, %xor3A_435 : vector<16xi32>
    %reshape3A_437 = vector.shape_cast %xor3A_436 : vector<16xi32> to vector<16x1xi32>
    %gather3A_438 = vector.shape_cast %reshape3A_437 : vector<16x1xi32> to vector<16xi32>
    %gather3A_439 = tpu.dynamic_gather %add3A_433[%gather3A_438] in [0] : vector<16xf32>, vector<16xi32> -> vector<16xf32>
    %add3A_440 = arith.addf %add3A_433, %gather3A_439 : vector<16xf32>
    %select_n3A_441 = arith.select %eq3A_411, %add3A_440, %select_n3A_408 : vector<16xi1>, vector<16xf32>
    %eq3A_442 = arith.constant 13 : i32
    %eq3A_443 = vector.broadcast %eq3A_442 : i32 to vector<16xi32>
    %eq3A_444 = arith.cmpi eq, %iota3A, %eq3A_443 : vector<16xi32>
    %iota3A_445 = tpu.iota {dimensions = array<i32: 0>} : vector<16xi32>
    %xor3A_446 = arith.constant 8 : i32
    %xor3A_447 = vector.broadcast %xor3A_446 : i32 to vector<16xi32>
    %xor3A_448 = arith.xori %iota3A_445, %xor3A_447 : vector<16xi32>
    %reshape3A_449 = vector.shape_cast %xor3A_448 : vector<16xi32> to vector<16x1xi32>
    %gather3A_450 = vector.shape_cast %reshape3A_449 : vector<16x1xi32> to vector<16xi32>
    %gather3A_451 = tpu.dynamic_gather %scan3A_14#13[%gather3A_450] in [0] : vector<16xf32>, vector<16xi32> -> vector<16xf32>
    %add3A_452 = arith.addf %scan3A_14#13, %gather3A_451 : vector<16xf32>
    %xor3A_453 = arith.constant 4 : i32
    %xor3A_454 = vector.broadcast %xor3A_453 : i32 to vector<16xi32>
    %xor3A_455 = arith.xori %iota3A_445, %xor3A_454 : vector<16xi32>
    %reshape3A_456 = vector.shape_cast %xor3A_455 : vector<16xi32> to vector<16x1xi32>
    %gather3A_457 = vector.shape_cast %reshape3A_456 : vector<16x1xi32> to vector<16xi32>
    %gather3A_458 = tpu.dynamic_gather %add3A_452[%gather3A_457] in [0] : vector<16xf32>, vector<16xi32> -> vector<16xf32>
    %add3A_459 = arith.addf %add3A_452, %gather3A_458 : vector<16xf32>
    %xor3A_460 = arith.constant 2 : i32
    %xor3A_461 = vector.broadcast %xor3A_460 : i32 to vector<16xi32>
    %xor3A_462 = arith.xori %iota3A_445, %xor3A_461 : vector<16xi32>
    %reshape3A_463 = vector.shape_cast %xor3A_462 : vector<16xi32> to vector<16x1xi32>
    %gather3A_464 = vector.shape_cast %reshape3A_463 : vector<16x1xi32> to vector<16xi32>
    %gather3A_465 = tpu.dynamic_gather %add3A_459[%gather3A_464] in [0] : vector<16xf32>, vector<16xi32> -> vector<16xf32>
    %add3A_466 = arith.addf %add3A_459, %gather3A_465 : vector<16xf32>
    %xor3A_467 = arith.constant 1 : i32
    %xor3A_468 = vector.broadcast %xor3A_467 : i32 to vector<16xi32>
    %xor3A_469 = arith.xori %iota3A_445, %xor3A_468 : vector<16xi32>
    %reshape3A_470 = vector.shape_cast %xor3A_469 : vector<16xi32> to vector<16x1xi32>
    %gather3A_471 = vector.shape_cast %reshape3A_470 : vector<16x1xi32> to vector<16xi32>
    %gather3A_472 = tpu.dynamic_gather %add3A_466[%gather3A_471] in [0] : vector<16xf32>, vector<16xi32> -> vector<16xf32>
    %add3A_473 = arith.addf %add3A_466, %gather3A_472 : vector<16xf32>
    %select_n3A_474 = arith.select %eq3A_444, %add3A_473, %select_n3A_441 : vector<16xi1>, vector<16xf32>
    %eq3A_475 = arith.constant 14 : i32
    %eq3A_476 = vector.broadcast %eq3A_475 : i32 to vector<16xi32>
    %eq3A_477 = arith.cmpi eq, %iota3A, %eq3A_476 : vector<16xi32>
    %iota3A_478 = tpu.iota {dimensions = array<i32: 0>} : vector<16xi32>
    %xor3A_479 = arith.constant 8 : i32
    %xor3A_480 = vector.broadcast %xor3A_479 : i32 to vector<16xi32>
    %xor3A_481 = arith.xori %iota3A_478, %xor3A_480 : vector<16xi32>
    %reshape3A_482 = vector.shape_cast %xor3A_481 : vector<16xi32> to vector<16x1xi32>
    %gather3A_483 = vector.shape_cast %reshape3A_482 : vector<16x1xi32> to vector<16xi32>
    %gather3A_484 = tpu.dynamic_gather %scan3A_14#14[%gather3A_483] in [0] : vector<16xf32>, vector<16xi32> -> vector<16xf32>
    %add3A_485 = arith.addf %scan3A_14#14, %gather3A_484 : vector<16xf32>
    %xor3A_486 = arith.constant 4 : i32
    %xor3A_487 = vector.broadcast %xor3A_486 : i32 to vector<16xi32>
    %xor3A_488 = arith.xori %iota3A_478, %xor3A_487 : vector<16xi32>
    %reshape3A_489 = vector.shape_cast %xor3A_488 : vector<16xi32> to vector<16x1xi32>
    %gather3A_490 = vector.shape_cast %reshape3A_489 : vector<16x1xi32> to vector<16xi32>
    %gather3A_491 = tpu.dynamic_gather %add3A_485[%gather3A_490] in [0] : vector<16xf32>, vector<16xi32> -> vector<16xf32>
    %add3A_492 = arith.addf %add3A_485, %gather3A_491 : vector<16xf32>
    %xor3A_493 = arith.constant 2 : i32
    %xor3A_494 = vector.broadcast %xor3A_493 : i32 to vector<16xi32>
    %xor3A_495 = arith.xori %iota3A_478, %xor3A_494 : vector<16xi32>
    %reshape3A_496 = vector.shape_cast %xor3A_495 : vector<16xi32> to vector<16x1xi32>
    %gather3A_497 = vector.shape_cast %reshape3A_496 : vector<16x1xi32> to vector<16xi32>
    %gather3A_498 = tpu.dynamic_gather %add3A_492[%gather3A_497] in [0] : vector<16xf32>, vector<16xi32> -> vector<16xf32>
    %add3A_499 = arith.addf %add3A_492, %gather3A_498 : vector<16xf32>
    %xor3A_500 = arith.constant 1 : i32
    %xor3A_501 = vector.broadcast %xor3A_500 : i32 to vector<16xi32>
    %xor3A_502 = arith.xori %iota3A_478, %xor3A_501 : vector<16xi32>
    %reshape3A_503 = vector.shape_cast %xor3A_502 : vector<16xi32> to vector<16x1xi32>
    %gather3A_504 = vector.shape_cast %reshape3A_503 : vector<16x1xi32> to vector<16xi32>
    %gather3A_505 = tpu.dynamic_gather %add3A_499[%gather3A_504] in [0] : vector<16xf32>, vector<16xi32> -> vector<16xf32>
    %add3A_506 = arith.addf %add3A_499, %gather3A_505 : vector<16xf32>
    %select_n3A_507 = arith.select %eq3A_477, %add3A_506, %select_n3A_474 : vector<16xi1>, vector<16xf32>
    %eq3A_508 = arith.constant 15 : i32
    %eq3A_509 = vector.broadcast %eq3A_508 : i32 to vector<16xi32>
    %eq3A_510 = arith.cmpi eq, %iota3A, %eq3A_509 : vector<16xi32>
    %iota3A_511 = tpu.iota {dimensions = array<i32: 0>} : vector<16xi32>
    %xor3A_512 = arith.constant 8 : i32
    %xor3A_513 = vector.broadcast %xor3A_512 : i32 to vector<16xi32>
    %xor3A_514 = arith.xori %iota3A_511, %xor3A_513 : vector<16xi32>
    %reshape3A_515 = vector.shape_cast %xor3A_514 : vector<16xi32> to vector<16x1xi32>
    %gather3A_516 = vector.shape_cast %reshape3A_515 : vector<16x1xi32> to vector<16xi32>
    %gather3A_517 = tpu.dynamic_gather %scan3A_14#15[%gather3A_516] in [0] : vector<16xf32>, vector<16xi32> -> vector<16xf32>
    %add3A_518 = arith.addf %scan3A_14#15, %gather3A_517 : vector<16xf32>
    %xor3A_519 = arith.constant 4 : i32
    %xor3A_520 = vector.broadcast %xor3A_519 : i32 to vector<16xi32>
    %xor3A_521 = arith.xori %iota3A_511, %xor3A_520 : vector<16xi32>
    %reshape3A_522 = vector.shape_cast %xor3A_521 : vector<16xi32> to vector<16x1xi32>
    %gather3A_523 = vector.shape_cast %reshape3A_522 : vector<16x1xi32> to vector<16xi32>
    %gather3A_524 = tpu.dynamic_gather %add3A_518[%gather3A_523] in [0] : vector<16xf32>, vector<16xi32> -> vector<16xf32>
    %add3A_525 = arith.addf %add3A_518, %gather3A_524 : vector<16xf32>
    %xor3A_526 = arith.constant 2 : i32
    %xor3A_527 = vector.broadcast %xor3A_526 : i32 to vector<16xi32>
    %xor3A_528 = arith.xori %iota3A_511, %xor3A_527 : vector<16xi32>
    %reshape3A_529 = vector.shape_cast %xor3A_528 : vector<16xi32> to vector<16x1xi32>
    %gather3A_530 = vector.shape_cast %reshape3A_529 : vector<16x1xi32> to vector<16xi32>
    %gather3A_531 = tpu.dynamic_gather %add3A_525[%gather3A_530] in [0] : vector<16xf32>, vector<16xi32> -> vector<16xf32>
    %add3A_532 = arith.addf %add3A_525, %gather3A_531 : vector<16xf32>
    %xor3A_533 = arith.constant 1 : i32
    %xor3A_534 = vector.broadcast %xor3A_533 : i32 to vector<16xi32>
    %xor3A_535 = arith.xori %iota3A_511, %xor3A_534 : vector<16xi32>
    %reshape3A_536 = vector.shape_cast %xor3A_535 : vector<16xi32> to vector<16x1xi32>
    %gather3A_537 = vector.shape_cast %reshape3A_536 : vector<16x1xi32> to vector<16xi32>
    %gather3A_538 = tpu.dynamic_gather %add3A_532[%gather3A_537] in [0] : vector<16xf32>, vector<16xi32> -> vector<16xf32>
    %add3A_539 = arith.addf %add3A_532, %gather3A_538 : vector<16xf32>
    %select_n3A_540 = arith.select %eq3A_510, %add3A_539, %select_n3A_507 : vector<16xi1>, vector<16xf32>
    %swap3A = arith.constant 0 : index
    %swap3A_541 = tpu.vector_load %arg8[%swap3A] {strides = array<i32>} : memref<16xf32, #tpu.memory_space<vmem>>, vector<16xf32>,
    %swap3A_542 = vector.shape_cast %swap3A_541 : vector<16xf32> to vector<16xf32>
    %swap3A_543 = vector.shape_cast %select_n3A_540 : vector<16xf32> to vector<16xf32>
    tpu.vector_store %arg8[%swap3A], %swap3A_543 {strides = array<i32>} : memref<16xf32, #tpu.memory_space<vmem>>, vector<16xf32>,
    %mul3A_544 = arith.constant 16 : i32
    %mul3A_545 = arith.muli %add3A, %mul3A_544 : i32
    "tpu.region"() ({
      %run_scoped3A = tpu.sem_alloc : memref<!tpu.dma_semaphore, #tpu.memory_space<semaphore_mem>>
      %dma_start3A_546 = tpu.memref_slice %arg4[%mul3A_545] : memref<512xf32, #tpu.memory_space<hbm>> -> memref<16xf32, #tpu.memory_space<hbm>>
      %dma_start3A_547 = tpu.memref_slice %arg4[%mul3A_545] : memref<512xf32, #tpu.memory_space<hbm>> -> memref<16xf32, #tpu.memory_space<hbm>>
      tpu.enqueue_dma source(%arg8 : memref<16xf32, #tpu.memory_space<vmem>>) target(%dma_start3A_547 : memref<16xf32, #tpu.memory_space<hbm>>) target_semaphore(%run_scoped3A : memref<!tpu.dma_semaphore, #tpu.memory_space<semaphore_mem>>)
      %dma_wait3A = tpu.memref_slice %arg4[%mul3A_545] : memref<512xf32, #tpu.memory_space<hbm>> -> memref<16xf32, #tpu.memory_space<hbm>>
      %dma_wait3A_548 = tpu.memref_slice %arg4[%mul3A_545] : memref<512xf32, #tpu.memory_space<hbm>> -> memref<16xf32, #tpu.memory_space<hbm>>
      tpu.wait_dma2 semaphore(%run_scoped3A : memref<!tpu.dma_semaphore, #tpu.memory_space<semaphore_mem>>) src(%arg8 : memref<16xf32, #tpu.memory_space<vmem>>) dst(%dma_wait3A_548 : memref<16xf32, #tpu.memory_space<hbm>>)
      tpu.yield
    }) : () -> ()
    return
  }
}

module attributes {stable_mosaic.version = 14 : i64} {
  func.func @_wta_kernel(%arg0: memref<4x128xf32, #tpu.memory_space<vmem>>, %arg1: memref<4x128xf32, #tpu.memory_space<vmem>>, %arg2: memref<8x128xf32, #tpu.memory_space<vmem>>, %arg3: memref<8x128xf32, #tpu.memory_space<vmem>>) attributes {dimension_semantics = [], scalar_prefetch = 0 : i64, scratch_operands = 0 : i64, tpu.core_type = #tpu.core_type<tc>} {
    %get3A = arith.constant 0 : index
    %get3A_0 = arith.constant 0 : index
    %get3A_1 = vector.load %arg2[%get3A, %get3A_0] : memref<8x128xf32, #tpu.memory_space<vmem>>, vector<4x128xf32>
    %mul3A = arith.constant 9.875000e-01 : f32
    %mul3A_2 = vector.broadcast %mul3A : f32 to vector<4x128xf32>
    %mul3A_3 = arith.mulf %get3A_1, %mul3A_2 : vector<4x128xf32>
    %get3A_4 = arith.constant 0 : index
    %get3A_5 = arith.constant 0 : index
    %get3A_6 = vector.load %arg0[%get3A_4, %get3A_5] : memref<4x128xf32, #tpu.memory_space<vmem>>, vector<4x128xf32>
    %mul3A_7 = arith.constant 1.250000e-02 : f32
    %mul3A_8 = vector.broadcast %mul3A_7 : f32 to vector<4x128xf32>
    %mul3A_9 = arith.mulf %mul3A_8, %get3A_6 : vector<4x128xf32>
    %add3A = arith.addf %mul3A_3, %mul3A_9 : vector<4x128xf32>
    %get3A_10 = arith.constant 0 : index
    %get3A_11 = arith.constant 0 : index
    %get3A_12 = vector.load %arg1[%get3A_10, %get3A_11] : memref<4x128xf32, #tpu.memory_space<vmem>>, vector<4x128xf32>
    %concatenate3A = tpu.concatenate %add3A, %get3A_12 in 0 : vector<4x128xf32>, vector<4x128xf32> -> vector<8x128xf32>
    %reduce_max3A = vector.shape_cast %concatenate3A : vector<8x128xf32> to vector<1x8x128xf32>
    %reduce_max3A_13 = arith.constant dense<0xFF800000> : vector<1xf32>
    %reduce_max3A_14 = vector.multi_reduction <maximumf>, %reduce_max3A, %reduce_max3A_13 [1, 2] : vector<1x8x128xf32> to vector<1xf32>
    %reduce_max3A_15 = vector.shape_cast %reduce_max3A_14 : vector<1xf32> to vector<1x1x1xf32>
    %reduce_max3A_16 = vector.extract %reduce_max3A_15[0, 0, 0] : f32 from vector<1x1x1xf32>
    %eq3A = vector.broadcast %reduce_max3A_16 : f32 to vector<8x128xf32>
    %eq3A_17 = arith.cmpf oeq, %concatenate3A, %eq3A : vector<8x128xf32>
    %convert_element_type3A = arith.extui %eq3A_17 : vector<8x128xi1> to vector<8x128xi32>
    %convert_element_type3A_18 = arith.sitofp %convert_element_type3A : vector<8x128xi32> to vector<8x128xf32>
    %reduce_sum3A = vector.shape_cast %convert_element_type3A_18 : vector<8x128xf32> to vector<1x8x128xf32>
    %reduce_sum3A_19 = arith.constant dense<0.000000e+00> : vector<1xf32>
    %reduce_sum3A_20 = vector.multi_reduction <add>, %reduce_sum3A, %reduce_sum3A_19 [1, 2] : vector<1x8x128xf32> to vector<1xf32>
    %reduce_sum3A_21 = vector.shape_cast %reduce_sum3A_20 : vector<1xf32> to vector<1x1x1xf32>
    %reduce_sum3A_22 = vector.extract %reduce_sum3A_21[0, 0, 0] : f32 from vector<1x1x1xf32>
    %jit3A = arith.constant -3.40282347E+38 : f32
    %broadcast_in_dim3A = vector.broadcast %jit3A : f32 to vector<8x128xf32>
    %select_n3A = arith.select %eq3A_17, %broadcast_in_dim3A, %concatenate3A : vector<8x128xi1>, vector<8x128xf32>
    %reduce_max3A_23 = vector.shape_cast %select_n3A : vector<8x128xf32> to vector<1x8x128xf32>
    %reduce_max3A_24 = arith.constant dense<0xFF800000> : vector<1xf32>
    %reduce_max3A_25 = vector.multi_reduction <maximumf>, %reduce_max3A_23, %reduce_max3A_24 [1, 2] : vector<1x8x128xf32> to vector<1xf32>
    %reduce_max3A_26 = vector.shape_cast %reduce_max3A_25 : vector<1xf32> to vector<1x1x1xf32>
    %reduce_max3A_27 = vector.extract %reduce_max3A_26[0, 0, 0] : f32 from vector<1x1x1xf32>
    %ge3A = arith.constant 2.000000e+00 : f32
    %ge3A_28 = arith.cmpf oge, %reduce_sum3A_22, %ge3A : f32
    %add3A_29 = arith.addf %reduce_max3A_16, %reduce_max3A_27 : f32
    %mul3A_30 = arith.constant 5.000000e-01 : f32
    %mul3A_31 = arith.mulf %add3A_29, %mul3A_30 : f32
    %select_n3A_32 = arith.select %ge3A_28, %reduce_max3A_16, %mul3A_31 : f32
    %ge3A_33 = vector.broadcast %select_n3A_32 : f32 to vector<8x128xf32>
    %ge3A_34 = arith.cmpf oge, %concatenate3A, %ge3A_33 : vector<8x128xf32>
    %jit3A_35 = arith.constant 1.000000e+00 : f32
    %jit3A_36 = arith.constant 0.000000e+00 : f32
    %broadcast_in_dim3A_37 = vector.broadcast %jit3A_35 : f32 to vector<8x128xf32>
    %broadcast_in_dim3A_38 = vector.broadcast %jit3A_36 : f32 to vector<8x128xf32>
    %select_n3A_39 = arith.select %ge3A_34, %broadcast_in_dim3A_37, %broadcast_in_dim3A_38 : vector<8x128xi1>, vector<8x128xf32>
    %swap3A = arith.constant 0 : index
    %swap3A_40 = arith.constant 0 : index
    %swap3A_41 = vector.load %arg3[%swap3A, %swap3A_40] : memref<8x128xf32, #tpu.memory_space<vmem>>, vector<8x128xf32>
    tpu.vector_store %arg3[%swap3A, %swap3A_40], %select_n3A_39 {strides = array<i32>} : memref<8x128xf32, #tpu.memory_space<vmem>>, vector<8x128xf32>,
    return
  }
}

module attributes {stable_mosaic.version = 14 : i64} {
  func.func @_tc_matvec_kernel(%arg0: i32, %arg1: memref<1x16384xf32, #tpu.memory_space<vmem>>, %arg2: memref<128x16384xf32, #tpu.memory_space<vmem>>, %arg3: memref<4x128xf32, #tpu.memory_space<vmem>>, %arg4: memref<4x128xf32, #tpu.memory_space<vmem>>) attributes {dimension_semantics = [#tpu.dimension_semantics<arbitrary>], iteration_bounds = array<i64: 4>, scalar_prefetch = 0 : i64, scratch_operands = 0 : i64, tpu.core_type = #tpu.core_type<tc>, window_params = [{pipeline_mode = #tpu.pipeline_mode<synchronous>, transform_indices = @transform_0, window_bounds = array<i64: 1, 16384>}, {transform_indices = @transform_1, window_bounds = array<i64: 128, 16384>}, {pipeline_mode = #tpu.pipeline_mode<synchronous>, transform_indices = @transform_2, window_bounds = array<i64: 4, 128>}, {pipeline_mode = #tpu.pipeline_mode<synchronous>, transform_indices = @transform_3, window_bounds = array<i64: 4, 128>}]} {
    %get3A = arith.constant 0 : index
    %get3A_0 = arith.constant 0 : index
    %get3A_1 = vector.load %arg1[%get3A, %get3A_0] : memref<1x16384xf32, #tpu.memory_space<vmem>>, vector<1x16384xf32>
    %get3A_2 = arith.constant 0 : index
    %get3A_3 = arith.constant 0 : index
    %get3A_4 = vector.load %arg2[%get3A_2, %get3A_3] : memref<128x16384xf32, #tpu.memory_space<vmem>>, vector<128x16384xf32>
    %dot_general3A = arith.constant dense<0.000000e+00> : vector<1x128xf32>
    %dot_general3A_5 = tpu.matmul %get3A_1, %get3A_4, %dot_general3A {dimension_numbers = #tpu.dot_dimension_numbers<[1], [1], [0], [0], [0, 0, 1, 0], [], []>, transpose_lhs_hint = false} : vector<1x16384xf32>, vector<128x16384xf32>, vector<1x128xf32> -> vector<1x128xf32>
    %get3A_6 = arith.index_cast %arg0 : i32 to index
    %get3A_7 = arith.constant 0 : index
    %get3A_8 = vector.load %arg3[%get3A_6, %get3A_7] : memref<4x128xf32, #tpu.memory_space<vmem>>, vector<1x128xf32>
    %mul3A = arith.constant 9.875000e-01 : f32
    %mul3A_9 = vector.broadcast %mul3A : f32 to vector<1x128xf32>
    %mul3A_10 = arith.mulf %get3A_8, %mul3A_9 : vector<1x128xf32>
    %mul3A_11 = arith.constant 1.250000e-02 : f32
    %mul3A_12 = vector.broadcast %mul3A_11 : f32 to vector<1x128xf32>
    %mul3A_13 = arith.mulf %mul3A_12, %dot_general3A_5 : vector<1x128xf32>
    %add3A = arith.addf %mul3A_10, %mul3A_13 : vector<1x128xf32>
    %swap3A = arith.index_cast %arg0 : i32 to index
    %swap3A_14 = arith.constant 0 : index
    %swap3A_15 = vector.load %arg4[%swap3A, %swap3A_14] : memref<4x128xf32, #tpu.memory_space<vmem>>, vector<1x128xf32>
    tpu.vector_store %arg4[%swap3A, %swap3A_14], %add3A {strides = array<i32>} : memref<4x128xf32, #tpu.memory_space<vmem>>, vector<1x128xf32>,
    return
  }
  func.func @transform_0(%arg0: i32) -> (i32, i32) {
    %c0_i32 = arith.constant 0 : i32
    %c0_i32_0 = arith.constant 0 : i32
    %c0_i32_1 = arith.constant 0 : i32
    return %c0_i32, %c0_i32_0 : i32, i32
  }
  func.func @transform_1(%arg0: i32) -> (i32, i32) {
    %add3A = arith.constant 4 : i32
    %add3A_0 = arith.addi %arg0, %add3A : i32
    %c0_i32 = arith.constant 0 : i32
    %c0_i32_1 = arith.constant 0 : i32
    return %add3A_0, %c0_i32 : i32, i32
  }
  func.func @transform_2(%arg0: i32) -> (i32, i32) {
    %c0_i32 = arith.constant 0 : i32
    %c0_i32_0 = arith.constant 0 : i32
    %c0_i32_1 = arith.constant 0 : i32
    return %c0_i32, %c0_i32_0 : i32, i32
  }
  func.func @transform_3(%arg0: i32) -> (i32, i32) {
    %c0_i32 = arith.constant 0 : i32
    %c0_i32_0 = arith.constant 0 : i32
    %c0_i32_1 = arith.constant 0 : i32
    return %c0_i32, %c0_i32_0 : i32, i32
  }
}

</mosaic_0001>

<sc_bundles>
// kernel: kernel.5.cloned.1.call-start
scs
__scs_entry_jumppad:
0x0: {  	(pc) =	sbr.rel $0x88, $3  }
0x1: {  	(tag) =	ssettag $0x0;
	lr =	simm.s32 $0x1  }
0x2: {  	[smem:$0x3F9E] =	sst lr;
	_ =	strace $0xD0000000  }
0x3: {  	_ = 	snop  }
0x4: {  	_ = 	snop  }
0x5: {  	_ = 	snop  }
0x6: {  	_ = 	snop  }
0x7: {  	_ = 	snop  }
__scs_overlays_trampoline_lowered:
0x8: {  	[smem:$0x3FAD] =	sst s0  }
0x9: {  	[smem:$0x3FAE] =	sst s1  }
0xa: {  	[smem:$0x3FAF] =	sst s2  }
0xb: {  	[smem:$0x3FB0] =	sst s3  }
0xc: {  	[smem:$0x3FB1] =	sst s4  }
0xd: {  	[smem:$0x3FB2] =	sst s5  }
0xe: {  	[smem:$0x3FB3] =	sst s6  }
0xf: {  	[smem:$0x3FB4] =	sst s7  }
0x10: {  	[smem:$0x3FB5] =	sst s8  }
0x11: {  	[smem:$0x3FB6] =	sst s9;
	s0 =	simm.s32 @!p0 $0x0  }
0x12: {  	s1 =	sld [smem:$0x3F9C];
	s0 =	simm.s32 @p0 $0x1  }
0x13: {  	[smem:$0x3FB7] =	sst s0;
	s0 =	simm.s32 @!p1 $0x0  }
0x14: {  	s2 =	sld [smem:$0x3F9B];
	s0 =	simm.s32 @p1 $0x1  }
0x15: {  	[smem:$0x3FB8] =	sst s0;
	s0 =	simm.s32 @!p2 $0x0  }
0x16: {  	s3 =	sld [smem:$0x3FDB];
	s0 =	simm.s32 @p2 $0x1  }
0x17: {  	s4 =	simm.s32 $0x1BF5;
	[smem:$0x3FBA] =	sst s0  }
0x18: {  	s0 =	sld [smem:$0x3F9D];
	_ =	swait.ge [sflag:s4], $0x0  }
0x19: {  	s7 =	sld [smem:$0x3F9E]  }
0x1a: {  	s8 =	sadd.s32 $0xFFFFE003, lr  }
0x1b: {  	s9 =	sadd.s32 $0xFFFFFEF7, lr;
	s5 =	simm.s32 $0xFFFFFFFF;
	p2 =	slt.u32 s8, $0xFFFFF086  }
0x1c: {  	p1 =	slt.u32 s9, $0xF7A;
	s5 =	simm.s32 @!p2 $0x0  }
0x1d: {  	s5 =	simm.s32 @p1 $0x1;
	p0 =	seq.s32 s7, s2  }
0x1e: {  	s7 =	smul.u32 @!p0 $0xF7A, s2;
	p2 =	seq.s32 @!p0 s5, $0x0  }
0x1f: {  	s9 =	smul.u32 $0xF7A, s1;
	s8 =	simm.s32 @!p0 $0x1BF5;
	p2 =	por !p2, p0  }
0x20: {  	[sflag:s8] =	ssyncset.s32 @!p0 $0xFFFFF086;
	s6 =	sadd.s32 @!p0 s3, s7;
	s7 =	simm.s32 @!p0 $0x108  }
0x21: {  	s3 =	sadd.s32 s3, s9;
	s6 =	sadd.s32 @!p0 $0x88, s6;
	s7 =	simm.s32 @p2 $0x1082  }
0x22: {  	[simem:s7], [sflag:s8] =	dma.local @!p0 [hbm:s6], $0xF7A  }
0x23: {  	s9 =	sor.u32 $0xD0000000, s2;
	s6 =	simm.s32 $0x108;
	_ =	swait.ge @!p0 [sflag:s8], $0x0  }
0x24: {  	s3 =	sadd.s32 $0x88, s3;
	s6 =	simm.s32 @!p1 $0x1082;
	[sflag:s4] =	ssyncset.s32 $0xFFFFF086  }
0x25: {  	[simem:s6], [sflag:s4] =	dma.local [hbm:s3], $0xF7A  }
0x26: {  	[smem:$0x3F9E] =	sst s1;
	(tag) =	ssettag s2;
	_ =	strace s9  }
0x27: {  	s1 =	sld [smem:$0x3FAE]  }
0x28: {  	s2 =	sld [smem:$0x3FAF]  }
0x29: {  	s4 =	sld [smem:$0x3FB1]  }
0x2a: {  	p0 =	seq.s32 s5, $0x0;
	s5 =	sld [smem:$0x3FB2]  }
0x2b: {  	s6 =	sld [smem:$0x3FB3]  }
0x2c: {  	s7 =	sld [smem:$0x3FB4]  }
0x2d: {  	s3 =	simm.s32 $0x108;
	s8 =	sld [smem:$0x3FB5]  }
0x2e: {  	s3 =	simm.s32 @!p0 $0x1082;
	s9 =	sld [smem:$0x3FB6]  }
0x2f: {  	lr =	sadd.s32 s0, s3;
	s0 =	sld [smem:$0x3FAD]  }
0x30: {  	s3 =	sld [smem:$0x3FB0]  }
0x31: {  	[smem:$0x3FB9] =	sst s10  }
0x32: {  	s10 =	sld [smem:$0x3FB7];
	_ =	sdelay $0x3  }
0x33: {  	p0 =	seq.s32 s10, $0x1;
	s10 =	sld [smem:$0x3FB9];
	_ =	sdelay $0x3  }
0x34: {  	[smem:$0x3FB9] =	sst s10  }
0x35: {  	s10 =	sld [smem:$0x3FB8];
	_ =	sdelay $0x3  }
0x36: {  	p1 =	seq.s32 s10, $0x1;
	s10 =	sld [smem:$0x3FB9];
	_ =	sdelay $0x3  }
0x37: {  	[smem:$0x3FB9] =	sst s10  }
0x38: {  	s10 =	sld [smem:$0x3FBA]  }
0x39: {  	_ = 	snop;
	(pc) =	sbr.ind lr, $3  }
0x3a: {  	_ = 	snop  }
0x3b: {  	_ = 	snop  }
0x3c: {  	p2 =	seq.s32 s10, $0x1;
	s10 =	sld [smem:$0x3FB9]  }
0x3d: {  	_ =	shalt  }
0x3e: {  	_ =	shalt  }
0x3f: {  	_ =	shalt  }
0x40: {  	_ =	shalt  }
0x41: {  	_ =	shalt  }
0x42: {  	_ =	shalt  }
0x43: {  	_ =	shalt  }
0x44: {  	_ =	shalt  }
0x45: {  	_ =	shalt  }
0x46: {  	_ =	shalt  }
0x47: {  	_ =	shalt  }
0x48: {  	_ =	shalt  }
0x49: {  	_ =	shalt  }
0x4a: {  	_ =	shalt  }
0x4b: {  	_ =	shalt  }
0x4c: {  	_ =	shalt  }
0x4d: {  	_ =	shalt  }
0x4e: {  	_ =	shalt  }
0x4f: {  	_ =	shalt  }
0x50: {  	_ =	shalt  }
0x51: {  	_ =	shalt  }
0x52: {  	_ =	shalt  }
0x53: {  	_ =	shalt  }
0x54: {  	_ =	shalt  }
0x55: {  	_ =	shalt  }
0x56: {  	_ =	shalt  }
0x57: {  	_ =	shalt  }
0x58: {  	_ =	shalt  }
0x59: {  	_ =	shalt  }
0x5a: {  	_ =	shalt  }
0x5b: {  	_ =	shalt  }
0x5c: {  	_ =	shalt  }
0x5d: {  	_ =	shalt  }
0x5e: {  	_ =	shalt  }
0x5f: {  	_ =	shalt  }
0x60: {  	_ =	shalt  }
0x61: {  	_ =	shalt  }
0x62: {  	_ =	shalt  }
0x63: {  	_ =	shalt  }
0x64: {  	_ =	shalt  }
0x65: {  	_ =	shalt  }
0x66: {  	_ =	shalt  }
0x67: {  	_ =	shalt  }
0x68: {  	_ =	shalt  }
0x69: {  	_ =	shalt  }
0x6a: {  	_ =	shalt  }
0x6b: {  	_ =	shalt  }
0x6c: {  	_ =	shalt  }
0x6d: {  	_ =	shalt  }
0x6e: {  	_ =	shalt  }
0x6f: {  	_ =	shalt  }
0x70: {  	_ =	shalt  }
0x71: {  	_ =	shalt  }
0x72: {  	_ =	shalt  }
0x73: {  	_ =	shalt  }
0x74: {  	_ =	shalt  }
0x75: {  	_ =	shalt  }
0x76: {  	_ =	shalt  }
0x77: {  	_ =	shalt  }
0x78: {  	_ =	shalt  }
0x79: {  	_ =	shalt  }
0x7a: {  	_ =	shalt  }
0x7b: {  	_ =	shalt  }
0x7c: {  	_ =	shalt  }
0x7d: {  	_ =	shalt  }
0x7e: {  	_ =	shalt  }
0x7f: {  	_ =	shalt  }
0x80: {  	_ =	shalt  }
0x81: {  	_ =	shalt  }
0x82: {  	_ =	shalt  }
0x83: {  	_ =	shalt  }
0x84: {  	_ =	shalt  }
0x85: {  	_ =	shalt  }
0x86: {  	_ =	shalt  }
0x87: {  	_ =	shalt  }
.Lfunc_end0:
.L_simem_size_0:
called_computation_lowered:
.L_overlay_start_0:
0x88: {  	s2 =	sld [smem:$0x3FD9]  }
0x89: {  	s3 =	sld [smem:$0x3FFE];
	_ =	sdelay $0x1  }
0x8a: {  	s1 =	srdreg.scid  }
0x8b: {  	s0 =	sand.u32 $0x1, s1  }
0x8c: {  	s18 =	sshll.u32 s0, $0xA;
	s2 =	sadd.s32 s3, s2  }
0x8d: {  	s2 =	sadd.s32 s2, s18  }
0x8e: {  	[smem:$0x3FC5] =	sst s2  }
0x8f: {  	_ = 	snop  }
0x90: {  	s2 =	sld [smem:$0x3FC9]  }
0x91: {  	s19 =	sld [smem:$0x3FC8]  }
0x92: {  	s4 =	sld [smem:$0x3FD0];
	(tm) =	ssettm $0x1  }
0x93: {  	s5 =	sld [smem:$0x3FFB];
	_ =	sdelay $0x3  }
0x94: {  	_ =	strace s5  }
0x95: {  	s5 =	sld [smem:$0x3FFC];
	_ =	sdelay $0x3  }
0x96: {  	_ =	strace s5  }
0x97: {  	s5 =	sld [smem:$0x3FFD];
	_ =	sdelay $0x3  }
0x98: {  	_ =	strace s5  }
0x99: {  	_ =	strace $0x8FFFFFFF  }
0x9a: {  	s20 =	sld [smem:$0x3FDB];
	_ =	sdelay $0x1  }
0x9b: {  	s6 =	simm.s32 $_scs_section_size  }
0x9c: {  	s7 =	simm.s32 $_size__tile_overlayer_lowered;
	s8 =	simm.s32 $_tile_overlayer_lowered  }
0x9d: {  	s23 =	simm.s32 $0x1BFF;
	s22 =	sshll.u32 s8, $0x1;
	s5 =	sadd.s32 s6, s20  }
0x9e: {  	s9 =	simm.s32 $0x0;
	s21 =	sshll.u32 s7, $0x1;
	s7 =	sadd.s32 s22, s5  }
0x9f: {  	[timem:s9], [sflag:s23] =	dma.local [hbm:s7], s21  }
0xa0: {  	_ =	swait.ge [sflag:s23], s21  }
0xa1: {  	s6 =	ssub.s32 $0x0, s21;
	[sflag:s23] =	ssyncset.done $0x0  }
0xa2: {  	[sflag:s23] =	ssyncadd.s32 s6;
	_ =	sdelay $0x1  }
0xa3: {  	s24 =	simm.s32 $0x1B8B  }
0xa4: {  	_ =	swait.ge [sflag:s24], $0x1  }
0xa5: {  	[sflag:s24] =	ssyncset.done $0x0  }
0xa6: {  	s25 =	simm.s32 $0x1B8E;
	[sflag:s24] =	ssyncadd.s32 $0xFFFFFFFF  }
0xa7: {  	s26 =	simm.s32 $execute0_lowered;
	[smem:$0x3FD2] =	sst s25  }
0xa8: {  	s6 =	sshll.u32 s26, $0x1;
	_ =	strace $0x80000046;
	[dreg:$0x1] =	wrdreg $0xFFFFFFFF  }
0xa9: {  	s28 =	simm.s32 $_size_execute0_lowered;
	s5 =	sadd.s32 s5, s6;
	[dreg:$0x0] =	wrdreg $0x0  }
0xaa: {  	s6 =	sshll.u32 s28, $0x1;
	[dreg:$0x2] =	wrdreg s5  }
0xab: {  	[dreg:$0x3] =	wrdreg s6  }
0xac: {  	[dreg:$0x4] =	wrdreg $0xC0  }
0xad: {  	_ =	task [dreg:s9], $0x5FFFF  }
0xae: {  	[dreg:$0x1] =	wrdreg $0xFFFFFFFF  }
0xaf: {  	[dreg:$0x0] =	wrdreg $0x60  }
0xb0: {  	[dreg:$0x2] =	wrdreg s19  }
0xb1: {  	[dreg:$0x3] =	wrdreg s2  }
0xb2: {  	[dreg:$0x4] =	wrdreg s4  }
0xb3: {  	[dreg:$0x5] =	wrdreg $0x9  }
0xb4: {  	_ =	task.clear_ibuf [dreg:s9], $0x6FFFF;
	_ =	strace $0x90000046  }
0xb5: {  	s29 =	simm.s32 $0x9;
	_ =	strace $0x80000048  }
0xb6: {  	_ =	swait.ge [sflag:s29], $0x1  }
0xb7: {  	[sflag:s29] =	ssyncadd.s32 $0xFFFFFFFF  }
0xb8: {  	_ =	strace $0x90000048  }
0xb9: {  	_ =	sfence  }
0xba: {  	s30 =	sld [smem:$0x0];
	_ =	sdelay $0x2  }
0xbb: {  	s31 =	sshll.u32 s1, $0xD;
	s1 =	sshrl.u32 s1, $0x2  }
0xbc: {  	s3 =	sand.u32 $0x4000, s31;
	s1 =	sadd.s32 s1, s30  }
0xbd: {  	s0 =	sor.u32 s3, s0;
	s1 =	sshll.u32 s1, $0x11  }
0xbe: {  	s0 =	sor.u32 s1, s0  }
0xbf: {  	s0 =	sadd.s32 $0x8F2B, s0  }
0xc0: {  	[sflag:s0] =	ssyncadd.remote.s32 $0x1  }
0xc1: {  	_ =	sfence.sel $0xFFFF  }
0xc2: {  	[dreg:$0x0] =	wrdreg $0xFFFFFFFF;
	(pc) =	sbr.abs _section_cstart, $3  }
0xc3: {  	[dreg:$0x1] =	wrdreg $0xFFFFFFFF  }
0xc4: {  	_ =	task.clear_ibuf [dreg:s9], $0x2FFFF;
	_ =	strace $0x9FFFFFFF  }
0xc5: {  	(tm) =	ssettm $0x7FFFFFFF  }
tec
execute0_lowered:
.L_overlay_start_1:
0x0: {  	(tag) =	ssettag $0x1  }
0x1: {  	v0 =	vimm.s32 $0xFEDCBA98;
	v1 =	vimm.s32 $0x76543210  }
0x2: {  	v2 =	vimm.s32 $0xBA98FEDC;
	v3 =	vimm.s32 $0x32107654;
	v4 =	vimm.s32 $0xDCFE98BA  }
0x3: {  	v5 =	vimm.s32 $0x54761032;
	v6 =	vimm.s32 $0xEFCDAB89;
	v7 =	vimm.s32 $0x67452301  }
0x4: {  	s0 =	rddreg [dreg:$0x0];
	vm0 =	vmmov $0x1;
	vm1 =	vmmov $0x3;
	vm2 =	vmmov $0x7  }
0x5: {  	s1 =	rddreg [dreg:$0x2];
	vm3 =	vmmov $0xf;
	vm4 =	vmmov $0x1f;
	v0 =	vunpack.c.l.s4.s8 v0  }
0x6: {  	s2 =	srdreg.scid;
	s3 =	stileid.u32;
	v1 =	vunpack.c.l.s4.s8 v1;
	v2 =	vunpack.c.l.s4.s8 v2;
	v3 =	vunpack.c.l.s4.s8 v3  }
0x7: {  	s6 =	simm.s32 $0x0;
	s11 =	simm.s32 $0x3;
	s12 =	simm.s32 $0x2000;
	v4 =	vunpack.c.l.s4.s8 v4;
	v5 =	vunpack.c.l.s4.s8 v5;
	v6 =	vunpack.c.l.s4.s8 v6  }
0x8: {  	s13 =	simm.s32 $0x20000;
	s15 =	simm.s32 $0x8000;
	v7 =	vunpack.c.l.s4.s8 v7;
	s2 =	sand.u32 $0x1, s2;
	v0 =	vunpack.c.0.s8.s32 v0;
	v2 =	vunpack.c.0.s8.s32 v2  }
0x9: {  	s16 =	simm.s32 $0x1;
	s3 =	sshll.u32 s3, $0x5;
	s4 =	sshll.u32 s2, $0x4;
	v3 =	vunpack.c.0.s8.s32 v3;
	v4 =	vunpack.c.0.s8.s32 v4;
	v1 =	vunpack.c.0.s8.s32 v1  }
0xa: {  	s17 =	simm.s32 $0x2;
	s2 =	ssub.s32 $0x2, s2;
	v5 =	vunpack.c.0.s8.s32 v5;
	v6 =	vunpack.c.0.s8.s32 v6;
	s3 =	sor.u32 s4, s3;
	v0 =	vand.u32 $0xF, v0  }
0xb: {  	[smem:$0x7FF] =	sst s6;
	v7 =	vunpack.c.0.s8.s32 v7;
	s29 =	sshrl.u32 s2, $0x1;
	s5 =	sshll.u32 s3, $0xB;
	v2 =	vcombine.low v3, v2;
	v0 =	vcombine.low v0, v1  }
.Ltmp0:
0xc: {  	vm5 =	vmmov $0x3f;
	vm6 =	vmmov $0x7f;
	s30 =	sshll.u32 s3, $0xE;
	s3 =	sshrl.u32 s3, $0x3;
	v59 =	vcombine.low v5, v4;
	(pc) =	sbr.rel .LBB2_1-.Ltmp0, $4  }
0xd: {  	vm7 =	vmmov $0xff;
	_ =	strace $0x80000047;
	s2 =	ssub.s32 s2, s29;
	v60 =	vcombine.low v7, v6;
	s1 =	sadd.s32 s1, s3;
	v61 =	vand.u32 $0xF, v2;
	[tilespmem:$0x1FFC0] =	vst v0  }
0xe: {  	vm8 =	vmmov $0x1ff;
	vm9 =	vmmov $0x3ff;
	s5 =	sadd.s32 s0, s5;
	s31 =	smax.u32 s2, $0x1;
	[dreg:$0x5] =	wrdreg s1;
	v62 =	vand.u32 $0xF, v59;
	[tilespmem:$0x1FFD0] =	vst v61  }
0xf: {  	vm10 =	vmmov $0x7ff;
	vm11 =	vmmov $0xfff;
	s19 =	simm.s32 $0x0;
	s7 =	sadd.s32 $0x400, s5;
	[dreg:$0x6] =	wrdreg s31;
	v63 =	vand.u32 $0xF, v60;
	[tilespmem:$0x1FFE0] =	vst v62  }
0x10: {  	vm12 =	vmmov $0x1fff;
	vm13 =	vmmov $0x3fff;
	vm14 =	vmmov $0x7fff;
	s8 =	sor.u32 $0x6000, s30;
	[dreg:$0x4] =	wrdreg s7;
	s7 =	sor.u32 $0x4000, s30;
	[tilespmem:$0x1FFF0] =	vst v63  }
.LBB2_8:
0x11: {  	v18 =	vld [tilespmem:$0x1FFC0];
	_ =	sdelay $0x4  }
0x12: {  	v0 =	vperm.xlane v21, v18;
	v1 =	vperm.xlane v20, v18  }
0x13: {  	v2 =	vperm.xlane v19, v18;
	v3 =	vperm.xlane v17, v18  }
0x14: {  	v52 =	vperm.xlane v39, v18;
	v54 =	vperm.xlane v38, v18  }
0x15: {  	v56 =	vperm.xlane v37, v18;
	v58 =	vperm.xlane v36, v18  }
0x16: {  	v59 =	vperm.xlane v11, v18;
	v16 =	vperm.xlane v10, v18;
	v2 =	vadd.f32 v2, v19;
	v19 =	vld [tilespmem:$0x1FFD0]  }
0x17: {  	v35 =	vperm.xlane v9, v18;
	v0 =	vadd.f32 v0, v21;
	v1 =	vadd.f32 v1, v20  }
0x18: {  	v41 =	vperm.xlane v6, v18;
	v3 =	vadd.f32 v3, v17;
	v55 =	vadd.f32 v52, v39  }
0x19: {  	v43 =	vperm.xlane v5, v18;
	v57 =	vadd.f32 v54, v38;
	v11 =	vadd.f32 v59, v11  }
0x1a: {  	v10 =	vadd.f32 v16, v10;
	v38 =	vadd.f32 v35, v9;
	v39 =	vperm.xlane v7, v18  }
0x1b: {  	v17 =	vld [tilespmem:$0x1FFE0];
	v5 =	vadd.f32 v43, v5;
	v12 =	vperm.xlane v0, v19;
	v13 =	vperm.xlane v1, v19  }
0x1c: {  	v7 =	vadd.f32 v39, v7;
	v14 =	vperm.xlane v2, v19;
	v44 =	vperm.xlane v3, v19  }
0x1d: {  	v15 =	vperm.xlane v57, v19;
	v63 =	vperm.xlane v11, v19;
	v0 =	vadd.f32 v12, v0  }
0x1e: {  	v22 =	vperm.xlane v10, v19;
	v1 =	vadd.f32 v13, v1;
	v2 =	vadd.f32 v14, v2  }
0x1f: {  	v42 =	vperm.xlane v38, v19;
	v3 =	vadd.f32 v44, v3;
	v12 =	vadd.f32 v56, v37  }
0x20: {  	v20 =	vld [tilespmem:$0x1FFF0];
	v11 =	vadd.f32 v63, v11;
	v37 =	vperm.xlane v8, v18;
	v45 =	vperm.xlane v0, v17  }
0x21: {  	v10 =	vadd.f32 v22, v10;
	v46 =	vperm.xlane v1, v17;
	v47 =	vperm.xlane v2, v17  }
0x22: {  	v48 =	vperm.xlane v3, v17;
	v60 =	vperm.xlane v12, v19;
	v40 =	vadd.f32 v37, v8  }
0x23: {  	v26 =	vperm.xlane v11, v17;
	v0 =	vadd.f32 v45, v0;
	v1 =	vadd.f32 v46, v1  }
0x24: {  	v27 =	vperm.xlane v10, v17;
	v2 =	vadd.f32 v47, v2;
	v3 =	vadd.f32 v48, v3  }
0x25: {  	v12 =	vadd.f32 v60, v12;
	v49 =	vperm.xlane v0, v20;
	v14 =	vperm.xlane v1, v20  }
0x26: {  	v11 =	vadd.f32 v26, v11;
	v10 =	vadd.f32 v27, v10;
	v51 =	vperm.xlane v3, v20  }
0x27: {  	v50 =	vperm.xlane v2, v20;
	v0 =	vadd.f32 v49, v0;
	v1 =	vadd.f32 v14, v1  }
0x28: {  	v13 =	vperm.xlane v55, v19;
	v53 =	vadd.f32 v51, v3;
	v3 =	vadd.f32 v58, v36  }
0x29: {  	v44 =	vperm.xlane v40, v19;
	v45 =	vperm.xlane v4, v18;
	v2 =	vadd.f32 v50, v2  }
0x2a: {  	v46 =	vperm.xlane v7, v19;
	v0 =	vsel vm0, v0, v1;
	v61 =	vperm.xlane v3, v19  }
0x2b: {  	v1 =	vadd.f32 v15, v57;
	v0 =	vsel vm1, v0, v2;
	v2 =	vadd.f32 v13, v55  }
0x2c: {  	v23 =	vperm.xlane v12, v17;
	v31 =	vperm.xlane v11, v20;
	v3 =	vadd.f32 v61, v3  }
0x2d: {  	v4 =	vadd.f32 v45, v4;
	v21 =	vperm.xlane v1, v17;
	v62 =	vperm.xlane v2, v17  }
0x2e: {  	v7 =	vadd.f32 v46, v7;
	v12 =	vadd.f32 v23, v12;
	v24 =	vperm.xlane v3, v17  }
0x2f: {  	v33 =	vperm.xlane v10, v20;
	v1 =	vadd.f32 v21, v1;
	v2 =	vadd.f32 v62, v2  }
0x30: {  	v34 =	vadd.f32 v31, v11;
	v49 =	vperm.xlane v5, v19;
	v3 =	vadd.f32 v24, v3  }
0x31: {  	v36 =	vadd.f32 v33, v10;
	v16 =	vperm.xlane v1, v20;
	v25 =	vperm.xlane v2, v20  }
0x32: {  	v50 =	vperm.xlane v4, v19;
	v5 =	vadd.f32 v49, v5;
	v29 =	vperm.xlane v3, v20  }
0x33: {  	v28 =	vperm.xlane v12, v20;
	v1 =	vadd.f32 v16, v1;
	v2 =	vadd.f32 v25, v2  }
0x34: {  	v0 =	vsel vm2, v0, v53;
	v32 =	vadd.f32 v29, v3;
	v3 =	vadd.f32 v41, v6  }
0x35: {  	v4 =	vadd.f32 v50, v4;
	v0 =	vsel vm3, v0, v2;
	v2 =	vadd.f32 v42, v38  }
0x36: {  	v0 =	vsel vm4, v0, v1;
	v1 =	vadd.f32 v44, v40;
	v47 =	vperm.xlane v3, v19  }
0x37: {  	v30 =	vadd.f32 v28, v12;
	v54 =	vperm.xlane v5, v17;
	v48 =	vperm.xlane v2, v17  }
0x38: {  	v55 =	vperm.xlane v4, v17;
	v10 =	vperm.xlane v1, v17;
	v3 =	vadd.f32 v47, v3  }
0x39: {  	v51 =	vperm.xlane v7, v17;
	v5 =	vadd.f32 v54, v5;
	v2 =	vadd.f32 v48, v2  }
0x3a: {  	v4 =	vadd.f32 v55, v4;
	v1 =	vadd.f32 v10, v1;
	v52 =	vperm.xlane v3, v17  }
0x3b: {  	v6 =	vadd.f32 v51, v7;
	v0 =	vsel vm5, v0, v30;
	v53 =	vperm.xlane v2, v20  }
0x3c: {  	v0 =	vsel vm6, v0, v32;
	v10 =	vperm.xlane v1, v20;
	v3 =	vadd.f32 v52, v3  }
0x3d: {  	v56 =	vperm.xlane v6, v20;
	v0 =	vsel vm7, v0, v34;
	v2 =	vadd.f32 v53, v2  }
0x3e: {  	v0 =	vsel vm8, v0, v36;
	v1 =	vadd.f32 v10, v1;
	v57 =	vperm.xlane v3, v20  }
0x3f: {  	v59 =	vperm.xlane v5, v20;
	v58 =	vadd.f32 v56, v6;
	v0 =	vsel vm9, v0, v2  }
0x40: {  	v61 =	vperm.xlane v4, v20;
	v0 =	vsel vm10, v0, v1;
	v60 =	vadd.f32 v57, v3  }
0x41: {  	v62 =	vadd.f32 v59, v5;
	v0 =	vsel vm11, v0, v58  }
0x42: {  	v63 =	vadd.f32 v61, v4;
	v0 =	vsel vm12, v0, v60  }
0x43: {  	v0 =	vsel vm13, v0, v62  }
0x44: {  	v0 =	vsel vm14, v0, v63  }
0x45: {  	s6 =	simm.s32 $0x0;
	s1 =	rddreg [dreg:$0x5];
	s2 =	simm.s32 $0xC000;
	[tilespmem:$0xC000] =	vst v0  }
0x46: {  	[hbm4b:s1+s6] =	stream.linear.scatter [tilespmem:s2], [sflag:$0x3], $0x10, $0x38;
	[tilespmem:$0xC080] =	vst v63  }
0x47: {  	_ =	swait.ge [sflag:s11], $0x10  }
0x48: {  	s19 =	sadd.s32 $0x1, s19;
	s31 =	rddreg [dreg:$0x6]  }
0x49: {  	p0 =	sne.s32 s19, s31  }
.Ltmp1:
0x4a: {  	_ = 	snop;
	(pc) =	sbr.rel @!p0 .LBB2_9-.Ltmp1, $3  }
0x4b: {  	_ =	sdelay $0x1  }
0x4c: {  	[sflag:s11] =	ssyncset.done $0x0  }
0x4d: {  	[sflag:s11] =	ssyncadd.s32 $0xFFFFFFF0  }
.LBB2_1:
0x4e: {  	s1 =	rddreg [dreg:$0x1]  }
0x4f: {  	[tilespmem:s6], [sflag:$0x3] =	stream.linear.gather [hbm4b:s1+s6], $0x4000, $0x38;
	[tilespmem:$0xC080] =	vst v63  }
0x50: {  	v4 =	vimm.f32 $0.0e+00;
	_ =	swait.ge [sflag:s11], $0x4000  }
0x51: {  	v5 =	vimm.f32 $0.0e+00;
	v6 =	vimm.f32 $0.0e+00;
	v7 =	vimm.f32 $0.0e+00;
	[sflag:s11] =	ssyncset.done $0x0  }
0x52: {  	s30 =	simm.s32 $0x4000;
	v8 =	vimm.f32 $0.0e+00;
	v9 =	vimm.f32 $0.0e+00;
	v10 =	vimm.f32 $0.0e+00;
	[sflag:s11] =	ssyncadd.s32 $0xFFFFC000  }
0x53: {  	v11 =	vimm.f32 $0.0e+00;
	v36 =	vimm.f32 $0.0e+00;
	v37 =	vimm.f32 $0.0e+00;
	[tilespmem:s30], [sflag:$0x1] =	stream.strided.gather [hbm4b:s5+s12], $0x4000, s13, s12, $0x38;
	[tilespmem:$0xC080] =	vst v63  }
0x54: {  	v38 =	vimm.f32 $0.0e+00;
	v39 =	vimm.f32 $0.0e+00;
	v17 =	vimm.f32 $0.0e+00;
	s20 =	simm.s32 $0x0;
	s31 =	rddreg [dreg:$0x4]  }
0x55: {  	v19 =	vimm.f32 $0.0e+00;
	v20 =	vimm.f32 $0.0e+00;
	v21 =	vimm.f32 $0.0e+00;
	[tilespmem:s15], [sflag:$0x2] =	stream.strided.gather [hbm4b:s31+s12], $0x4000, s13, s12, $0x38;
	[tilespmem:$0xC080] =	vst v63  }
.LBB2_2:
0x56: {  	_ =	swait.ge [sflag:s16], $0x4000  }
0x57: {  	s1 =	sshll.u32 s20, $0xB;
	s22 =	simm.s32 $0x0;
	s10 =	simm.s32 $0x0  }
0x58: {  	[sflag:s16] =	ssyncset.done $0x0;
	s21 =	sand.u32 $0x3FFFF800, s1;
	s24 =	sand.u32 $0x40, s22  }
0x59: {  	s2 =	sand.u32 $0x380, s22;
	s3 =	sor.u32 s10, s22;
	s25 =	sand.u32 $0x1C00, s10  }
0x5a: {  	[sflag:s16] =	ssyncadd.s32 $0xFFFFC000;
	s2 =	sadd.s32 s2, s21;
	s14 =	sor.u32 $0x380, s3  }
0x5b: {  	s9 =	sor.u32 $0x4000, s25;
	s23 =	sor.u32 $0x30, s24;
	s6 =	sadd.s32 s24, s2;
	v13 =	vld [tilespmem:s14+$0x4000]  }
0x5c: {  	s18 =	sor.u32 s23, s9;
	v12 =	vld [tilespmem:s6+$0x30]  }
0x5d: {  	v15 =	vld [tilespmem:s18+$0x0]  }
0x5e: {  	v16 =	vld [tilespmem:s18+$0x80]  }
0x5f: {  	s4 =	sor.u32 $0x6000, s25;
	v18 =	vld [tilespmem:s18+$0x100]  }
0x60: {  	s3 =	sor.u32 $0x6080, s25;
	s26 =	sor.u32 s23, s4;
	v23 =	vld [tilespmem:s18+$0x180]  }
0x61: {  	s14 =	sor.u32 s23, s3;
	v24 =	vld [tilespmem:s26+$0x0]  }
0x62: {  	v25 =	vld [tilespmem:s14+$0x0]  }
0x63: {  	s2 =	sor.u32 $0x6100, s25;
	v14 =	vld [tilespmem:s6+$0x20]  }
0x64: {  	s1 =	sor.u32 $0x6180, s25;
	s10 =	sor.u32 s23, s2;
	v22 =	vld [tilespmem:s6+$0x10]  }
0x65: {  	s29 =	sor.u32 $0x6200, s25;
	s18 =	sor.u32 s23, s1;
	v26 =	vld [tilespmem:s10+$0x0]  }
0x66: {  	s28 =	sor.u32 $0x6280, s25;
	s26 =	sor.u32 s23, s29;
	v29 =	vld [tilespmem:s18+$0x0]  }
0x67: {  	v30 =	vld [tilespmem:s26+$0x0];
	s10 =	sor.u32 s23, s28;
	s26 =	sor.u32 $0x20, s24  }
0x68: {  	v31 =	vld [tilespmem:s10+$0x0];
	s18 =	sor.u32 s26, s9  }
0x69: {  	v32 =	vld [tilespmem:s18+$0x0]  }
0x6a: {  	v33 =	vld [tilespmem:s18+$0x80]  }
0x6b: {  	v34 =	vld [tilespmem:s18+$0x100]  }
0x6c: {  	s10 =	sor.u32 s26, s4;
	v35 =	vld [tilespmem:s18+$0x180]  }
0x6d: {  	v40 =	vld [tilespmem:s10+$0x0];
	s18 =	sor.u32 s26, s3  }
0x6e: {  	s10 =	sor.u32 s26, s2;
	v41 =	vld [tilespmem:s18+$0x0]  }
0x6f: {  	v42 =	vld [tilespmem:s10+$0x0];
	s18 =	sor.u32 s26, s1  }
0x70: {  	s10 =	sor.u32 s26, s29;
	v43 =	vld [tilespmem:s18+$0x0]  }
0x71: {  	s30 =	sor.u32 $0x10, s24;
	v44 =	vld [tilespmem:s10+$0x0];
	s18 =	sor.u32 s26, s28  }
0x72: {  	s10 =	sor.u32 s30, s9;
	v45 =	vld [tilespmem:s18+$0x0]  }
0x73: {  	v46 =	vld [tilespmem:s10+$0x0]  }
0x74: {  	v47 =	vld [tilespmem:s10+$0x80]  }
0x75: {  	v48 =	vld [tilespmem:s10+$0x100]  }
0x76: {  	v51 =	vld [tilespmem:s10+$0x180]  }
0x77: {  	v27 =	vmul.f32 v25, v12;
	s18 =	sor.u32 s30, s4;
	v25 =	vmul.f32 v29, v12;
	v29 =	vld [tilespmem:s6+$0x0]  }
0x78: {  	v49 =	vmul.f32 v15, v12;
	v50 =	vmul.f32 v16, v12;
	s10 =	sor.u32 s30, s3;
	v53 =	vld [tilespmem:s18+$0x0]  }
0x79: {  	v18 =	vmul.f32 v18, v12;
	v52 =	vmul.f32 v23, v12;
	v54 =	vld [tilespmem:s10+$0x0];
	s18 =	sor.u32 s24, s9  }
0x7a: {  	p0 =	por $0x0, $0x0;
	v28 =	vmul.f32 v24, v12;
	v26 =	vmul.f32 v26, v12;
	s9 =	simm.s32 $0x1;
	v55 =	vld [tilespmem:s18+$0x0]  }
0x7b: {  	v16 =	vmul.f32 v30, v12;
	v15 =	vmul.f32 v31, v12;
	s9 =	simm.s32 @!p0 $0x0;
	v58 =	vld [tilespmem:s18+$0x80]  }
0x7c: {  	v56 =	vmul.f32 v32, v14;
	v57 =	vmul.f32 v33, v14;
	v61 =	vld [tilespmem:s18+$0x100];
	s9 =	sshll.u32 s9, $0x6  }
0x7d: {  	s4 =	sor.u32 s24, s4;
	v59 =	vmul.f32 v34, v14;
	v60 =	vmul.f32 v35, v14;
	v63 =	vld [tilespmem:s18+$0x180];
	s10 =	sadd.s32 $0x0, s9  }
0x7e: {  	v33 =	vmul.f32 v40, v14;
	s18 =	sor.u32 s24, s3;
	v31 =	vmul.f32 v41, v14;
	v41 =	vld [tilespmem:s4+$0x0];
	s3 =	sadd.s32 $0x30, s10  }
0x7f: {  	v32 =	vmul.f32 v42, v14;
	v42 =	vld [tilespmem:s18+$0x0];
	v30 =	vmul.f32 v43, v14;
	s6 =	sadd.s32 $0x30, s9;
	s10 =	sor.u32 $0x200, s3  }
0x80: {  	v24 =	vmul.f32 v44, v14;
	v23 =	vmul.f32 v45, v14;
	s9 =	sadd.s32 $0xFFFFFFF0, s6;
	s14 =	sor.u32 $0x280, s3;
	v43 =	vld [tilespmem:s10+$0x4000]  }
0x81: {  	v44 =	vmul.f32 v46, v22;
	v46 =	vmul.f32 v48, v22;
	s18 =	sor.u32 $0x200, s9;
	v48 =	vld [tilespmem:s14+$0x4000]  }
0x82: {  	v45 =	vmul.f32 v47, v22;
	s4 =	sadd.s32 $0xFFFFFFE0, s6;
	v35 =	vmul.f32 v53, v22;
	v53 =	vld [tilespmem:s18+$0x4000];
	s10 =	sor.u32 $0x280, s9  }
0x83: {  	v13 =	vmul.f32 v13, v29;
	v0 =	vmul.f32 v58, v29;
	s18 =	sor.u32 $0x200, s4;
	v58 =	vld [tilespmem:s10+$0x4000]  }
0x84: {  	v47 =	vmul.f32 v51, v22;
	s6 =	sadd.s32 $0xFFFFFFD0, s6;
	v51 =	vmul.f32 v55, v29;
	v62 =	vld [tilespmem:s18+$0x4000];
	s18 =	sor.u32 $0x280, s4  }
0x85: {  	v1 =	vmul.f32 v61, v29;
	v2 =	vmul.f32 v63, v29;
	v13 =	vadd.f32 v13, v36;
	s10 =	sor.u32 $0x200, s6;
	v63 =	vld [tilespmem:s18+$0x4000]  }
0x86: {  	v34 =	vmul.f32 v54, v22;
	s14 =	sor.u32 $0x300, s4;
	s4 =	sor.u32 $0x380, s4;
	v21 =	vadd.f32 v51, v21;
	v20 =	vadd.f32 v0, v20;
	v0 =	vld [tilespmem:s10+$0x4000]  }
0x87: {  	v40 =	vmul.f32 v41, v29;
	s10 =	sor.u32 $0x280, s6;
	v19 =	vadd.f32 v1, v19;
	v17 =	vadd.f32 v2, v17;
	v61 =	vld [tilespmem:s4+$0x4000]  }
0x88: {  	v41 =	vmul.f32 v42, v29;
	s6 =	sor.u32 $0x300, s6;
	v1 =	vld [tilespmem:s10+$0x4000];
	v21 =	vadd.f32 v44, v21;
	v20 =	vadd.f32 v45, v20  }
0x89: {  	v2 =	vld [tilespmem:s6+$0x4000];
	v19 =	vadd.f32 v46, v19;
	v17 =	vadd.f32 v47, v17;
	v42 =	vmul.f32 v43, v12  }
0x8a: {  	v43 =	vmul.f32 v48, v12;
	v45 =	vmul.f32 v62, v22;
	v21 =	vadd.f32 v56, v21  }
0x8b: {  	s18 =	sor.u32 $0x300, s9;
	v46 =	vld [tilespmem:s14+$0x4000];
	v62 =	vadd.f32 v57, v20;
	v19 =	vadd.f32 v59, v19;
	v47 =	vmul.f32 v63, v22  }
0x8c: {  	s6 =	sor.u32 $0x380, s9;
	v51 =	vmul.f32 v0, v29;
	v63 =	vadd.f32 v60, v17;
	v0 =	vld [tilespmem:s18+$0x4000];
	v57 =	vmul.f32 v61, v22  }
0x8d: {  	s9 =	sor.u32 $0x300, s3;
	s3 =	sor.u32 $0x380, s3;
	v48 =	vmul.f32 v1, v29;
	v1 =	vld [tilespmem:s6+$0x4000];
	v20 =	vadd.f32 v49, v21;
	v21 =	vadd.f32 v50, v62  }
0x8e: {  	v56 =	vld [tilespmem:s3+$0x4000];
	v2 =	vmul.f32 v2, v29;
	v17 =	vadd.f32 v18, v19;
	v19 =	vadd.f32 v52, v63  }
0x8f: {  	s10 =	sor.u32 s24, s2;
	v53 =	vmul.f32 v53, v14;
	v18 =	vld [tilespmem:s9+$0x4000];
	v39 =	vadd.f32 v51, v39;
	v54 =	vadd.f32 v48, v38  }
0x90: {  	s14 =	sor.u32 s24, s1;
	v46 =	vmul.f32 v46, v22;
	v13 =	vadd.f32 v57, v13;
	v37 =	vadd.f32 v2, v37;
	v38 =	vld [tilespmem:s10+$0x0]  }
0x91: {  	s2 =	sor.u32 s30, s2;
	v44 =	vmul.f32 v58, v14;
	v48 =	vld [tilespmem:s14+$0x0];
	v39 =	vadd.f32 v45, v39;
	v60 =	vadd.f32 v47, v54  }
0x92: {  	s1 =	sor.u32 s30, s1;
	v61 =	vmul.f32 v0, v14;
	v62 =	vadd.f32 v46, v37;
	v47 =	vld [tilespmem:s2+$0x0];
	v63 =	vmul.f32 v1, v14  }
0x93: {  	s18 =	sor.u32 s30, s29;
	v51 =	vmul.f32 v56, v12;
	v46 =	vld [tilespmem:s1+$0x0];
	v37 =	vadd.f32 v53, v39;
	v39 =	vadd.f32 v44, v60  }
0x94: {  	s31 =	simm.s32 $0x230;
	v45 =	vld [tilespmem:s18+$0x0];
	s1 =	sor.u32 s30, s28;
	v36 =	vmul.f32 v18, v12;
	v50 =	vadd.f32 v61, v62;
	v49 =	vadd.f32 v63, v13  }
.LBB2_3:
0x95: {  	p1 =	sne.s32 s31, $0x1E30;
	v38 =	vmul.f32 v38, v29;
	s2 =	sor.u32 s24, s29;
	v44 =	vld [tilespmem:s1+$0x0];
	v13 =	vadd.f32 v42, v37;
	v18 =	vadd.f32 v43, v39  }
0x96: {  	s1 =	sor.u32 s24, s28;
	v39 =	vmul.f32 v48, v29;
	v42 =	vld [tilespmem:s2+$0x0];
	s2 =	sor.u32 $0x6300, s25;
	v36 =	vadd.f32 v36, v50;
	v37 =	vadd.f32 v51, v49  }
0x97: {  	v11 =	vadd.f32 v40, v11;
	v10 =	vadd.f32 v41, v10;
	s3 =	sor.u32 $0x6380, s25;
	v40 =	vld [tilespmem:s1+$0x0];
	s1 =	sor.u32 s24, s2;
	v41 =	vmul.f32 v47, v22  }
0x98: {  	v9 =	vadd.f32 v38, v9;
	v8 =	vadd.f32 v39, v8;
	v38 =	vld [tilespmem:s1+$0x0];
	s1 =	sor.u32 s24, s3;
	v39 =	vmul.f32 v46, v22  }
0x99: {  	v11 =	vadd.f32 v35, v11;
	v10 =	vadd.f32 v34, v10;
	v43 =	vld [tilespmem:s1+$0x0];
	v34 =	vmul.f32 v45, v22;
	s1 =	sor.u32 s30, s2  }
0x9a: {  	v9 =	vadd.f32 v41, v9;
	v8 =	vadd.f32 v39, v8;
	v35 =	vmul.f32 v44, v22;
	v39 =	vld [tilespmem:s1+$0x0];
	s1 =	sor.u32 s30, s3  }
0x9b: {  	v11 =	vadd.f32 v33, v11;
	v10 =	vadd.f32 v31, v10;
	v41 =	vmul.f32 v42, v29;
	v42 =	vld [tilespmem:s1+$0x0];
	s1 =	sor.u32 s26, s2  }
0x9c: {  	s22 =	sadd.s32 $0x40, s22;
	s4 =	sor.u32 s26, s3;
	v9 =	vadd.f32 v32, v9;
	v31 =	vmul.f32 v40, v29;
	v8 =	vadd.f32 v30, v8;
	v30 =	vld [tilespmem:s1+$0x0]  }
0x9d: {  	s24 =	sand.u32 $0x40, s22;
	v11 =	vadd.f32 v28, v11;
	v10 =	vadd.f32 v27, v10;
	s2 =	sor.u32 s23, s2;
	s1 =	sadd.s32 $0xFFFFFFD0, s31;
	v32 =	vmul.f32 v38, v29;
	v33 =	vld [tilespmem:s4+$0x0]  }
0x9e: {  	s4 =	sand.u32 $0x380, s22;
	s6 =	sor.u32 s1, s22;
	v9 =	vadd.f32 v26, v9;
	v27 =	vmul.f32 v43, v29;
	v8 =	vadd.f32 v25, v8;
	v25 =	vld [tilespmem:s2+$0x0];
	s2 =	sor.u32 s23, s3  }
0x9f: {  	s25 =	sand.u32 $0x1C00, s1;
	v7 =	vadd.f32 v41, v7;
	s3 =	sadd.s32 s4, s21;
	s4 =	sor.u32 $0x380, s6;
	v6 =	vadd.f32 v31, v6;
	v26 =	vmul.f32 v39, v22;
	v28 =	vld [tilespmem:s2+$0x0]  }
0xa0: {  	s18 =	sor.u32 $0x4000, s25;
	s23 =	sor.u32 $0x30, s24;
	s14 =	sadd.s32 s24, s3;
	v5 =	vadd.f32 v32, v5;
	v38 =	vld [tilespmem:s4+$0x4000];
	v4 =	vadd.f32 v27, v4;
	v22 =	vmul.f32 v42, v22  }
0xa1: {  	s2 =	sor.u32 s23, s18;
	v7 =	vadd.f32 v34, v7;
	v6 =	vadd.f32 v35, v6;
	v27 =	vld [tilespmem:s14+$0x30];
	v29 =	vmul.f32 v30, v14  }
0xa2: {  	v5 =	vadd.f32 v26, v5;
	v30 =	vld [tilespmem:s2+$0x0];
	v4 =	vadd.f32 v22, v4;
	v14 =	vmul.f32 v33, v14  }
0xa3: {  	v7 =	vadd.f32 v24, v7;
	v6 =	vadd.f32 v23, v6;
	v26 =	vld [tilespmem:s2+$0x80];
	v22 =	vmul.f32 v25, v12  }
0xa4: {  	s4 =	sor.u32 $0x6000, s25;
	v5 =	vadd.f32 v29, v5;
	v23 =	vld [tilespmem:s2+$0x100];
	v4 =	vadd.f32 v14, v4;
	v0 =	vmul.f32 v28, v12  }
0xa5: {  	s6 =	sor.u32 $0x6080, s25;
	s3 =	sor.u32 s23, s4;
	v7 =	vadd.f32 v16, v7;
	v6 =	vadd.f32 v15, v6;
	v24 =	vld [tilespmem:s2+$0x180]  }
0xa6: {  	s9 =	sor.u32 s23, s6;
	s2 =	sor.u32 $0x6100, s25;
	v5 =	vadd.f32 v22, v5;
	v15 =	vld [tilespmem:s3+$0x0];
	v4 =	vadd.f32 v0, v4;
	v12 =	vmov v27  }
0xa7: {  	s3 =	sor.u32 $0x6180, s25;
	v16 =	vld [tilespmem:s9+$0x0];
	s9 =	sor.u32 s23, s2  }
0xa8: {  	s29 =	sor.u32 $0x6200, s25;
	v25 =	vld [tilespmem:s9+$0x0];
	s9 =	sor.u32 s23, s3  }
0xa9: {  	s28 =	sor.u32 $0x6280, s25;
	v29 =	vld [tilespmem:s9+$0x0];
	s9 =	sor.u32 s23, s29  }
0xaa: {  	v31 =	vld [tilespmem:s9+$0x0];
	s9 =	sor.u32 s23, s28  }
0xab: {  	s26 =	sor.u32 $0x20, s24;
	v32 =	vld [tilespmem:s9+$0x0]  }
0xac: {  	s9 =	sor.u32 s26, s18;
	v14 =	vld [tilespmem:s14+$0x20]  }
0xad: {  	v33 =	vld [tilespmem:s9+$0x0]  }
0xae: {  	v34 =	vld [tilespmem:s9+$0x80]  }
0xaf: {  	v35 =	vld [tilespmem:s9+$0x100]  }
0xb0: {  	v39 =	vld [tilespmem:s9+$0x180];
	s9 =	sor.u32 s26, s4  }
0xb1: {  	v40 =	vld [tilespmem:s9+$0x0];
	s9 =	sor.u32 s26, s6  }
0xb2: {  	v41 =	vld [tilespmem:s9+$0x0];
	s9 =	sor.u32 s26, s2  }
0xb3: {  	v42 =	vld [tilespmem:s9+$0x0];
	s9 =	sor.u32 s26, s3  }
0xb4: {  	v43 =	vld [tilespmem:s9+$0x0];
	s9 =	sor.u32 s26, s29  }
0xb5: {  	v44 =	vld [tilespmem:s9+$0x0];
	s9 =	sor.u32 s26, s28  }
0xb6: {  	s30 =	sor.u32 $0x10, s24;
	v45 =	vld [tilespmem:s9+$0x0]  }
0xb7: {  	s9 =	sor.u32 s30, s18;
	v22 =	vld [tilespmem:s14+$0x10]  }
0xb8: {  	v46 =	vld [tilespmem:s9+$0x0]  }
0xb9: {  	v47 =	vld [tilespmem:s9+$0x80]  }
0xba: {  	v49 =	vmul.f32 v30, v12;
	v50 =	vmul.f32 v26, v12;
	v48 =	vld [tilespmem:s9+$0x100]  }
0xbb: {  	v52 =	vmul.f32 v23, v12;
	v53 =	vmul.f32 v24, v12;
	v51 =	vld [tilespmem:s9+$0x180];
	s9 =	sor.u32 s30, s4  }
0xbc: {  	v28 =	vmul.f32 v15, v12;
	v27 =	vmul.f32 v16, v12;
	v54 =	vld [tilespmem:s9+$0x0];
	s9 =	sor.u32 s30, s6  }
0xbd: {  	v26 =	vmul.f32 v25, v12;
	v25 =	vmul.f32 v29, v12;
	v55 =	vld [tilespmem:s9+$0x0]  }
0xbe: {  	v16 =	vmul.f32 v31, v12;
	v15 =	vmul.f32 v32, v12;
	s9 =	sor.u32 s24, s18;
	v29 =	vld [tilespmem:s14+$0x0]  }
0xbf: {  	p0 =	por !p0, !p0;
	v57 =	vmul.f32 v33, v14;
	v58 =	vmul.f32 v34, v14;
	s14 =	simm.s32 $0x1;
	v56 =	vld [tilespmem:s9+$0x0]  }
0xc0: {  	v60 =	vmul.f32 v35, v14;
	v39 =	vmul.f32 v39, v14;
	s14 =	simm.s32 @!p0 $0x0;
	v59 =	vld [tilespmem:s9+$0x80]  }
0xc1: {  	v33 =	vmul.f32 v40, v14;
	v31 =	vmul.f32 v41, v14;
	s14 =	sshll.u32 s14, $0x6;
	v61 =	vld [tilespmem:s9+$0x100]  }
0xc2: {  	v32 =	vmul.f32 v42, v14;
	v30 =	vmul.f32 v43, v14;
	s4 =	sor.u32 s24, s4;
	s1 =	sadd.s32 s1, s14;
	v40 =	vld [tilespmem:s9+$0x180]  }
0xc3: {  	v24 =	vmul.f32 v44, v14;
	v23 =	vmul.f32 v45, v14;
	s1 =	sadd.s32 $0x30, s1;
	v41 =	vld [tilespmem:s4+$0x0];
	s4 =	sor.u32 s24, s6  }
0xc4: {  	v44 =	vmul.f32 v46, v22;
	v45 =	vmul.f32 v47, v22;
	s6 =	sadd.s32 s31, s14;
	s9 =	sor.u32 $0x200, s1;
	v42 =	vld [tilespmem:s4+$0x0]  }
0xc5: {  	v46 =	vmul.f32 v48, v22;
	v47 =	vmul.f32 v51, v22;
	s4 =	sadd.s32 $0xFFFFFFF0, s6;
	v43 =	vld [tilespmem:s9+$0x4000];
	s9 =	sor.u32 $0x280, s1  }
0xc6: {  	v35 =	vmul.f32 v54, v22;
	v34 =	vmul.f32 v55, v22;
	s14 =	sor.u32 $0x200, s4;
	v48 =	vld [tilespmem:s9+$0x4000]  }
0xc7: {  	v38 =	vmul.f32 v38, v29;
	v51 =	vmul.f32 v56, v29;
	s9 =	sadd.s32 $0xFFFFFFE0, s6;
	v54 =	vld [tilespmem:s14+$0x4000];
	s14 =	sor.u32 $0x280, s4  }
0xc8: {  	v55 =	vmul.f32 v59, v29;
	v56 =	vmul.f32 v61, v29;
	s18 =	sor.u32 $0x200, s9;
	v59 =	vld [tilespmem:s14+$0x4000]  }
0xc9: {  	s6 =	sadd.s32 $0xFFFFFFD0, s6;
	v61 =	vmul.f32 v40, v29;
	v40 =	vmul.f32 v41, v29;
	s14 =	sor.u32 $0x280, s9;
	v62 =	vld [tilespmem:s18+$0x4000]  }
0xca: {  	s18 =	sor.u32 $0x200, s6;
	v41 =	vmul.f32 v42, v29;
	v63 =	vld [tilespmem:s14+$0x4000];
	v42 =	vmul.f32 v43, v12  }
0xcb: {  	v20 =	vadd.f32 v51, v20;
	v21 =	vadd.f32 v55, v21;
	s14 =	sor.u32 $0x280, s6;
	v51 =	vld [tilespmem:s18+$0x4000];
	v43 =	vmul.f32 v48, v12  }
0xcc: {  	v17 =	vadd.f32 v56, v17;
	v19 =	vadd.f32 v61, v19;
	s6 =	sor.u32 $0x300, s6;
	v48 =	vld [tilespmem:s14+$0x4000];
	v54 =	vmul.f32 v54, v14  }
0xcd: {  	v20 =	vadd.f32 v44, v20;
	v21 =	vadd.f32 v45, v21;
	v55 =	vld [tilespmem:s6+$0x4000];
	s6 =	sor.u32 $0x300, s9;
	v44 =	vmul.f32 v59, v14  }
0xce: {  	v17 =	vadd.f32 v46, v17;
	v19 =	vadd.f32 v47, v19;
	v45 =	vmul.f32 v62, v22;
	v46 =	vld [tilespmem:s6+$0x4000];
	s6 =	sor.u32 $0x380, s9  }
0xcf: {  	v20 =	vadd.f32 v57, v20;
	v21 =	vadd.f32 v58, v21;
	v47 =	vmul.f32 v63, v22;
	v56 =	vld [tilespmem:s6+$0x4000];
	s6 =	sor.u32 $0x300, s4  }
0xd0: {  	v17 =	vadd.f32 v60, v17;
	v19 =	vadd.f32 v39, v19;
	s4 =	sor.u32 $0x380, s4;
	v51 =	vmul.f32 v51, v29;
	v39 =	vld [tilespmem:s6+$0x4000]  }
0xd1: {  	v20 =	vadd.f32 v49, v20;
	v21 =	vadd.f32 v50, v21;
	v48 =	vmul.f32 v48, v29;
	v57 =	vld [tilespmem:s4+$0x4000];
	s4 =	sor.u32 $0x300, s1  }
0xd2: {  	v17 =	vadd.f32 v52, v17;
	v19 =	vadd.f32 v53, v19;
	s1 =	sor.u32 $0x380, s1;
	v49 =	vmul.f32 v55, v29;
	v50 =	vld [tilespmem:s4+$0x4000]  }
0xd3: {  	v13 =	vadd.f32 v51, v13;
	s4 =	sor.u32 s24, s2;
	v18 =	vadd.f32 v48, v18;
	v46 =	vmul.f32 v46, v22;
	v51 =	vld [tilespmem:s1+$0x4000]  }
.Ltmp2:
0xd4: {  	v37 =	vadd.f32 v38, v37;
	s1 =	sor.u32 s24, s3;
	v36 =	vadd.f32 v49, v36;
	v38 =	vld [tilespmem:s4+$0x0];
	v49 =	vmul.f32 v56, v22;
	(pc) =	sbr.rel @p1 .LBB2_3-.Ltmp2, $4  }
0xd5: {  	v13 =	vadd.f32 v45, v13;
	v48 =	vld [tilespmem:s1+$0x0];
	v18 =	vadd.f32 v47, v18;
	s1 =	sor.u32 s30, s2;
	v52 =	vmul.f32 v39, v14  }
0xd6: {  	v53 =	vadd.f32 v46, v36;
	v49 =	vadd.f32 v49, v37;
	v47 =	vld [tilespmem:s1+$0x0];
	s1 =	sor.u32 s30, s3;
	v55 =	vmul.f32 v57, v14  }
0xd7: {  	v37 =	vadd.f32 v54, v13;
	v46 =	vld [tilespmem:s1+$0x0];
	s1 =	sor.u32 s30, s29;
	v39 =	vadd.f32 v44, v18;
	v36 =	vmul.f32 v50, v12  }
0xd8: {  	s31 =	sadd.s32 $0x200, s31;
	v45 =	vld [tilespmem:s1+$0x0];
	s1 =	sor.u32 s30, s28;
	v50 =	vadd.f32 v52, v53;
	v49 =	vadd.f32 v55, v49;
	v51 =	vmul.f32 v51, v12  }
0xd9: {  	s2 =	sor.u32 s24, s29;
	v56 =	vld [tilespmem:s1+$0x0]  }
0xda: {  	s9 =	sor.u32 s24, s28;
	s10 =	sor.u32 $0x6300, s25;
	v0 =	vld [tilespmem:s2+$0x0]  }
0xdb: {  	v57 =	vld [tilespmem:s9+$0x0];
	s14 =	sor.u32 s24, s10  }
0xdc: {  	s3 =	sor.u32 $0x6380, s25;
	s22 =	sor.u32 s30, s10;
	v61 =	vld [tilespmem:s14+$0x0]  }
0xdd: {  	s18 =	sor.u32 s24, s3;
	s24 =	sor.u32 s30, s3;
	v62 =	vld [tilespmem:s22+$0x0]  }
0xde: {  	p0 =	seq.s32 s20, $0x7;
	v63 =	vld [tilespmem:s24+$0x0]  }
0xdf: {  	s25 =	sor.u32 s26, s10;
	s26 =	sor.u32 s26, s3;
	v58 =	vld [tilespmem:s18+$0x0];
	s22 =	sshll.u32 s20, $0xE  }
0xe0: {  	v11 =	vadd.f32 v40, v11;
	s6 =	sor.u32 s23, s10;
	s9 =	sor.u32 s23, s3;
	v40 =	vmul.f32 v48, v29;
	v59 =	vld [tilespmem:s25+$0x0];
	s4 =	sadd.s32 @!p0 s7, s22;
	[tilespmem:$0x1FF70] =	vst v0  }
0xe1: {  	v39 =	vadd.f32 v43, v39;
	v43 =	vmul.f32 v38, v29;
	v10 =	vadd.f32 v41, v10;
	s1 =	simm.s32 @!p0 $0x2000;
	s3 =	simm.s32 @!p0 $0x20000;
	v60 =	vld [tilespmem:s26+$0x0];
	s2 =	sshrl.u32 @!p0 s4, $0x3;
	[tilespmem:$0x1FF80] =	vst v61  }
0xe2: {  	v38 =	vadd.f32 v51, v49;
	s24 =	simm.s32 $0x0;
	v8 =	vadd.f32 v40, v8;
	v51 =	vmul.f32 v46, v22;
	s4 =	simm.s32 @!p0 $0x4000;
	s2 =	sadd.s32 @!p0 s0, s2;
	[tilespmem:$0x1FF90] =	vst v62;
	v61 =	vld [tilespmem:s6+$0x0]  }
0xe3: {  	v10 =	vadd.f32 v34, v10;
	[tilespmem:$0x1FFA0] =	vst v63;
	v62 =	vld [tilespmem:s9+$0x0];
	[tilespmem:s4], [sflag:$0x1] =	stream.strided.gather @!p0 [hbm4b:s2+s1], $0x4000, s3, s1, $0x38  }
0xe4: {  	s10 =	simm.s32 $0x0;
	s25 =	sand.u32 $0x40, s24;
	v8 =	vadd.f32 v51, v8;
	_ =	swait.ge [sflag:s17], $0x4000  }
0xe5: {  	s14 =	sand.u32 $0x380, s24;
	s18 =	sor.u32 s10, s24;
	v10 =	vadd.f32 v31, v10;
	[sflag:s17] =	ssyncset.done $0x0;
	v31 =	vld [tilespmem:$0x1FF70]  }
0xe6: {  	s23 =	sor.u32 $0x380, s18;
	s2 =	sadd.s32 s14, s21;
	v30 =	vadd.f32 v30, v8;
	v8 =	vld [tilespmem:$0x1FF80];
	[sflag:s17] =	ssyncadd.s32 $0xFFFFC000  }
0xe7: {  	s26 =	sand.u32 $0x1C00, s10;
	s4 =	sadd.s32 s25, s2;
	v44 =	vld [tilespmem:s23+$0x8000]  }
0xe8: {  	s6 =	sor.u32 $0x8000, s26;
	s23 =	sor.u32 $0x30, s25;
	v13 =	vld [tilespmem:s4+$0x430]  }
0xe9: {  	v18 =	vld [tilespmem:s4+$0x420];
	s3 =	sor.u32 s23, s6  }
0xea: {  	v63 =	vld [tilespmem:s3+$0x0]  }
0xeb: {  	s14 =	sor.u32 $0xA000, s26;
	v55 =	vld [tilespmem:s3+$0x100]  }
0xec: {  	s2 =	sor.u32 $0xA180, s26;
	s9 =	sor.u32 s23, s14;
	v53 =	vld [tilespmem:s3+$0x180]  }
0xed: {  	v9 =	vadd.f32 v43, v9;
	v49 =	vmul.f32 v47, v22;
	v11 =	vadd.f32 v35, v11;
	s1 =	sor.u32 $0xA080, s26;
	s18 =	sor.u32 s23, s2;
	v54 =	vld [tilespmem:s9+$0x0]  }
0xee: {  	s28 =	sor.u32 $0x20, s25;
	s9 =	sor.u32 s23, s1;
	v0 =	vld [tilespmem:s18+$0x0]  }
0xef: {  	v9 =	vadd.f32 v49, v9;
	v11 =	vadd.f32 v33, v11;
	s18 =	sor.u32 s28, s14;
	v52 =	vld [tilespmem:s9+$0x0]  }
0xf0: {  	v40 =	vld [tilespmem:s18+$0x0]  }
0xf1: {  	s30 =	sor.u32 $0xA200, s26;
	v9 =	vadd.f32 v32, v9;
	v32 =	vmul.f32 v8, v29;
	v8 =	vadd.f32 v28, v11;
	v11 =	vld [tilespmem:$0x1FF90]  }
0xf2: {  	s9 =	sor.u32 s23, s30;
	[tilespmem:$0x1FFB0] =	vst v44;
	v44 =	vld [tilespmem:s3+$0x80];
	s3 =	sor.u32 $0xA100, s26  }
0xf3: {  	v46 =	vmul.f32 v57, v29;
	v2 =	vld [tilespmem:s9+$0x0];
	s10 =	sor.u32 s23, s3  }
0xf4: {  	v31 =	vmul.f32 v31, v29;
	v29 =	vmul.f32 v58, v29;
	s18 =	sor.u32 s28, s3;
	v3 =	vld [tilespmem:s10+$0x0]  }
0xf5: {  	s29 =	sor.u32 $0xA280, s26;
	v33 =	vld [tilespmem:s18+$0x0]  }
0xf6: {  	v9 =	vadd.f32 v26, v9;
	s10 =	sor.u32 s23, s29;
	v26 =	vmul.f32 v0, v13;
	v0 =	vadd.f32 v29, v4;
	v29 =	vld [tilespmem:s4+$0x400]  }
0xf7: {  	s18 =	sor.u32 s28, s30;
	v1 =	vld [tilespmem:s10+$0x0]  }
0xf8: {  	v47 =	vld [tilespmem:s18+$0x0]  }
0xf9: {  	s10 =	sor.u32 s28, s6;
	v51 =	vmul.f32 v11, v22;
	v11 =	vld [tilespmem:$0x1FFA0]  }
0xfa: {  	v37 =	vadd.f32 v42, v37;
	v42 =	vld [tilespmem:s10+$0x0]  }
0xfb: {  	v36 =	vadd.f32 v36, v50;
	v50 =	vld [tilespmem:s10+$0x80]  }
0xfc: {  	s31 =	sor.u32 $0x10, s25;
	v48 =	vld [tilespmem:s10+$0x100]  }
0xfd: {  	s18 =	sor.u32 s31, s6;
	v43 =	vld [tilespmem:s10+$0x180]  }
0xfe: {  	v57 =	vmul.f32 v59, v14;
	v14 =	vmul.f32 v60, v14;
	v58 =	vld [tilespmem:s18+$0x0]  }
0xff: {  	v59 =	vmul.f32 v61, v12;
	v60 =	vmul.f32 v62, v12;
	v12 =	vld [tilespmem:s18+$0x80]  }
0x100: {  	s10 =	sor.u32 s28, s1;
	v61 =	vld [tilespmem:s18+$0x100]  }
0x101: {  	v34 =	vld [tilespmem:s10+$0x0]  }
0x102: {  	v62 =	vmul.f32 v63, v13;
	s10 =	sor.u32 s28, s2;
	v63 =	vmul.f32 v44, v13;
	v44 =	vld [tilespmem:s18+$0x180]  }
0x103: {  	v35 =	vmul.f32 v45, v22;
	s18 =	sor.u32 s31, s1;
	v45 =	vld [tilespmem:s10+$0x0]  }
0x104: {  	v41 =	vmul.f32 v56, v22;
	v6 =	vadd.f32 v46, v6;
	v28 =	vmul.f32 v52, v13;
	s10 =	sor.u32 s28, s29;
	v52 =	vld [tilespmem:s18+$0x0]  }
0x105: {  	v49 =	vld [tilespmem:s10+$0x0]  }
0x106: {  	v10 =	vadd.f32 v27, v10;
	v6 =	vadd.f32 v41, v6;
	s10 =	sor.u32 s31, s14;
	v56 =	vmul.f32 v11, v22;
	v22 =	vld [tilespmem:s4+$0x410]  }
0x107: {  	v7 =	vadd.f32 v31, v7;
	v55 =	vmul.f32 v55, v13;
	v53 =	vmul.f32 v53, v13;
	v46 =	vld [tilespmem:s10+$0x0];
	s10 =	sor.u32 s25, s6  }
0x108: {  	v27 =	vmul.f32 v54, v13;
	v4 =	vmul.f32 v2, v13;
	v11 =	vadd.f32 v25, v30;
	v2 =	vld [tilespmem:s10+$0x0]  }
0x109: {  	p1 =	por $0x0, $0x0;
	v30 =	vadd.f32 v32, v5;
	v5 =	vmul.f32 v1, v13;
	v1 =	vadd.f32 v35, v7;
	s6 =	simm.s32 $0x1;
	v7 =	vld [tilespmem:s10+$0x80]  }
0x10a: {  	v25 =	vmul.f32 v3, v13;
	v3 =	vmul.f32 v42, v18;
	s6 =	simm.s32 @!p1 $0x0;
	v42 =	vld [tilespmem:s10+$0x100]  }
0x10b: {  	v23 =	vadd.f32 v23, v6;
	v35 =	vmul.f32 v50, v18;
	v50 =	vmul.f32 v43, v18;
	v43 =	vld [tilespmem:s10+$0x180];
	s10 =	sor.u32 s25, s1;
	s6 =	sshll.u32 s6, $0x6  }
0x10c: {  	v31 =	vmul.f32 v40, v18;
	s18 =	sor.u32 s25, s14;
	v1 =	vadd.f32 v24, v1;
	v24 =	vmul.f32 v47, v18;
	v47 =	vld [tilespmem:s10+$0x0];
	s9 =	sadd.s32 $0x0, s6  }
0x10d: {  	v54 =	vadd.f32 v51, v30;
	v32 =	vmul.f32 v34, v18;
	v34 =	vmul.f32 v45, v18;
	v45 =	vld [tilespmem:s18+$0x0];
	s1 =	sadd.s32 $0x30, s9  }
0x10e: {  	v0 =	vadd.f32 v56, v0;
	s6 =	sadd.s32 $0x30, s6;
	v30 =	vmul.f32 v49, v18;
	v49 =	vmul.f32 v58, v22;
	s14 =	sor.u32 $0x200, s1;
	v58 =	vld [tilespmem:$0x1FFB0]  }
0x10f: {  	v33 =	vmul.f32 v33, v18;
	v54 =	vadd.f32 v57, v54;
	s9 =	sadd.s32 $0xFFFFFFF0, s6;
	v57 =	vmul.f32 v44, v22;
	s18 =	sor.u32 $0x280, s1;
	v44 =	vld [tilespmem:s14+$0x8000]  }
0x110: {  	v48 =	vmul.f32 v48, v18;
	v0 =	vadd.f32 v14, v0;
	v40 =	vmul.f32 v46, v22;
	s10 =	sor.u32 $0x200, s9;
	v46 =	vld [tilespmem:s18+$0x8000]  }
0x111: {  	v6 =	vadd.f32 v16, v1;
	s4 =	sadd.s32 $0xFFFFFFE0, s6;
	v51 =	vmul.f32 v12, v22;
	v56 =	vmul.f32 v61, v22;
	v16 =	vld [tilespmem:s10+$0x8000];
	s18 =	sor.u32 $0x280, s9  }
0x112: {  	v41 =	vmul.f32 v52, v22;
	v12 =	vadd.f32 v15, v23;
	v1 =	vmul.f32 v2, v29;
	v52 =	vld [tilespmem:s18+$0x8000];
	s18 =	sor.u32 $0x280, s4  }
0x113: {  	v15 =	vmul.f32 v7, v29;
	v23 =	vmul.f32 v42, v29;
	v7 =	vadd.f32 v59, v54;
	v61 =	vld [tilespmem:s18+$0x8000];
	s18 =	sor.u32 $0x300, s4  }
0x114: {  	s6 =	sadd.s32 $0xFFFFFFD0, s6;
	s10 =	sor.u32 $0x200, s4;
	v54 =	vmul.f32 v43, v29;
	v14 =	vadd.f32 v60, v0;
	v1 =	vadd.f32 v1, v20;
	v59 =	vld [tilespmem:s18+$0x8000]  }
0x115: {  	v15 =	vadd.f32 v15, v21;
	v17 =	vadd.f32 v23, v17;
	v2 =	vmul.f32 v58, v29;
	v58 =	vld [tilespmem:s10+$0x8000];
	s10 =	sor.u32 $0x200, s6  }
0x116: {  	v43 =	vmul.f32 v47, v29;
	v19 =	vadd.f32 v54, v19;
	v1 =	vadd.f32 v49, v1;
	v20 =	vld [tilespmem:s10+$0x8000];
	s10 =	sor.u32 $0x280, s6  }
0x117: {  	v42 =	vmul.f32 v45, v29;
	v15 =	vadd.f32 v51, v15;
	v17 =	vadd.f32 v56, v17;
	s6 =	sor.u32 $0x300, s6;
	v21 =	vld [tilespmem:s10+$0x8000]  }
0x118: {  	v19 =	vadd.f32 v57, v19;
	v44 =	vmul.f32 v44, v13;
	v45 =	vmul.f32 v46, v13;
	v23 =	vld [tilespmem:s6+$0x8000]  }
0x119: {  	s4 =	sor.u32 $0x380, s4;
	v16 =	vmul.f32 v16, v18;
	v1 =	vadd.f32 v3, v1;
	v17 =	vadd.f32 v48, v17  }
0x11a: {  	s14 =	sor.u32 $0x380, s9;
	v51 =	vld [tilespmem:s4+$0x8000];
	v47 =	vmul.f32 v52, v18;
	v3 =	vadd.f32 v35, v15;
	v60 =	vadd.f32 v50, v19  }
0x11b: {  	s10 =	sor.u32 $0x300, s9;
	v52 =	vld [tilespmem:s14+$0x8000];
	v2 =	vadd.f32 v2, v38;
	v0 =	vmul.f32 v61, v22;
	v19 =	vadd.f32 v55, v17  }
0x11c: {  	s18 =	sor.u32 $0x300, s1;
	s1 =	sor.u32 $0x380, s1;
	v48 =	vld [tilespmem:s10+$0x8000];
	v17 =	vadd.f32 v53, v60;
	v15 =	vmul.f32 v20, v29;
	v61 =	vmul.f32 v21, v29  }
0x11d: {  	v59 =	vmul.f32 v59, v22;
	v60 =	vld [tilespmem:s1+$0x8000];
	v20 =	vadd.f32 v63, v3;
	v56 =	vmul.f32 v23, v29  }
0x11e: {  	s6 =	sor.u32 s25, s3;
	v46 =	vmul.f32 v58, v22;
	v3 =	vld [tilespmem:s18+$0x8000];
	v57 =	vadd.f32 v15, v37;
	v58 =	vadd.f32 v61, v39  }
0x11f: {  	s9 =	sor.u32 s25, s2;
	v21 =	vadd.f32 v62, v1;
	v15 =	vld [tilespmem:s6+$0x0];
	v1 =	vadd.f32 v56, v36;
	v61 =	vmul.f32 v51, v22  }
0x120: {  	s10 =	sor.u32 s31, s3;
	v23 =	vld [tilespmem:s9+$0x0];
	v63 =	vmul.f32 v52, v18;
	v35 =	vadd.f32 v46, v57;
	v0 =	vadd.f32 v0, v58  }
0x121: {  	s14 =	sor.u32 s31, s2;
	v62 =	vmul.f32 v48, v18;
	v48 =	vld [tilespmem:s10+$0x0];
	v1 =	vadd.f32 v59, v1;
	v2 =	vadd.f32 v61, v2  }
0x122: {  	s18 =	sor.u32 s31, s30;
	v50 =	vmul.f32 v60, v13;
	v46 =	vld [tilespmem:s14+$0x0];
	v16 =	vadd.f32 v16, v35;
	v37 =	vadd.f32 v47, v0  }
0x123: {  	s2 =	simm.s32 $0x230;
	s1 =	sor.u32 s31, s29;
	v35 =	vmul.f32 v3, v13;
	v47 =	vld [tilespmem:s18+$0x0];
	v36 =	vadd.f32 v62, v1;
	v49 =	vadd.f32 v63, v2  }
.LBB2_5:
0x124: {  	p2 =	sne.s32 s2, $0x1E30;
	v0 =	vmul.f32 v15, v29;
	s3 =	sor.u32 s25, s30;
	v1 =	vld [tilespmem:s1+$0x0];
	v15 =	vadd.f32 v44, v16;
	v16 =	vadd.f32 v45, v37  }
0x125: {  	s1 =	sor.u32 s25, s29;
	v2 =	vmul.f32 v23, v29;
	v3 =	vld [tilespmem:s3+$0x0];
	s3 =	sor.u32 $0xA300, s26;
	v23 =	vadd.f32 v35, v36;
	v35 =	vadd.f32 v50, v49  }
0x126: {  	v8 =	vadd.f32 v42, v8;
	v10 =	vadd.f32 v43, v10;
	s4 =	sor.u32 $0xA380, s26;
	v36 =	vld [tilespmem:s1+$0x0];
	s1 =	sor.u32 s25, s3;
	v37 =	vmul.f32 v48, v22  }
0x127: {  	v0 =	vadd.f32 v0, v9;
	v2 =	vadd.f32 v2, v11;
	v9 =	vld [tilespmem:s1+$0x0];
	s1 =	sor.u32 s25, s4;
	v11 =	vmul.f32 v46, v22  }
0x128: {  	v8 =	vadd.f32 v40, v8;
	v10 =	vadd.f32 v41, v10;
	v38 =	vld [tilespmem:s1+$0x0];
	v39 =	vmul.f32 v47, v22;
	s1 =	sor.u32 s31, s3  }
0x129: {  	v0 =	vadd.f32 v37, v0;
	v2 =	vadd.f32 v11, v2;
	v1 =	vmul.f32 v1, v22;
	v37 =	vld [tilespmem:s1+$0x0];
	s1 =	sor.u32 s31, s4  }
0x12a: {  	v8 =	vadd.f32 v31, v8;
	v10 =	vadd.f32 v32, v10;
	v3 =	vmul.f32 v3, v29;
	v40 =	vld [tilespmem:s1+$0x0];
	s1 =	sor.u32 s28, s3  }
0x12b: {  	s24 =	sadd.s32 $0x40, s24;
	v0 =	vadd.f32 v33, v0;
	v31 =	vmul.f32 v36, v29;
	v2 =	vadd.f32 v34, v2;
	v32 =	vld [tilespmem:s1+$0x0];
	s1 =	sor.u32 s28, s4  }
0x12c: {  	s14 =	sadd.s32 $0xFFFFFFD0, s2;
	s25 =	sand.u32 $0x40, s24;
	v8 =	vadd.f32 v27, v8;
	v10 =	vadd.f32 v28, v10;
	v33 =	vmul.f32 v9, v29;
	v34 =	vld [tilespmem:s1+$0x0];
	s1 =	sor.u32 s23, s3  }
0x12d: {  	s6 =	sor.u32 s14, s24;
	s3 =	sand.u32 $0x380, s24;
	v9 =	vadd.f32 v25, v0;
	v27 =	vmul.f32 v38, v29;
	v11 =	vadd.f32 v26, v2;
	v0 =	vld [tilespmem:s1+$0x0];
	s1 =	sor.u32 s23, s4  }
0x12e: {  	s26 =	sand.u32 $0x1C00, s14;
	s6 =	sor.u32 $0x380, s6;
	s3 =	sadd.s32 s3, s21;
	v2 =	vadd.f32 v3, v6;
	v3 =	vadd.f32 v31, v12;
	v6 =	vmul.f32 v37, v22;
	v12 =	vld [tilespmem:s1+$0x0]  }
0x12f: {  	s4 =	sor.u32 $0x8000, s26;
	s23 =	sor.u32 $0x30, s25;
	s18 =	sadd.s32 s25, s3;
	v7 =	vadd.f32 v33, v7;
	v36 =	vld [tilespmem:s6+$0x8000];
	v14 =	vadd.f32 v27, v14;
	v22 =	vmul.f32 v40, v22  }
0x130: {  	s1 =	sor.u32 s23, s4;
	v2 =	vadd.f32 v39, v2;
	v1 =	vadd.f32 v1, v3;
	v25 =	vld [tilespmem:s18+$0x430];
	v3 =	vmul.f32 v32, v18  }
0x131: {  	v6 =	vadd.f32 v6, v7;
	v26 =	vld [tilespmem:s1+$0x0];
	v7 =	vadd.f32 v22, v14;
	v14 =	vmul.f32 v34, v18  }
0x132: {  	v2 =	vadd.f32 v24, v2;
	v1 =	vadd.f32 v30, v1;
	v27 =	vld [tilespmem:s1+$0x80];
	v0 =	vmul.f32 v0, v13  }
0x133: {  	s6 =	sor.u32 $0xA000, s26;
	v3 =	vadd.f32 v3, v6;
	v24 =	vld [tilespmem:s1+$0x100];
	v14 =	vadd.f32 v14, v7;
	v18 =	vmul.f32 v12, v13  }
0x134: {  	s9 =	sor.u32 $0xA080, s26;
	v6 =	vadd.f32 v4, v2;
	v12 =	vadd.f32 v5, v1;
	v28 =	vld [tilespmem:s1+$0x180];
	s1 =	sor.u32 s23, s6  }
0x135: {  	s3 =	sor.u32 $0xA100, s26;
	s28 =	sor.u32 s23, s9;
	v7 =	vadd.f32 v0, v3;
	v1 =	vld [tilespmem:s1+$0x0];
	v14 =	vadd.f32 v18, v14;
	v13 =	vmov v25  }
0x136: {  	s1 =	sor.u32 $0xA180, s26;
	v0 =	vld [tilespmem:s28+$0x0];
	s28 =	sor.u32 s23, s3  }
0x137: {  	s30 =	sor.u32 $0xA200, s26;
	v2 =	vld [tilespmem:s28+$0x0];
	s28 =	sor.u32 s23, s1  }
0x138: {  	s29 =	sor.u32 $0xA280, s26;
	v3 =	vld [tilespmem:s28+$0x0];
	s28 =	sor.u32 s23, s30  }
0x139: {  	s31 =	sor.u32 s23, s29;
	v4 =	vld [tilespmem:s28+$0x0]  }
0x13a: {  	s28 =	sor.u32 $0x20, s25;
	v5 =	vld [tilespmem:s31+$0x0]  }
0x13b: {  	s31 =	sor.u32 s28, s4;
	v18 =	vld [tilespmem:s18+$0x420]  }
0x13c: {  	v30 =	vld [tilespmem:s31+$0x0]  }
0x13d: {  	v31 =	vld [tilespmem:s31+$0x80]  }
0x13e: {  	v32 =	vld [tilespmem:s31+$0x100]  }
0x13f: {  	v33 =	vld [tilespmem:s31+$0x180];
	s31 =	sor.u32 s28, s6  }
0x140: {  	v34 =	vld [tilespmem:s31+$0x0];
	s31 =	sor.u32 s28, s9  }
0x141: {  	v37 =	vld [tilespmem:s31+$0x0];
	s31 =	sor.u32 s28, s3  }
0x142: {  	v38 =	vld [tilespmem:s31+$0x0];
	s31 =	sor.u32 s28, s1  }
0x143: {  	v39 =	vld [tilespmem:s31+$0x0];
	s31 =	sor.u32 s28, s30  }
0x144: {  	s10 =	sor.u32 s28, s29;
	v40 =	vld [tilespmem:s31+$0x0]  }
0x145: {  	s31 =	sor.u32 $0x10, s25;
	v41 =	vld [tilespmem:s10+$0x0]  }
0x146: {  	s10 =	sor.u32 s31, s4;
	v22 =	vld [tilespmem:s18+$0x410]  }
0x147: {  	v42 =	vld [tilespmem:s10+$0x0]  }
0x148: {  	v43 =	vld [tilespmem:s10+$0x80]  }
0x149: {  	v46 =	vmul.f32 v26, v13;
	v47 =	vmul.f32 v27, v13;
	v44 =	vld [tilespmem:s10+$0x100]  }
0x14a: {  	v48 =	vmul.f32 v24, v13;
	v49 =	vmul.f32 v28, v13;
	v45 =	vld [tilespmem:s10+$0x180];
	s10 =	sor.u32 s31, s6  }
0x14b: {  	v27 =	vmul.f32 v1, v13;
	v28 =	vmul.f32 v0, v13;
	v50 =	vld [tilespmem:s10+$0x0];
	s10 =	sor.u32 s31, s9  }
0x14c: {  	v25 =	vmul.f32 v2, v13;
	v26 =	vmul.f32 v3, v13;
	v0 =	vld [tilespmem:s10+$0x0]  }
0x14d: {  	v4 =	vmul.f32 v4, v13;
	v5 =	vmul.f32 v5, v13;
	s4 =	sor.u32 s25, s4;
	v29 =	vld [tilespmem:s18+$0x400]  }
0x14e: {  	p1 =	por !p1, !p1;
	v2 =	vmul.f32 v30, v18;
	v3 =	vmul.f32 v31, v18;
	s10 =	simm.s32 $0x1;
	v1 =	vld [tilespmem:s4+$0x0]  }
0x14f: {  	v52 =	vmul.f32 v32, v18;
	v53 =	vmul.f32 v33, v18;
	s10 =	simm.s32 @!p1 $0x0;
	v51 =	vld [tilespmem:s4+$0x80]  }
0x150: {  	v31 =	vmul.f32 v34, v18;
	v32 =	vmul.f32 v37, v18;
	s10 =	sshll.u32 s10, $0x6;
	v54 =	vld [tilespmem:s4+$0x100]  }
0x151: {  	v33 =	vmul.f32 v38, v18;
	v34 =	vmul.f32 v39, v18;
	s14 =	sadd.s32 s14, s10;
	v37 =	vld [tilespmem:s4+$0x180];
	s4 =	sor.u32 s25, s6  }
0x152: {  	v24 =	vmul.f32 v40, v18;
	v30 =	vmul.f32 v41, v18;
	s6 =	sor.u32 s25, s9;
	v38 =	vld [tilespmem:s4+$0x0];
	s4 =	sadd.s32 $0x30, s14  }
0x153: {  	v55 =	vmul.f32 v42, v22;
	v56 =	vmul.f32 v43, v22;
	s9 =	sadd.s32 s2, s10;
	v39 =	vld [tilespmem:s6+$0x0];
	s10 =	sor.u32 $0x200, s4  }
0x154: {  	v57 =	vmul.f32 v44, v22;
	v58 =	vmul.f32 v45, v22;
	s6 =	sadd.s32 $0xFFFFFFF0, s9;
	v44 =	vld [tilespmem:s10+$0x8000];
	s10 =	sor.u32 $0x280, s4  }
0x155: {  	v40 =	vmul.f32 v50, v22;
	v41 =	vmul.f32 v0, v22;
	s14 =	sor.u32 $0x200, s6;
	v0 =	vld [tilespmem:s10+$0x8000]  }
0x156: {  	v36 =	vmul.f32 v36, v29;
	v1 =	vmul.f32 v1, v29;
	s10 =	sadd.s32 $0xFFFFFFE0, s9;
	v50 =	vld [tilespmem:s14+$0x8000];
	s14 =	sor.u32 $0x280, s6  }
0x157: {  	v45 =	vmul.f32 v51, v29;
	v51 =	vmul.f32 v54, v29;
	s18 =	sor.u32 $0x200, s10;
	v54 =	vld [tilespmem:s14+$0x8000]  }
0x158: {  	s9 =	sadd.s32 $0xFFFFFFD0, s9;
	v37 =	vmul.f32 v37, v29;
	v42 =	vmul.f32 v38, v29;
	s14 =	sor.u32 $0x280, s10;
	v38 =	vld [tilespmem:s18+$0x8000]  }
0x159: {  	s18 =	sor.u32 $0x200, s9;
	v43 =	vmul.f32 v39, v29;
	v39 =	vld [tilespmem:s14+$0x8000];
	v44 =	vmul.f32 v44, v13  }
0x15a: {  	v1 =	vadd.f32 v1, v21;
	v20 =	vadd.f32 v45, v20;
	s14 =	sor.u32 $0x280, s9;
	v21 =	vld [tilespmem:s18+$0x8000];
	v45 =	vmul.f32 v0, v13  }
0x15b: {  	v17 =	vadd.f32 v37, v17;
	s9 =	sor.u32 $0x300, s9;
	v0 =	vadd.f32 v51, v19;
	v19 =	vld [tilespmem:s14+$0x8000];
	v37 =	vmul.f32 v50, v18  }
0x15c: {  	v1 =	vadd.f32 v55, v1;
	v20 =	vadd.f32 v56, v20;
	v50 =	vld [tilespmem:s9+$0x8000];
	s9 =	sor.u32 $0x300, s10;
	v51 =	vmul.f32 v54, v18  }
0x15d: {  	v17 =	vadd.f32 v58, v17;
	v0 =	vadd.f32 v57, v0;
	v38 =	vmul.f32 v38, v22;
	v54 =	vld [tilespmem:s9+$0x8000];
	s9 =	sor.u32 $0x380, s10  }
0x15e: {  	v1 =	vadd.f32 v2, v1;
	v2 =	vadd.f32 v3, v20;
	v39 =	vmul.f32 v39, v22;
	v55 =	vld [tilespmem:s9+$0x8000];
	s9 =	sor.u32 $0x300, s6  }
0x15f: {  	v17 =	vadd.f32 v53, v17;
	v0 =	vadd.f32 v52, v0;
	s6 =	sor.u32 $0x380, s6;
	v3 =	vmul.f32 v21, v29;
	v52 =	vld [tilespmem:s9+$0x8000]  }
0x160: {  	v20 =	vadd.f32 v47, v2;
	v21 =	vadd.f32 v46, v1;
	v53 =	vmul.f32 v19, v29;
	v56 =	vld [tilespmem:s6+$0x8000];
	s6 =	sor.u32 $0x300, s4  }
0x161: {  	v17 =	vadd.f32 v49, v17;
	v19 =	vadd.f32 v48, v0;
	s4 =	sor.u32 $0x380, s4;
	v1 =	vmul.f32 v50, v29;
	v0 =	vld [tilespmem:s6+$0x8000]  }
0x162: {  	v2 =	vadd.f32 v3, v15;
	s6 =	sor.u32 s25, s3;
	v3 =	vadd.f32 v53, v16;
	v16 =	vmul.f32 v54, v22;
	v50 =	vld [tilespmem:s4+$0x8000]  }
.Ltmp3:
0x163: {  	v35 =	vadd.f32 v36, v35;
	s4 =	sor.u32 s25, s1;
	v1 =	vadd.f32 v1, v23;
	v15 =	vld [tilespmem:s6+$0x0];
	v36 =	vmul.f32 v55, v22;
	(pc) =	sbr.rel @p2 .LBB2_5-.Ltmp3, $4  }
0x164: {  	s3 =	sor.u32 s31, s3;
	v2 =	vadd.f32 v38, v2;
	v23 =	vld [tilespmem:s4+$0x0];
	v3 =	vadd.f32 v39, v3;
	v38 =	vmul.f32 v52, v18  }
0x165: {  	s1 =	sor.u32 s31, s1;
	v1 =	vadd.f32 v16, v1;
	v39 =	vadd.f32 v36, v35;
	v48 =	vld [tilespmem:s3+$0x0];
	v49 =	vmul.f32 v56, v18  }
0x166: {  	v16 =	vadd.f32 v37, v2;
	v46 =	vld [tilespmem:s1+$0x0];
	s1 =	sor.u32 s31, s30;
	v37 =	vadd.f32 v51, v3;
	v35 =	vmul.f32 v0, v13  }
0x167: {  	s2 =	sadd.s32 $0x200, s2;
	v47 =	vld [tilespmem:s1+$0x0];
	s1 =	sor.u32 s31, s29;
	v36 =	vadd.f32 v38, v1;
	v49 =	vadd.f32 v49, v39;
	v50 =	vmul.f32 v50, v13  }
0x168: {  	v39 =	vadd.f32 v44, v16  }
0x169: {  	v0 =	vmul.f32 v15, v29;
	s2 =	sor.u32 s25, s30;
	v1 =	vld [tilespmem:s1+$0x0];
	v38 =	vadd.f32 v45, v37;
	v8 =	vadd.f32 v42, v8  }
0x16a: {  	s10 =	sor.u32 s25, s29;
	s14 =	sor.u32 $0xA300, s26;
	v10 =	vadd.f32 v43, v10;
	v2 =	vmul.f32 v23, v29;
	v3 =	vld [tilespmem:s2+$0x0];
	v37 =	vadd.f32 v35, v36  }
0x16b: {  	s3 =	sor.u32 $0xA380, s26;
	v36 =	vadd.f32 v50, v49;
	v15 =	vld [tilespmem:s10+$0x0];
	s18 =	sor.u32 s25, s14;
	v16 =	vmul.f32 v48, v22;
	v0 =	vadd.f32 v0, v9  }
0x16c: {  	s21 =	sor.u32 s25, s3;
	v9 =	vld [tilespmem:s18+$0x0];
	v8 =	vadd.f32 v40, v8;
	v10 =	vadd.f32 v41, v10  }
0x16d: {  	s25 =	sor.u32 s31, s3;
	v23 =	vld [tilespmem:s21+$0x0];
	v2 =	vadd.f32 v2, v11;
	v11 =	vmul.f32 v46, v22;
	v0 =	vadd.f32 v16, v0  }
0x16e: {  	s24 =	sor.u32 s31, s14;
	v56 =	vld [tilespmem:s25+$0x0];
	v55 =	vmul.f32 v47, v22;
	v8 =	vadd.f32 v31, v8;
	v10 =	vadd.f32 v32, v10  }
0x16f: {  	s29 =	sor.u32 s28, s3;
	v16 =	vld [tilespmem:s24+$0x0];
	v2 =	vadd.f32 v11, v2;
	v1 =	vmul.f32 v1, v22;
	v3 =	vmul.f32 v3, v29  }
0x170: {  	s26 =	sor.u32 s28, s14;
	v59 =	vld [tilespmem:s29+$0x0];
	v15 =	vmul.f32 v15, v29;
	v0 =	vadd.f32 v33, v0;
	v11 =	vadd.f32 v27, v8  }
0x171: {  	s30 =	sor.u32 s23, s14;
	v57 =	vld [tilespmem:s26+$0x0];
	v10 =	vadd.f32 v28, v10;
	v2 =	vadd.f32 v34, v2;
	v58 =	vmul.f32 v9, v29  }
0x172: {  	s31 =	sor.u32 s23, s3;
	v60 =	vld [tilespmem:s30+$0x0];
	v23 =	vmul.f32 v23, v29;
	v9 =	vadd.f32 v25, v0;
	v61 =	vadd.f32 v3, v6  }
0x173: {  	v62 =	vld [tilespmem:s31+$0x0];
	v3 =	vadd.f32 v15, v12;
	v15 =	vmul.f32 v56, v22;
	v8 =	vadd.f32 v26, v2  }
0x174: {  	v6 =	vmul.f32 v16, v22;
	v7 =	vadd.f32 v58, v7;
	v14 =	vadd.f32 v23, v14  }
0x175: {  	v63 =	vmul.f32 v59, v18;
	v2 =	vadd.f32 v55, v61;
	v1 =	vadd.f32 v1, v3  }
.Ltmp4:
0x176: {  	v3 =	vmul.f32 v57, v18;
	v6 =	vadd.f32 v6, v7;
	v7 =	vadd.f32 v15, v14;
	(pc) =	sbr.rel @p0 .LBB2_8-.Ltmp4, $4  }
0x177: {  	v0 =	vmul.f32 v60, v13;
	v2 =	vadd.f32 v24, v2;
	v1 =	vadd.f32 v30, v1  }
0x178: {  	v12 =	vmul.f32 v62, v13;
	v3 =	vadd.f32 v3, v6;
	v14 =	vadd.f32 v63, v7  }
0x179: {  	v7 =	vadd.f32 v4, v2;
	v6 =	vadd.f32 v5, v1  }
0x17a: {  	v5 =	vadd.f32 v0, v3;
	v4 =	vadd.f32 v12, v14  }
.Ltmp5:
0x17b: {  	(pc) =	sbr.rel .LBB2_2-.Ltmp5, $4  }
0x17c: {  	s1 =	sadd.s32 s8, s22  }
0x17d: {  	s1 =	sshrl.u32 s1, $0x3  }
0x17e: {  	s20 =	sadd.s32 $0x1, s20;
	s1 =	sadd.s32 s0, s1  }
0x17f: {  	[tilespmem:s15], [sflag:$0x2] =	stream.strided.gather [hbm4b:s1+s12], $0x4000, s13, s12, $0x38;
	[tilespmem:$0xC080] =	vst v63  }
.LBB2_9:
0x180: {  	_ =	sfence.sel $0x180000  }
0x181: {  	[bflag:$0x0] =	sbarrier.arrive $0xFFFF  }
0x182: {  	_ =	strace $0x90000047  }
0x183: {  	s0 =	stileid.u32;
	[bflag:$0x2] =	sbarrier.arrive $0xFFFF  }
0x184: {  	p0 =	sne.s32 s0, $0x0;
	s0 =	rddreg [dreg:$0x3]  }
0x185: {  	s0 =	sadd.s32 @!p0 $0x100000, s0  }
0x186: {  	[sflag:s0] =	ssyncadd.tile.s32 @!p0 $0x1;
	_ =	shalt  }
.Lfunc_end2:
_tile_overlayer_lowered:
.L_overlay_start_2:
0x187: {  	(tag) =	ssettag $0x2  }
0x188: {  	s0 =	rddreg [dreg:$0x0];
	s2 =	stileid.u32  }
0x189: {  	s1 =	rddreg [dreg:$0x1];
	p0 =	sne.s32 s2, $0x0  }
0x18a: {  	s3 =	rddreg [dreg:$0x2];
	[bflag:$0x3] =	sbarrier.arrive $0xFFFF;
	s2 =	simm.s32 @!p0 $0x1C03  }
0x18b: {  	[timem:s3], [sflag:s2] =	dma.local @!p0 [hbm:s0], s1  }
0x18c: {  	s0 =	simm.s32 @!p0 $0x3  }
0x18d: {  	_ =	swait.ge @!p0 [sflag:s0], s1  }
0x18e: {  	s1 =	ssub.s32 @!p0 $0x0, s1;
	[sflag:s0] =	ssyncset.done @!p0 $0x0  }
0x18f: {  	[sflag:s0] =	ssyncadd.s32 @!p0 s1  }
0x190: {  	[bflag:$0x3] =	sbarrier.arrive $0xFFFF  }
0x191: {  	_ =	shalt  }

</sc_bundles>
